<compile_context>
chip_gen: v7x
topology: tpu7x:2x2x1
jax: 0.10.2.dev20260603
libtpu: 0.0.44.dev20260713+nightly
codegen_flags: <defaults>
</compile_context>

<pallas_src>
import functools

import jax
import jax.numpy as jnp
from jax import lax
from jax.experimental import pallas as pl
from jax.experimental.pallas import tpu as pltpu
from jax.experimental.pallas import tpu_sc as plsc

N = 10000
D_IN = 128
HID = 16
NUM_CLASSES = 16

NPAD = 10240
R = 1280
G = NPAD // R
NC = 2
NS = 16
NW = NC * NS
CH = 128
SL = 8
RPT = NPAD // NS

_mesh = plsc.VectorSubcoreMesh(core_axis_name="c", subcore_axis_name="s")



def _sc_degree(col2d, ones_v, zeros_n, kchunks):

  @functools.partial(
      pl.kernel,
      out_type=(jax.ShapeDtypeStruct((NPAD,), jnp.float32),
                jax.ShapeDtypeStruct((NPAD,), jnp.float32)),
      mesh=_mesh,
      compiler_params=pltpu.CompilerParams(use_tc_tiling_on_sc=False),
      scratch_types=[
          pltpu.VMEM((kchunks * CH,), jnp.int32),
          pltpu.VMEM((kchunks * CH,), jnp.float32),
          pltpu.VMEM_SHARED((NPAD,), jnp.float32),
          pltpu.SemaphoreType.DMA,
      ],
  )
  def k(col_hbm, ones_hbm, zeros_hbm, out0, out1, colv, onesv, acc, sem):
    c = lax.axis_index("c")
    s = lax.axis_index("s")
    tid = c * NS + s
    ec = kchunks * CH
    pltpu.sync_copy(zeros_hbm.at[pl.ds(s * RPT, RPT)],
                    acc.at[pl.ds(s * RPT, RPT)])
    pltpu.sync_copy(col_hbm.at[pl.ds(tid * ec, ec)], colv)
    pltpu.sync_copy(ones_hbm, onesv)
    plsc.subcore_barrier()

    pltpu.sync_copy(onesv, acc.at[colv], add=True)
    plsc.subcore_barrier()

    @pl.when(c == 0)
    def _():
      pltpu.sync_copy(acc.at[pl.ds(s * RPT, RPT)], out0.at[pl.ds(s * RPT, RPT)])

    @pl.when(c == 1)
    def _():
      pltpu.sync_copy(acc.at[pl.ds(s * RPT, RPT)], out1.at[pl.ds(s * RPT, RPT)])

  return k(col2d, ones_v, zeros_n)


def _sc_scatter(hs, row2d, col2d, zeros_nh, kchunks):

  @functools.partial(
      pl.kernel,
      out_type=(jax.ShapeDtypeStruct((NPAD, HID), jnp.float32),
                jax.ShapeDtypeStruct((NPAD, HID), jnp.float32)),
      mesh=_mesh,
      compiler_params=pltpu.CompilerParams(use_tc_tiling_on_sc=False),
      scratch_types=[
          pltpu.VMEM((kchunks * CH,), jnp.int32),
          pltpu.VMEM((kchunks * CH,), jnp.int32),
          [pltpu.VMEM((SL * CH, HID), jnp.float32)] * 2,
          pltpu.VMEM_SHARED((NPAD, HID), jnp.float32),
          [pltpu.SemaphoreType.DMA] * 2,
      ],
  )
  def k(hs_hbm, row_hbm, col_hbm, zeros_hbm, out0, out1,
        rowv, colv, bufs, acc, gsems):
    c = lax.axis_index("c")
    s = lax.axis_index("s")
    tid = c * NS + s
    ec = kchunks * CH
    sle = SL * CH
    pltpu.sync_copy(zeros_hbm.at[pl.ds(s * RPT, RPT)],
                    acc.at[pl.ds(s * RPT, RPT)])
    pltpu.sync_copy(row_hbm.at[pl.ds(tid * ec, ec)], rowv)
    pltpu.sync_copy(col_hbm.at[pl.ds(tid * ec, ec)], colv)
    plsc.subcore_barrier()

    nsl = kchunks // SL
    pltpu.async_copy(hs_hbm.at[rowv.at[pl.ds(0, sle)]], bufs[0], gsems[0])
    for i in range(nsl):
      b = i % 2
      if i + 1 < nsl:
        pltpu.async_copy(hs_hbm.at[rowv.at[pl.ds((i + 1) * sle, sle)]],
                         bufs[1 - b], gsems[1 - b])
      pltpu.make_async_copy(hs_hbm.at[rowv.at[pl.ds(i * sle, sle)]],
                            bufs[b], gsems[b]).wait()
      pltpu.sync_copy(bufs[b], acc.at[colv.at[pl.ds(i * sle, sle)]], add=True)
    plsc.subcore_barrier()

    @pl.when(c == 0)
    def _():
      pltpu.sync_copy(acc.at[pl.ds(s * RPT, RPT)], out0.at[pl.ds(s * RPT, RPT)])

    @pl.when(c == 1)
    def _():
      pltpu.sync_copy(acc.at[pl.ds(s * RPT, RPT)], out1.at[pl.ds(s * RPT, RPT)])

  return k(hs, row2d, col2d, zeros_nh)



def _rowspec(cols):
  return pl.BlockSpec((R, cols), lambda i: (i, 0))


def _full(shape):
  return pl.BlockSpec(shape, lambda i: tuple(0 for _ in shape))


def _tc_conv1(x_pad, W1, dega, degb):
  def body(x_ref, w_ref, da, db, dis_ref, hs_ref):
    xw = jnp.dot(x_ref[...], w_ref[...], preferred_element_type=jnp.float32)
    deg = da[...] + db[...] + 1.0
    dis = lax.rsqrt(deg)
    dis_ref[...] = jnp.broadcast_to(dis, (R, HID))
    hs_ref[...] = xw * dis

  return pl.pallas_call(
      body, grid=(G,),
      in_specs=[_rowspec(D_IN), _full((D_IN, HID)), _rowspec(1), _rowspec(1)],
      out_specs=[_rowspec(HID), _rowspec(HID)],
      out_shape=[jax.ShapeDtypeStruct((NPAD, HID), jnp.float32),
                 jax.ShapeDtypeStruct((NPAD, HID), jnp.float32)],
  )(x_pad, W1, dega, degb)


def _tc_conv2(s1a, s1b, hs1, dis, b1, W2):
  def body(sa, sb, hs_ref, dis_ref, b_ref, w_ref, x1_ref, hs2_ref):
    d = dis_ref[...]
    x1 = jax.nn.relu(d * (sa[...] + sb[...] + hs_ref[...]) + b_ref[0:1, :])
    x1_ref[...] = x1
    hs2_ref[...] = d * jnp.dot(x1, w_ref[...],
                               preferred_element_type=jnp.float32)

  return pl.pallas_call(
      body, grid=(G,),
      in_specs=[_rowspec(HID)] * 4 + [_full((8, HID)), _full((HID, HID))],
      out_specs=[_rowspec(HID), _rowspec(HID)],
      out_shape=[jax.ShapeDtypeStruct((NPAD, HID), jnp.float32),
                 jax.ShapeDtypeStruct((NPAD, HID), jnp.float32)],
  )(s1a, s1b, hs1, dis, b1, W2)


def _tc_jk(s2a, s2b, hs2, dis, b2, x1,
           WihfT, WhhfT, bf, WihbT, WhhbT, bb, WattT):
  def lstm_step(x, h, c, WiT, WhT, b):
    gates = jnp.dot(x, WiT, preferred_element_type=jnp.float32) + b
    if h is not None:
      gates = gates + jnp.dot(h, WhT, preferred_element_type=jnp.float32)
    i, f, g, o = jnp.split(gates, 4, axis=-1)
    cn = jax.nn.sigmoid(i) * jnp.tanh(g)
    if c is not None:
      cn = cn + jax.nn.sigmoid(f) * c
    hn = jax.nn.sigmoid(o) * jnp.tanh(cn)
    return hn, cn

  def body(sa, sb, hs_ref, dis_ref, b2_ref, x1_ref,
           wifT, whfT, bf_ref, wibT, whbT, bb_ref, wattT, hs3_ref):
    d = dis_ref[...]
    x1 = x1_ref[...]
    x2 = jax.nn.relu(d * (sa[...] + sb[...] + hs_ref[...]) + b2_ref[0:1, :])
    bfv = bf_ref[0:1, :]
    bbv = bb_ref[0:1, :]
    hf1, cf1 = lstm_step(x1, None, None, wifT[...], None, bfv)
    hf2, _ = lstm_step(x2, hf1, cf1, wifT[...], whfT[...], bfv)
    hb2, cb2 = lstm_step(x2, None, None, wibT[...], None, bbv)
    hb1, _ = lstm_step(x1, hb2, cb2, wibT[...], whbT[...], bbv)
    w = wattT[...]
    s0 = jnp.dot(jnp.concatenate([hf1, hb1], 1), w,
                 preferred_element_type=jnp.float32)
    s1 = jnp.dot(jnp.concatenate([hf2, hb2], 1), w,
                 preferred_element_type=jnp.float32)
    m = jnp.maximum(s0, s1)
    e0 = jnp.exp(s0 - m)
    e1 = jnp.exp(s1 - m)
    xjk = (e0 * x1 + e1 * x2) / (e0 + e1)
    hs3_ref[...] = d * xjk

  return pl.pallas_call(
      body, grid=(G,),
      in_specs=[_rowspec(HID)] * 4 + [_full((8, HID)), _rowspec(HID),
                _full((HID, 128)), _full((2 * HID, 128)), _full((8, 128)),
                _full((HID, 128)), _full((2 * HID, 128)), _full((8, 128)),
                _full((4 * HID, HID))],
      out_specs=_rowspec(HID),
      out_shape=jax.ShapeDtypeStruct((NPAD, HID), jnp.float32),
  )(s2a, s2b, hs2, dis, b2, x1, WihfT, WhhfT, bf, WihbT, WhhbT, bb, WattT)


def _tc_final(s3a, s3b, hs3, dis, Wlin, blin):
  def body(sa, sb, hs_ref, dis_ref, w_ref, b_ref, o_ref):
    xprop = dis_ref[...] * (sa[...] + sb[...] + hs_ref[...])
    z = jnp.dot(xprop, w_ref[...],
                preferred_element_type=jnp.float32) + b_ref[0:1, :]
    m = jnp.max(z, axis=1, keepdims=True)
    ez = jnp.exp(z - m)
    o_ref[...] = z - m - jnp.log(jnp.sum(ez, axis=1, keepdims=True))

  return pl.pallas_call(
      body, grid=(G,),
      in_specs=[_rowspec(HID)] * 4 + [_full((HID, NUM_CLASSES)),
                _full((8, NUM_CLASSES))],
      out_specs=_rowspec(NUM_CLASSES),
      out_shape=jax.ShapeDtypeStruct((NPAD, NUM_CLASSES), jnp.float32),
  )(s3a, s3b, hs3, dis, Wlin, blin)



def kernel(x, edge_index, W1, b1, W2, b2, Wih_f, Whh_f, bih_f, bhh_f,
           Wih_b, Whh_b, bih_b, bhh_b, Watt, batt, Wlin, blin):
  E = edge_index.shape[1]
  kchunks = -(-E // (NW * CH * 8)) * 8
  EP = kchunks * NW * CH

  row = edge_index[0].astype(jnp.int32)
  col = edge_index[1].astype(jnp.int32)
  pad = jnp.full((EP - E,), N, jnp.int32)
  row1d = jnp.concatenate([row, pad])
  col1d = jnp.concatenate([col, pad])

  x_pad = jnp.zeros((NPAD, D_IN), jnp.float32).at[:N].set(x)
  zeros_n = jnp.zeros((NPAD,), jnp.float32)
  zeros_nh = jnp.zeros((NPAD, HID), jnp.float32)
  ones_v = None

  b1b = jnp.broadcast_to(b1[None, :], (8, HID))
  b2b = jnp.broadcast_to(b2[None, :], (8, HID))
  bfb = jnp.broadcast_to((bih_f + bhh_f)[None, :], (8, 128))
  bbb = jnp.broadcast_to((bih_b + bhh_b)[None, :], (8, 128))
  WattT = jnp.broadcast_to(Watt.T, (4 * HID, HID))
  blinb = jnp.broadcast_to(blin[None, :], (8, NUM_CLASSES))

  ones1d = jnp.ones((kchunks * CH,), jnp.float32)
  dega, degb = _sc_degree(col1d, ones1d, zeros_n, kchunks)
  dis, hs1 = _tc_conv1(x_pad, W1, dega[:, None], degb[:, None])

  s1a, s1b = _sc_scatter(hs1, row1d, col1d, zeros_nh, kchunks)
  x1, hs2 = _tc_conv2(s1a, s1b, hs1, dis, b1b, W2)

  s2a, s2b = _sc_scatter(hs2, row1d, col1d, zeros_nh, kchunks)
  hs3 = _tc_jk(s2a, s2b, hs2, dis, b2b, x1,
               Wih_f.T, Whh_f.T, bfb, Wih_b.T, Whh_b.T, bbb, WattT)

  s3a, s3b = _sc_scatter(hs3, row1d, col1d, zeros_nh, kchunks)
  out = _tc_final(s3a, s3b, hs3, dis, Wlin, blinb)
  return out[:N]

# --- scband reference (transcript-rebuilt; emitter-appended) ---
"""Pipeline reference for scband-gcn-jknet-40776419508294 (READ-ONLY COPY).

The authoritative reference and input builder live on the scoring server;
editing this copy changes nothing except your own understanding.
"""

import jax, jax.numpy as jnp
import numpy as np

N = 10000
E = 320000
D_IN = 128
HID = 16
NUM_CLASSES = 16
LSTM_H = 32  # PyG JumpingKnowledge(mode='lstm', channels=16, num_layers=4): hidden = (4*16)//2


def setup_inputs(seed: int = 0):
    key = jax.random.key(seed)
    ks = jax.random.split(key, 20)

    def p(i, shape, scale=0.1):
        return jax.random.normal(ks[i], shape, dtype=jnp.float32) * scale

    inp = {}
    inp["x"] = jax.random.normal(ks[0], (N, D_IN), dtype=jnp.float32)
    inp["edge_index"] = jax.random.randint(ks[1], (2, E), 0, N)
    inp["W1"] = p(2, (D_IN, HID))
    inp["b1"] = jnp.zeros((HID,), jnp.float32)
    inp["W2"] = p(3, (HID, HID))
    inp["b2"] = jnp.zeros((HID,), jnp.float32)
    inp["Wih_f"] = p(4, (4 * LSTM_H, HID))
    inp["Whh_f"] = p(5, (4 * LSTM_H, LSTM_H))
    inp["bih_f"] = jnp.zeros((4 * LSTM_H,), jnp.float32)
    inp["bhh_f"] = jnp.zeros((4 * LSTM_H,), jnp.float32)
    inp["Wih_b"] = p(6, (4 * LSTM_H, HID))
    inp["Whh_b"] = p(7, (4 * LSTM_H, LSTM_H))
    inp["bih_b"] = jnp.zeros((4 * LSTM_H,), jnp.float32)
    inp["bhh_b"] = jnp.zeros((4 * LSTM_H,), jnp.float32)
    inp["Watt"] = p(8, (1, 2 * LSTM_H))
    inp["batt"] = jnp.zeros((1,), jnp.float32)
    inp["Wlin"] = p(9, (HID, NUM_CLASSES))
    inp["blin"] = jnp.zeros((NUM_CLASSES,), jnp.float32)
    return inp


def _gcn_norm(edge_index, num_nodes):
    # add self loops + symmetric normalization (GCNConv / APPNP default)
    loop = jnp.arange(num_nodes, dtype=edge_index.dtype)
    row = jnp.concatenate([edge_index[0], loop])
    col = jnp.concatenate([edge_index[1], loop])
    deg = jax.ops.segment_sum(jnp.ones(row.shape[0], jnp.float32), col, num_segments=num_nodes)
    dis = jnp.where(deg > 0, jax.lax.rsqrt(jnp.maximum(deg, 1e-12)), 0.0)
    norm = dis[row] * dis[col]
    return row, col, norm


def _propagate(h, row, col, norm, num_nodes):
    msg = h[row] * norm[:, None]
    return jax.ops.segment_sum(msg, col, num_segments=num_nodes)


def _lstm(seq, Wih, Whh, bih, bhh, reverse):
    # seq: [L, N, C]; PyTorch gate order i, f, g, o
    def step(carry, xt):
        h, c = carry
        gates = xt @ Wih.T + h @ Whh.T + bih + bhh
        i, f, g, o = jnp.split(gates, 4, axis=-1)
        c = jax.nn.sigmoid(f) * c + jax.nn.sigmoid(i) * jnp.tanh(g)
        h = jax.nn.sigmoid(o) * jnp.tanh(c)
        return (h, c), h
    h0 = jnp.zeros((seq.shape[1], Whh.shape[1]), seq.dtype)
    _, hs = jax.lax.scan(step, (h0, h0), seq, reverse=reverse)
    return hs


def reference(x, edge_index, W1, b1, W2, b2, Wih_f, Whh_f, bih_f, bhh_f,
              Wih_b, Whh_b, bih_b, bhh_b, Watt, batt, Wlin, blin):
    num_nodes = x.shape[0]
    row, col, norm = _gcn_norm(edge_index, num_nodes)
    # conv1 + relu (dropout is identity in eval mode)
    x1 = jax.nn.relu(_propagate(x @ W1, row, col, norm, num_nodes) + b1)
    # conv2 + relu
    x2 = jax.nn.relu(_propagate(x1 @ W2, row, col, norm, num_nodes) + b2)
    # JumpingKnowledge (lstm mode): bidirectional LSTM over layer dim + attention
    seq = jnp.stack([x1, x2], axis=0)  # [L=2, N, HID]
    hf = _lstm(seq, Wih_f, Whh_f, bih_f, bhh_f, False)
    hb = _lstm(seq, Wih_b, Whh_b, bih_b, bhh_b, True)
    hcat = jnp.concatenate([hf, hb], axis=-1)  # [L, N, 2*LSTM_H]
    scores = (hcat @ Watt.T + batt)[..., 0]  # [L, N]
    alpha = jax.nn.softmax(scores, axis=0)
    xjk = jnp.sum(seq * alpha[..., None], axis=0)  # [N, HID]
    # APPNP(K=1, alpha=0): one pure propagation step
    xprop = _propagate(xjk, row, col, norm, num_nodes)
    logits = xprop @ Wlin + blin
    return jax.nn.log_softmax(logits, axis=1)

if __name__ == "__main__":
    import jax
    _d = setup_inputs()
    print(jax.jit(kernel)(*tuple(_d.values())))

</pallas_src>

<mosaic_0001>
#map = affine_map<(d0, d1) -> (0, 0)>
#map1 = affine_map<(d0, d1) -> (0)>
module attributes {stable_mosaic.version = 14 : i64} {
  func.func @k(%arg0: i32, %arg1: i32, %arg2: memref<10240x16xf32, #tpu.memory_space<hbm>>, %arg3: memref<327680xi32, #tpu.memory_space<hbm>>, %arg4: memref<327680xi32, #tpu.memory_space<hbm>>, %arg5: memref<10240x16xf32, #tpu.memory_space<hbm>>, %arg6: memref<10240x16xf32, #tpu.memory_space<hbm>>, %arg7: memref<10240x16xf32, #tpu.memory_space<hbm>>, %arg8: memref<10240xi32, #tpu.memory_space<vmem>>, %arg9: memref<10240xi32, #tpu.memory_space<vmem>>, %arg10: memref<1024x16xf32, #tpu.memory_space<vmem>>, %arg11: memref<1024x16xf32, #tpu.memory_space<vmem>>, %arg12: memref<10240x16xf32, #tpu.memory_space<vmem_shared>>, %arg13: memref<!tpu.dma_semaphore, #tpu.memory_space<semaphore_mem>>, %arg14: memref<!tpu.dma_semaphore, #tpu.memory_space<semaphore_mem>>) attributes {dimension_semantics = [#tpu.dimension_semantics<core_parallel>, #tpu.dimension_semantics<subcore_parallel>], iteration_bounds = array<i64: 2, 16>, scalar_prefetch = 0 : i64, scratch_operands = 7 : i64, tpu.core_type = #tpu.core_type<sc_vector_subcore>, window_params = [{transform_indices = #map}, {transform_indices = #map1}, {transform_indices = #map1}, {transform_indices = #map}, {transform_indices = #map}, {transform_indices = #map}]} {
    %mul3A = arith.constant 16 : i32
    %mul3A_0 = arith.muli %arg0, %mul3A : i32
    %add3A = arith.addi %mul3A_0, %arg1 : i32
    %mul3A_1 = arith.constant 640 : i32
    %mul3A_2 = arith.muli %arg1, %mul3A_1 : i32
    %mul3A_3 = arith.constant 640 : i32
    %mul3A_4 = arith.muli %arg1, %mul3A_3 : i32
    "tpu.region"() ({
      %run_scoped3A = tpu.sem_alloc : memref<!tpu.dma_semaphore, #tpu.memory_space<semaphore_mem>>
      %dma_start3A_115 = arith.constant 0 : i32
      %dma_start3A_116 = tpu.memref_slice %arg12[%mul3A_4, %dma_start3A_115] : memref<10240x16xf32, #tpu.memory_space<vmem_shared>> -> memref<640x16xf32, #tpu.memory_space<vmem_shared>>
      %dma_start3A_117 = arith.constant 0 : i32
      %dma_start3A_118 = tpu.memref_slice %arg5[%mul3A_2, %dma_start3A_117] : memref<10240x16xf32, #tpu.memory_space<hbm>> -> memref<640x16xf32, #tpu.memory_space<hbm>>
      tpu.enqueue_dma source(%dma_start3A_118 : memref<640x16xf32, #tpu.memory_space<hbm>>) target(%dma_start3A_116 : memref<640x16xf32, #tpu.memory_space<vmem_shared>>) target_semaphore(%run_scoped3A : memref<!tpu.dma_semaphore, #tpu.memory_space<semaphore_mem>>)
      %dma_wait3A_119 = arith.constant 0 : i32
      %dma_wait3A_120 = tpu.memref_slice %arg12[%mul3A_4, %dma_wait3A_119] : memref<10240x16xf32, #tpu.memory_space<vmem_shared>> -> memref<640x16xf32, #tpu.memory_space<vmem_shared>>
      %dma_wait3A_121 = arith.constant 0 : i32
      %dma_wait3A_122 = tpu.memref_slice %arg5[%mul3A_2, %dma_wait3A_121] : memref<10240x16xf32, #tpu.memory_space<hbm>> -> memref<640x16xf32, #tpu.memory_space<hbm>>
      tpu.wait_dma2 semaphore(%run_scoped3A : memref<!tpu.dma_semaphore, #tpu.memory_space<semaphore_mem>>) src(%dma_wait3A_122 : memref<640x16xf32, #tpu.memory_space<hbm>>) dst(%dma_wait3A_120 : memref<640x16xf32, #tpu.memory_space<vmem_shared>>)
      tpu.yield
    }) : () -> ()
    %mul3A_5 = arith.constant 10240 : i32
    %mul3A_6 = arith.muli %add3A, %mul3A_5 : i32
    "tpu.region"() ({
      %run_scoped3A = tpu.sem_alloc : memref<!tpu.dma_semaphore, #tpu.memory_space<semaphore_mem>>
      %dma_start3A_115 = tpu.memref_slice %arg3[%mul3A_6] : memref<327680xi32, #tpu.memory_space<hbm>> -> memref<10240xi32, #tpu.memory_space<hbm>>
      %dma_start3A_116 = tpu.memref_slice %arg3[%mul3A_6] : memref<327680xi32, #tpu.memory_space<hbm>> -> memref<10240xi32, #tpu.memory_space<hbm>>
      tpu.enqueue_dma source(%dma_start3A_116 : memref<10240xi32, #tpu.memory_space<hbm>>) target(%arg8 : memref<10240xi32, #tpu.memory_space<vmem>>) target_semaphore(%run_scoped3A : memref<!tpu.dma_semaphore, #tpu.memory_space<semaphore_mem>>)
      %dma_wait3A_117 = tpu.memref_slice %arg3[%mul3A_6] : memref<327680xi32, #tpu.memory_space<hbm>> -> memref<10240xi32, #tpu.memory_space<hbm>>
      %dma_wait3A_118 = tpu.memref_slice %arg3[%mul3A_6] : memref<327680xi32, #tpu.memory_space<hbm>> -> memref<10240xi32, #tpu.memory_space<hbm>>
      tpu.wait_dma2 semaphore(%run_scoped3A : memref<!tpu.dma_semaphore, #tpu.memory_space<semaphore_mem>>) src(%dma_wait3A_118 : memref<10240xi32, #tpu.memory_space<hbm>>) dst(%arg8 : memref<10240xi32, #tpu.memory_space<vmem>>)
      tpu.yield
    }) : () -> ()
    %mul3A_7 = arith.constant 10240 : i32
    %mul3A_8 = arith.muli %add3A, %mul3A_7 : i32
    "tpu.region"() ({
      %run_scoped3A = tpu.sem_alloc : memref<!tpu.dma_semaphore, #tpu.memory_space<semaphore_mem>>
      %dma_start3A_115 = tpu.memref_slice %arg4[%mul3A_8] : memref<327680xi32, #tpu.memory_space<hbm>> -> memref<10240xi32, #tpu.memory_space<hbm>>
      %dma_start3A_116 = tpu.memref_slice %arg4[%mul3A_8] : memref<327680xi32, #tpu.memory_space<hbm>> -> memref<10240xi32, #tpu.memory_space<hbm>>
      tpu.enqueue_dma source(%dma_start3A_116 : memref<10240xi32, #tpu.memory_space<hbm>>) target(%arg9 : memref<10240xi32, #tpu.memory_space<vmem>>) target_semaphore(%run_scoped3A : memref<!tpu.dma_semaphore, #tpu.memory_space<semaphore_mem>>)
      %dma_wait3A_117 = tpu.memref_slice %arg4[%mul3A_8] : memref<327680xi32, #tpu.memory_space<hbm>> -> memref<10240xi32, #tpu.memory_space<hbm>>
      %dma_wait3A_118 = tpu.memref_slice %arg4[%mul3A_8] : memref<327680xi32, #tpu.memory_space<hbm>> -> memref<10240xi32, #tpu.memory_space<hbm>>
      tpu.wait_dma2 semaphore(%run_scoped3A : memref<!tpu.dma_semaphore, #tpu.memory_space<semaphore_mem>>) src(%dma_wait3A_118 : memref<10240xi32, #tpu.memory_space<hbm>>) dst(%arg9 : memref<10240xi32, #tpu.memory_space<vmem>>)
      tpu.yield
    }) : () -> ()
    %barrier3A = arith.constant 0 : index
    tpu.barrier barrier_id(%barrier3A)
    %dma_start3A = arith.constant 0 : i32
    %dma_start3A_9 = tpu.memref_slice %arg8[%dma_start3A] : memref<10240xi32, #tpu.memory_space<vmem>> -> memref<1024xi32, #tpu.memory_space<vmem>>
    %dma_start3A_10 = arith.constant 0 : i32
    %dma_start3A_11 = arith.constant 0 : i32
    %dma_start3A_12 = tpu.memref_slice %arg2[%dma_start3A_10, %dma_start3A_11] : memref<10240x16xf32, #tpu.memory_space<hbm>> -> memref<10240x16xf32, #tpu.memory_space<hbm>>
    tpu.enqueue_indirect_dma source(%dma_start3A_12 : memref<10240x16xf32, #tpu.memory_space<hbm>>) target(%arg10 : memref<1024x16xf32, #tpu.memory_space<vmem>>) offsets(%dma_start3A_9 : memref<1024xi32, #tpu.memory_space<vmem>>) semaphore(%arg13 : memref<!tpu.dma_semaphore, #tpu.memory_space<semaphore_mem>>)
    %dma_start3A_13 = arith.constant 1024 : i32
    %dma_start3A_14 = tpu.memref_slice %arg8[%dma_start3A_13] : memref<10240xi32, #tpu.memory_space<vmem>> -> memref<1024xi32, #tpu.memory_space<vmem>>
    %dma_start3A_15 = arith.constant 0 : i32
    %dma_start3A_16 = arith.constant 0 : i32
    %dma_start3A_17 = tpu.memref_slice %arg2[%dma_start3A_15, %dma_start3A_16] : memref<10240x16xf32, #tpu.memory_space<hbm>> -> memref<10240x16xf32, #tpu.memory_space<hbm>>
    tpu.enqueue_indirect_dma source(%dma_start3A_17 : memref<10240x16xf32, #tpu.memory_space<hbm>>) target(%arg11 : memref<1024x16xf32, #tpu.memory_space<vmem>>) offsets(%dma_start3A_14 : memref<1024xi32, #tpu.memory_space<vmem>>) semaphore(%arg14 : memref<!tpu.dma_semaphore, #tpu.memory_space<semaphore_mem>>)
    %dma_wait3A = arith.constant 0 : i32
    %dma_wait3A_18 = tpu.memref_slice %arg8[%dma_wait3A] : memref<10240xi32, #tpu.memory_space<vmem>> -> memref<1024xi32, #tpu.memory_space<vmem>>
    %dma_wait3A_19 = arith.constant 0 : i32
    %dma_wait3A_20 = arith.constant 0 : i32
    %dma_wait3A_21 = tpu.memref_slice %arg2[%dma_wait3A_19, %dma_wait3A_20] : memref<10240x16xf32, #tpu.memory_space<hbm>> -> memref<10240x16xf32, #tpu.memory_space<hbm>>
    tpu.wait_indirect_dma semaphore(%arg13 : memref<!tpu.dma_semaphore, #tpu.memory_space<semaphore_mem>>) src(%dma_wait3A_21 : memref<10240x16xf32, #tpu.memory_space<hbm>>) dst(%arg10 : memref<1024x16xf32, #tpu.memory_space<vmem>>)
    "tpu.region"() ({
      %run_scoped3A = tpu.sem_alloc : memref<!tpu.dma_semaphore, #tpu.memory_space<semaphore_mem>>
      %dma_start3A_115 = arith.constant 0 : i32
      %dma_start3A_116 = tpu.memref_slice %arg9[%dma_start3A_115] : memref<10240xi32, #tpu.memory_space<vmem>> -> memref<1024xi32, #tpu.memory_space<vmem>>
      %dma_start3A_117 = arith.constant 0 : i32
      %dma_start3A_118 = arith.constant 0 : i32
      %dma_start3A_119 = tpu.memref_slice %arg12[%dma_start3A_117, %dma_start3A_118] : memref<10240x16xf32, #tpu.memory_space<vmem_shared>> -> memref<10240x16xf32, #tpu.memory_space<vmem_shared>>
      tpu.enqueue_indirect_dma source(%arg10 : memref<1024x16xf32, #tpu.memory_space<vmem>>) target(%dma_start3A_119 : memref<10240x16xf32, #tpu.memory_space<vmem_shared>>) offsets(%dma_start3A_116 : memref<1024xi32, #tpu.memory_space<vmem>>) semaphore(%run_scoped3A : memref<!tpu.dma_semaphore, #tpu.memory_space<semaphore_mem>>) {add = true}
      %dma_wait3A_120 = arith.constant 0 : i32
      %dma_wait3A_121 = tpu.memref_slice %arg9[%dma_wait3A_120] : memref<10240xi32, #tpu.memory_space<vmem>> -> memref<1024xi32, #tpu.memory_space<vmem>>
      %dma_wait3A_122 = arith.constant 0 : i32
      %dma_wait3A_123 = arith.constant 0 : i32
      %dma_wait3A_124 = tpu.memref_slice %arg12[%dma_wait3A_122, %dma_wait3A_123] : memref<10240x16xf32, #tpu.memory_space<vmem_shared>> -> memref<10240x16xf32, #tpu.memory_space<vmem_shared>>
      tpu.wait_indirect_dma semaphore(%run_scoped3A : memref<!tpu.dma_semaphore, #tpu.memory_space<semaphore_mem>>) src(%arg10 : memref<1024x16xf32, #tpu.memory_space<vmem>>) dst(%dma_wait3A_124 : memref<10240x16xf32, #tpu.memory_space<vmem_shared>>)
      tpu.yield
    }) : () -> ()
    %dma_start3A_22 = arith.constant 2048 : i32
    %dma_start3A_23 = tpu.memref_slice %arg8[%dma_start3A_22] : memref<10240xi32, #tpu.memory_space<vmem>> -> memref<1024xi32, #tpu.memory_space<vmem>>
    %dma_start3A_24 = arith.constant 0 : i32
    %dma_start3A_25 = arith.constant 0 : i32
    %dma_start3A_26 = tpu.memref_slice %arg2[%dma_start3A_24, %dma_start3A_25] : memref<10240x16xf32, #tpu.memory_space<hbm>> -> memref<10240x16xf32, #tpu.memory_space<hbm>>
    tpu.enqueue_indirect_dma source(%dma_start3A_26 : memref<10240x16xf32, #tpu.memory_space<hbm>>) target(%arg10 : memref<1024x16xf32, #tpu.memory_space<vmem>>) offsets(%dma_start3A_23 : memref<1024xi32, #tpu.memory_space<vmem>>) semaphore(%arg13 : memref<!tpu.dma_semaphore, #tpu.memory_space<semaphore_mem>>)
    %dma_wait3A_27 = arith.constant 1024 : i32
    %dma_wait3A_28 = tpu.memref_slice %arg8[%dma_wait3A_27] : memref<10240xi32, #tpu.memory_space<vmem>> -> memref<1024xi32, #tpu.memory_space<vmem>>
    %dma_wait3A_29 = arith.constant 0 : i32
    %dma_wait3A_30 = arith.constant 0 : i32
    %dma_wait3A_31 = tpu.memref_slice %arg2[%dma_wait3A_29, %dma_wait3A_30] : memref<10240x16xf32, #tpu.memory_space<hbm>> -> memref<10240x16xf32, #tpu.memory_space<hbm>>
    tpu.wait_indirect_dma semaphore(%arg14 : memref<!tpu.dma_semaphore, #tpu.memory_space<semaphore_mem>>) src(%dma_wait3A_31 : memref<10240x16xf32, #tpu.memory_space<hbm>>) dst(%arg11 : memref<1024x16xf32, #tpu.memory_space<vmem>>)
    "tpu.region"() ({
      %run_scoped3A = tpu.sem_alloc : memref<!tpu.dma_semaphore, #tpu.memory_space<semaphore_mem>>
      %dma_start3A_115 = arith.constant 1024 : i32
      %dma_start3A_116 = tpu.memref_slice %arg9[%dma_start3A_115] : memref<10240xi32, #tpu.memory_space<vmem>> -> memref<1024xi32, #tpu.memory_space<vmem>>
      %dma_start3A_117 = arith.constant 0 : i32
      %dma_start3A_118 = arith.constant 0 : i32
      %dma_start3A_119 = tpu.memref_slice %arg12[%dma_start3A_117, %dma_start3A_118] : memref<10240x16xf32, #tpu.memory_space<vmem_shared>> -> memref<10240x16xf32, #tpu.memory_space<vmem_shared>>
      tpu.enqueue_indirect_dma source(%arg11 : memref<1024x16xf32, #tpu.memory_space<vmem>>) target(%dma_start3A_119 : memref<10240x16xf32, #tpu.memory_space<vmem_shared>>) offsets(%dma_start3A_116 : memref<1024xi32, #tpu.memory_space<vmem>>) semaphore(%run_scoped3A : memref<!tpu.dma_semaphore, #tpu.memory_space<semaphore_mem>>) {add = true}
      %dma_wait3A_120 = arith.constant 1024 : i32
      %dma_wait3A_121 = tpu.memref_slice %arg9[%dma_wait3A_120] : memref<10240xi32, #tpu.memory_space<vmem>> -> memref<1024xi32, #tpu.memory_space<vmem>>
      %dma_wait3A_122 = arith.constant 0 : i32
      %dma_wait3A_123 = arith.constant 0 : i32
      %dma_wait3A_124 = tpu.memref_slice %arg12[%dma_wait3A_122, %dma_wait3A_123] : memref<10240x16xf32, #tpu.memory_space<vmem_shared>> -> memref<10240x16xf32, #tpu.memory_space<vmem_shared>>
      tpu.wait_indirect_dma semaphore(%run_scoped3A : memref<!tpu.dma_semaphore, #tpu.memory_space<semaphore_mem>>) src(%arg11 : memref<1024x16xf32, #tpu.memory_space<vmem>>) dst(%dma_wait3A_124 : memref<10240x16xf32, #tpu.memory_space<vmem_shared>>)
      tpu.yield
    }) : () -> ()
    %dma_start3A_32 = arith.constant 3072 : i32
    %dma_start3A_33 = tpu.memref_slice %arg8[%dma_start3A_32] : memref<10240xi32, #tpu.memory_space<vmem>> -> memref<1024xi32, #tpu.memory_space<vmem>>
    %dma_start3A_34 = arith.constant 0 : i32
    %dma_start3A_35 = arith.constant 0 : i32
    %dma_start3A_36 = tpu.memref_slice %arg2[%dma_start3A_34, %dma_start3A_35] : memref<10240x16xf32, #tpu.memory_space<hbm>> -> memref<10240x16xf32, #tpu.memory_space<hbm>>
    tpu.enqueue_indirect_dma source(%dma_start3A_36 : memref<10240x16xf32, #tpu.memory_space<hbm>>) target(%arg11 : memref<1024x16xf32, #tpu.memory_space<vmem>>) offsets(%dma_start3A_33 : memref<1024xi32, #tpu.memory_space<vmem>>) semaphore(%arg14 : memref<!tpu.dma_semaphore, #tpu.memory_space<semaphore_mem>>)
    %dma_wait3A_37 = arith.constant 2048 : i32
    %dma_wait3A_38 = tpu.memref_slice %arg8[%dma_wait3A_37] : memref<10240xi32, #tpu.memory_space<vmem>> -> memref<1024xi32, #tpu.memory_space<vmem>>
    %dma_wait3A_39 = arith.constant 0 : i32
    %dma_wait3A_40 = arith.constant 0 : i32
    %dma_wait3A_41 = tpu.memref_slice %arg2[%dma_wait3A_39, %dma_wait3A_40] : memref<10240x16xf32, #tpu.memory_space<hbm>> -> memref<10240x16xf32, #tpu.memory_space<hbm>>
    tpu.wait_indirect_dma semaphore(%arg13 : memref<!tpu.dma_semaphore, #tpu.memory_space<semaphore_mem>>) src(%dma_wait3A_41 : memref<10240x16xf32, #tpu.memory_space<hbm>>) dst(%arg10 : memref<1024x16xf32, #tpu.memory_space<vmem>>)
    "tpu.region"() ({
      %run_scoped3A = tpu.sem_alloc : memref<!tpu.dma_semaphore, #tpu.memory_space<semaphore_mem>>
      %dma_start3A_115 = arith.constant 2048 : i32
      %dma_start3A_116 = tpu.memref_slice %arg9[%dma_start3A_115] : memref<10240xi32, #tpu.memory_space<vmem>> -> memref<1024xi32, #tpu.memory_space<vmem>>
      %dma_start3A_117 = arith.constant 0 : i32
      %dma_start3A_118 = arith.constant 0 : i32
      %dma_start3A_119 = tpu.memref_slice %arg12[%dma_start3A_117, %dma_start3A_118] : memref<10240x16xf32, #tpu.memory_space<vmem_shared>> -> memref<10240x16xf32, #tpu.memory_space<vmem_shared>>
      tpu.enqueue_indirect_dma source(%arg10 : memref<1024x16xf32, #tpu.memory_space<vmem>>) target(%dma_start3A_119 : memref<10240x16xf32, #tpu.memory_space<vmem_shared>>) offsets(%dma_start3A_116 : memref<1024xi32, #tpu.memory_space<vmem>>) semaphore(%run_scoped3A : memref<!tpu.dma_semaphore, #tpu.memory_space<semaphore_mem>>) {add = true}
      %dma_wait3A_120 = arith.constant 2048 : i32
      %dma_wait3A_121 = tpu.memref_slice %arg9[%dma_wait3A_120] : memref<10240xi32, #tpu.memory_space<vmem>> -> memref<1024xi32, #tpu.memory_space<vmem>>
      %dma_wait3A_122 = arith.constant 0 : i32
      %dma_wait3A_123 = arith.constant 0 : i32
      %dma_wait3A_124 = tpu.memref_slice %arg12[%dma_wait3A_122, %dma_wait3A_123] : memref<10240x16xf32, #tpu.memory_space<vmem_shared>> -> memref<10240x16xf32, #tpu.memory_space<vmem_shared>>
      tpu.wait_indirect_dma semaphore(%run_scoped3A : memref<!tpu.dma_semaphore, #tpu.memory_space<semaphore_mem>>) src(%arg10 : memref<1024x16xf32, #tpu.memory_space<vmem>>) dst(%dma_wait3A_124 : memref<10240x16xf32, #tpu.memory_space<vmem_shared>>)
      tpu.yield
    }) : () -> ()
    %dma_start3A_42 = arith.constant 4096 : i32
    %dma_start3A_43 = tpu.memref_slice %arg8[%dma_start3A_42] : memref<10240xi32, #tpu.memory_space<vmem>> -> memref<1024xi32, #tpu.memory_space<vmem>>
    %dma_start3A_44 = arith.constant 0 : i32
    %dma_start3A_45 = arith.constant 0 : i32
    %dma_start3A_46 = tpu.memref_slice %arg2[%dma_start3A_44, %dma_start3A_45] : memref<10240x16xf32, #tpu.memory_space<hbm>> -> memref<10240x16xf32, #tpu.memory_space<hbm>>
    tpu.enqueue_indirect_dma source(%dma_start3A_46 : memref<10240x16xf32, #tpu.memory_space<hbm>>) target(%arg10 : memref<1024x16xf32, #tpu.memory_space<vmem>>) offsets(%dma_start3A_43 : memref<1024xi32, #tpu.memory_space<vmem>>) semaphore(%arg13 : memref<!tpu.dma_semaphore, #tpu.memory_space<semaphore_mem>>)
    %dma_wait3A_47 = arith.constant 3072 : i32
    %dma_wait3A_48 = tpu.memref_slice %arg8[%dma_wait3A_47] : memref<10240xi32, #tpu.memory_space<vmem>> -> memref<1024xi32, #tpu.memory_space<vmem>>
    %dma_wait3A_49 = arith.constant 0 : i32
    %dma_wait3A_50 = arith.constant 0 : i32
    %dma_wait3A_51 = tpu.memref_slice %arg2[%dma_wait3A_49, %dma_wait3A_50] : memref<10240x16xf32, #tpu.memory_space<hbm>> -> memref<10240x16xf32, #tpu.memory_space<hbm>>
    tpu.wait_indirect_dma semaphore(%arg14 : memref<!tpu.dma_semaphore, #tpu.memory_space<semaphore_mem>>) src(%dma_wait3A_51 : memref<10240x16xf32, #tpu.memory_space<hbm>>) dst(%arg11 : memref<1024x16xf32, #tpu.memory_space<vmem>>)
    "tpu.region"() ({
      %run_scoped3A = tpu.sem_alloc : memref<!tpu.dma_semaphore, #tpu.memory_space<semaphore_mem>>
      %dma_start3A_115 = arith.constant 3072 : i32
      %dma_start3A_116 = tpu.memref_slice %arg9[%dma_start3A_115] : memref<10240xi32, #tpu.memory_space<vmem>> -> memref<1024xi32, #tpu.memory_space<vmem>>
      %dma_start3A_117 = arith.constant 0 : i32
      %dma_start3A_118 = arith.constant 0 : i32
      %dma_start3A_119 = tpu.memref_slice %arg12[%dma_start3A_117, %dma_start3A_118] : memref<10240x16xf32, #tpu.memory_space<vmem_shared>> -> memref<10240x16xf32, #tpu.memory_space<vmem_shared>>
      tpu.enqueue_indirect_dma source(%arg11 : memref<1024x16xf32, #tpu.memory_space<vmem>>) target(%dma_start3A_119 : memref<10240x16xf32, #tpu.memory_space<vmem_shared>>) offsets(%dma_start3A_116 : memref<1024xi32, #tpu.memory_space<vmem>>) semaphore(%run_scoped3A : memref<!tpu.dma_semaphore, #tpu.memory_space<semaphore_mem>>) {add = true}
      %dma_wait3A_120 = arith.constant 3072 : i32
      %dma_wait3A_121 = tpu.memref_slice %arg9[%dma_wait3A_120] : memref<10240xi32, #tpu.memory_space<vmem>> -> memref<1024xi32, #tpu.memory_space<vmem>>
      %dma_wait3A_122 = arith.constant 0 : i32
      %dma_wait3A_123 = arith.constant 0 : i32
      %dma_wait3A_124 = tpu.memref_slice %arg12[%dma_wait3A_122, %dma_wait3A_123] : memref<10240x16xf32, #tpu.memory_space<vmem_shared>> -> memref<10240x16xf32, #tpu.memory_space<vmem_shared>>
      tpu.wait_indirect_dma semaphore(%run_scoped3A : memref<!tpu.dma_semaphore, #tpu.memory_space<semaphore_mem>>) src(%arg11 : memref<1024x16xf32, #tpu.memory_space<vmem>>) dst(%dma_wait3A_124 : memref<10240x16xf32, #tpu.memory_space<vmem_shared>>)
      tpu.yield
    }) : () -> ()
    %dma_start3A_52 = arith.constant 5120 : i32
    %dma_start3A_53 = tpu.memref_slice %arg8[%dma_start3A_52] : memref<10240xi32, #tpu.memory_space<vmem>> -> memref<1024xi32, #tpu.memory_space<vmem>>
    %dma_start3A_54 = arith.constant 0 : i32
    %dma_start3A_55 = arith.constant 0 : i32
    %dma_start3A_56 = tpu.memref_slice %arg2[%dma_start3A_54, %dma_start3A_55] : memref<10240x16xf32, #tpu.memory_space<hbm>> -> memref<10240x16xf32, #tpu.memory_space<hbm>>
    tpu.enqueue_indirect_dma source(%dma_start3A_56 : memref<10240x16xf32, #tpu.memory_space<hbm>>) target(%arg11 : memref<1024x16xf32, #tpu.memory_space<vmem>>) offsets(%dma_start3A_53 : memref<1024xi32, #tpu.memory_space<vmem>>) semaphore(%arg14 : memref<!tpu.dma_semaphore, #tpu.memory_space<semaphore_mem>>)
    %dma_wait3A_57 = arith.constant 4096 : i32
    %dma_wait3A_58 = tpu.memref_slice %arg8[%dma_wait3A_57] : memref<10240xi32, #tpu.memory_space<vmem>> -> memref<1024xi32, #tpu.memory_space<vmem>>
    %dma_wait3A_59 = arith.constant 0 : i32
    %dma_wait3A_60 = arith.constant 0 : i32
    %dma_wait3A_61 = tpu.memref_slice %arg2[%dma_wait3A_59, %dma_wait3A_60] : memref<10240x16xf32, #tpu.memory_space<hbm>> -> memref<10240x16xf32, #tpu.memory_space<hbm>>
    tpu.wait_indirect_dma semaphore(%arg13 : memref<!tpu.dma_semaphore, #tpu.memory_space<semaphore_mem>>) src(%dma_wait3A_61 : memref<10240x16xf32, #tpu.memory_space<hbm>>) dst(%arg10 : memref<1024x16xf32, #tpu.memory_space<vmem>>)
    "tpu.region"() ({
      %run_scoped3A = tpu.sem_alloc : memref<!tpu.dma_semaphore, #tpu.memory_space<semaphore_mem>>
      %dma_start3A_115 = arith.constant 4096 : i32
      %dma_start3A_116 = tpu.memref_slice %arg9[%dma_start3A_115] : memref<10240xi32, #tpu.memory_space<vmem>> -> memref<1024xi32, #tpu.memory_space<vmem>>
      %dma_start3A_117 = arith.constant 0 : i32
      %dma_start3A_118 = arith.constant 0 : i32
      %dma_start3A_119 = tpu.memref_slice %arg12[%dma_start3A_117, %dma_start3A_118] : memref<10240x16xf32, #tpu.memory_space<vmem_shared>> -> memref<10240x16xf32, #tpu.memory_space<vmem_shared>>
      tpu.enqueue_indirect_dma source(%arg10 : memref<1024x16xf32, #tpu.memory_space<vmem>>) target(%dma_start3A_119 : memref<10240x16xf32, #tpu.memory_space<vmem_shared>>) offsets(%dma_start3A_116 : memref<1024xi32, #tpu.memory_space<vmem>>) semaphore(%run_scoped3A : memref<!tpu.dma_semaphore, #tpu.memory_space<semaphore_mem>>) {add = true}
      %dma_wait3A_120 = arith.constant 4096 : i32
      %dma_wait3A_121 = tpu.memref_slice %arg9[%dma_wait3A_120] : memref<10240xi32, #tpu.memory_space<vmem>> -> memref<1024xi32, #tpu.memory_space<vmem>>
      %dma_wait3A_122 = arith.constant 0 : i32
      %dma_wait3A_123 = arith.constant 0 : i32
      %dma_wait3A_124 = tpu.memref_slice %arg12[%dma_wait3A_122, %dma_wait3A_123] : memref<10240x16xf32, #tpu.memory_space<vmem_shared>> -> memref<10240x16xf32, #tpu.memory_space<vmem_shared>>
      tpu.wait_indirect_dma semaphore(%run_scoped3A : memref<!tpu.dma_semaphore, #tpu.memory_space<semaphore_mem>>) src(%arg10 : memref<1024x16xf32, #tpu.memory_space<vmem>>) dst(%dma_wait3A_124 : memref<10240x16xf32, #tpu.memory_space<vmem_shared>>)
      tpu.yield
    }) : () -> ()
    %dma_start3A_62 = arith.constant 6144 : i32
    %dma_start3A_63 = tpu.memref_slice %arg8[%dma_start3A_62] : memref<10240xi32, #tpu.memory_space<vmem>> -> memref<1024xi32, #tpu.memory_space<vmem>>
    %dma_start3A_64 = arith.constant 0 : i32
    %dma_start3A_65 = arith.constant 0 : i32
    %dma_start3A_66 = tpu.memref_slice %arg2[%dma_start3A_64, %dma_start3A_65] : memref<10240x16xf32, #tpu.memory_space<hbm>> -> memref<10240x16xf32, #tpu.memory_space<hbm>>
    tpu.enqueue_indirect_dma source(%dma_start3A_66 : memref<10240x16xf32, #tpu.memory_space<hbm>>) target(%arg10 : memref<1024x16xf32, #tpu.memory_space<vmem>>) offsets(%dma_start3A_63 : memref<1024xi32, #tpu.memory_space<vmem>>) semaphore(%arg13 : memref<!tpu.dma_semaphore, #tpu.memory_space<semaphore_mem>>)
    %dma_wait3A_67 = arith.constant 5120 : i32
    %dma_wait3A_68 = tpu.memref_slice %arg8[%dma_wait3A_67] : memref<10240xi32, #tpu.memory_space<vmem>> -> memref<1024xi32, #tpu.memory_space<vmem>>
    %dma_wait3A_69 = arith.constant 0 : i32
    %dma_wait3A_70 = arith.constant 0 : i32
    %dma_wait3A_71 = tpu.memref_slice %arg2[%dma_wait3A_69, %dma_wait3A_70] : memref<10240x16xf32, #tpu.memory_space<hbm>> -> memref<10240x16xf32, #tpu.memory_space<hbm>>
    tpu.wait_indirect_dma semaphore(%arg14 : memref<!tpu.dma_semaphore, #tpu.memory_space<semaphore_mem>>) src(%dma_wait3A_71 : memref<10240x16xf32, #tpu.memory_space<hbm>>) dst(%arg11 : memref<1024x16xf32, #tpu.memory_space<vmem>>)
    "tpu.region"() ({
      %run_scoped3A = tpu.sem_alloc : memref<!tpu.dma_semaphore, #tpu.memory_space<semaphore_mem>>
      %dma_start3A_115 = arith.constant 5120 : i32
      %dma_start3A_116 = tpu.memref_slice %arg9[%dma_start3A_115] : memref<10240xi32, #tpu.memory_space<vmem>> -> memref<1024xi32, #tpu.memory_space<vmem>>
      %dma_start3A_117 = arith.constant 0 : i32
      %dma_start3A_118 = arith.constant 0 : i32
      %dma_start3A_119 = tpu.memref_slice %arg12[%dma_start3A_117, %dma_start3A_118] : memref<10240x16xf32, #tpu.memory_space<vmem_shared>> -> memref<10240x16xf32, #tpu.memory_space<vmem_shared>>
      tpu.enqueue_indirect_dma source(%arg11 : memref<1024x16xf32, #tpu.memory_space<vmem>>) target(%dma_start3A_119 : memref<10240x16xf32, #tpu.memory_space<vmem_shared>>) offsets(%dma_start3A_116 : memref<1024xi32, #tpu.memory_space<vmem>>) semaphore(%run_scoped3A : memref<!tpu.dma_semaphore, #tpu.memory_space<semaphore_mem>>) {add = true}
      %dma_wait3A_120 = arith.constant 5120 : i32
      %dma_wait3A_121 = tpu.memref_slice %arg9[%dma_wait3A_120] : memref<10240xi32, #tpu.memory_space<vmem>> -> memref<1024xi32, #tpu.memory_space<vmem>>
      %dma_wait3A_122 = arith.constant 0 : i32
      %dma_wait3A_123 = arith.constant 0 : i32
      %dma_wait3A_124 = tpu.memref_slice %arg12[%dma_wait3A_122, %dma_wait3A_123] : memref<10240x16xf32, #tpu.memory_space<vmem_shared>> -> memref<10240x16xf32, #tpu.memory_space<vmem_shared>>
      tpu.wait_indirect_dma semaphore(%run_scoped3A : memref<!tpu.dma_semaphore, #tpu.memory_space<semaphore_mem>>) src(%arg11 : memref<1024x16xf32, #tpu.memory_space<vmem>>) dst(%dma_wait3A_124 : memref<10240x16xf32, #tpu.memory_space<vmem_shared>>)
      tpu.yield
    }) : () -> ()
    %dma_start3A_72 = arith.constant 7168 : i32
    %dma_start3A_73 = tpu.memref_slice %arg8[%dma_start3A_72] : memref<10240xi32, #tpu.memory_space<vmem>> -> memref<1024xi32, #tpu.memory_space<vmem>>
    %dma_start3A_74 = arith.constant 0 : i32
    %dma_start3A_75 = arith.constant 0 : i32
    %dma_start3A_76 = tpu.memref_slice %arg2[%dma_start3A_74, %dma_start3A_75] : memref<10240x16xf32, #tpu.memory_space<hbm>> -> memref<10240x16xf32, #tpu.memory_space<hbm>>
    tpu.enqueue_indirect_dma source(%dma_start3A_76 : memref<10240x16xf32, #tpu.memory_space<hbm>>) target(%arg11 : memref<1024x16xf32, #tpu.memory_space<vmem>>) offsets(%dma_start3A_73 : memref<1024xi32, #tpu.memory_space<vmem>>) semaphore(%arg14 : memref<!tpu.dma_semaphore, #tpu.memory_space<semaphore_mem>>)
    %dma_wait3A_77 = arith.constant 6144 : i32
    %dma_wait3A_78 = tpu.memref_slice %arg8[%dma_wait3A_77] : memref<10240xi32, #tpu.memory_space<vmem>> -> memref<1024xi32, #tpu.memory_space<vmem>>
    %dma_wait3A_79 = arith.constant 0 : i32
    %dma_wait3A_80 = arith.constant 0 : i32
    %dma_wait3A_81 = tpu.memref_slice %arg2[%dma_wait3A_79, %dma_wait3A_80] : memref<10240x16xf32, #tpu.memory_space<hbm>> -> memref<10240x16xf32, #tpu.memory_space<hbm>>
    tpu.wait_indirect_dma semaphore(%arg13 : memref<!tpu.dma_semaphore, #tpu.memory_space<semaphore_mem>>) src(%dma_wait3A_81 : memref<10240x16xf32, #tpu.memory_space<hbm>>) dst(%arg10 : memref<1024x16xf32, #tpu.memory_space<vmem>>)
    "tpu.region"() ({
      %run_scoped3A = tpu.sem_alloc : memref<!tpu.dma_semaphore, #tpu.memory_space<semaphore_mem>>
      %dma_start3A_115 = arith.constant 6144 : i32
      %dma_start3A_116 = tpu.memref_slice %arg9[%dma_start3A_115] : memref<10240xi32, #tpu.memory_space<vmem>> -> memref<1024xi32, #tpu.memory_space<vmem>>
      %dma_start3A_117 = arith.constant 0 : i32
      %dma_start3A_118 = arith.constant 0 : i32
      %dma_start3A_119 = tpu.memref_slice %arg12[%dma_start3A_117, %dma_start3A_118] : memref<10240x16xf32, #tpu.memory_space<vmem_shared>> -> memref<10240x16xf32, #tpu.memory_space<vmem_shared>>
      tpu.enqueue_indirect_dma source(%arg10 : memref<1024x16xf32, #tpu.memory_space<vmem>>) target(%dma_start3A_119 : memref<10240x16xf32, #tpu.memory_space<vmem_shared>>) offsets(%dma_start3A_116 : memref<1024xi32, #tpu.memory_space<vmem>>) semaphore(%run_scoped3A : memref<!tpu.dma_semaphore, #tpu.memory_space<semaphore_mem>>) {add = true}
      %dma_wait3A_120 = arith.constant 6144 : i32
      %dma_wait3A_121 = tpu.memref_slice %arg9[%dma_wait3A_120] : memref<10240xi32, #tpu.memory_space<vmem>> -> memref<1024xi32, #tpu.memory_space<vmem>>
      %dma_wait3A_122 = arith.constant 0 : i32
      %dma_wait3A_123 = arith.constant 0 : i32
      %dma_wait3A_124 = tpu.memref_slice %arg12[%dma_wait3A_122, %dma_wait3A_123] : memref<10240x16xf32, #tpu.memory_space<vmem_shared>> -> memref<10240x16xf32, #tpu.memory_space<vmem_shared>>
      tpu.wait_indirect_dma semaphore(%run_scoped3A : memref<!tpu.dma_semaphore, #tpu.memory_space<semaphore_mem>>) src(%arg10 : memref<1024x16xf32, #tpu.memory_space<vmem>>) dst(%dma_wait3A_124 : memref<10240x16xf32, #tpu.memory_space<vmem_shared>>)
      tpu.yield
    }) : () -> ()
    %dma_start3A_82 = arith.constant 8192 : i32
    %dma_start3A_83 = tpu.memref_slice %arg8[%dma_start3A_82] : memref<10240xi32, #tpu.memory_space<vmem>> -> memref<1024xi32, #tpu.memory_space<vmem>>
    %dma_start3A_84 = arith.constant 0 : i32
    %dma_start3A_85 = arith.constant 0 : i32
    %dma_start3A_86 = tpu.memref_slice %arg2[%dma_start3A_84, %dma_start3A_85] : memref<10240x16xf32, #tpu.memory_space<hbm>> -> memref<10240x16xf32, #tpu.memory_space<hbm>>
    tpu.enqueue_indirect_dma source(%dma_start3A_86 : memref<10240x16xf32, #tpu.memory_space<hbm>>) target(%arg10 : memref<1024x16xf32, #tpu.memory_space<vmem>>) offsets(%dma_start3A_83 : memref<1024xi32, #tpu.memory_space<vmem>>) semaphore(%arg13 : memref<!tpu.dma_semaphore, #tpu.memory_space<semaphore_mem>>)
    %dma_wait3A_87 = arith.constant 7168 : i32
    %dma_wait3A_88 = tpu.memref_slice %arg8[%dma_wait3A_87] : memref<10240xi32, #tpu.memory_space<vmem>> -> memref<1024xi32, #tpu.memory_space<vmem>>
    %dma_wait3A_89 = arith.constant 0 : i32
    %dma_wait3A_90 = arith.constant 0 : i32
    %dma_wait3A_91 = tpu.memref_slice %arg2[%dma_wait3A_89, %dma_wait3A_90] : memref<10240x16xf32, #tpu.memory_space<hbm>> -> memref<10240x16xf32, #tpu.memory_space<hbm>>
    tpu.wait_indirect_dma semaphore(%arg14 : memref<!tpu.dma_semaphore, #tpu.memory_space<semaphore_mem>>) src(%dma_wait3A_91 : memref<10240x16xf32, #tpu.memory_space<hbm>>) dst(%arg11 : memref<1024x16xf32, #tpu.memory_space<vmem>>)
    "tpu.region"() ({
      %run_scoped3A = tpu.sem_alloc : memref<!tpu.dma_semaphore, #tpu.memory_space<semaphore_mem>>
      %dma_start3A_115 = arith.constant 7168 : i32
      %dma_start3A_116 = tpu.memref_slice %arg9[%dma_start3A_115] : memref<10240xi32, #tpu.memory_space<vmem>> -> memref<1024xi32, #tpu.memory_space<vmem>>
      %dma_start3A_117 = arith.constant 0 : i32
      %dma_start3A_118 = arith.constant 0 : i32
      %dma_start3A_119 = tpu.memref_slice %arg12[%dma_start3A_117, %dma_start3A_118] : memref<10240x16xf32, #tpu.memory_space<vmem_shared>> -> memref<10240x16xf32, #tpu.memory_space<vmem_shared>>
      tpu.enqueue_indirect_dma source(%arg11 : memref<1024x16xf32, #tpu.memory_space<vmem>>) target(%dma_start3A_119 : memref<10240x16xf32, #tpu.memory_space<vmem_shared>>) offsets(%dma_start3A_116 : memref<1024xi32, #tpu.memory_space<vmem>>) semaphore(%run_scoped3A : memref<!tpu.dma_semaphore, #tpu.memory_space<semaphore_mem>>) {add = true}
      %dma_wait3A_120 = arith.constant 7168 : i32
      %dma_wait3A_121 = tpu.memref_slice %arg9[%dma_wait3A_120] : memref<10240xi32, #tpu.memory_space<vmem>> -> memref<1024xi32, #tpu.memory_space<vmem>>
      %dma_wait3A_122 = arith.constant 0 : i32
      %dma_wait3A_123 = arith.constant 0 : i32
      %dma_wait3A_124 = tpu.memref_slice %arg12[%dma_wait3A_122, %dma_wait3A_123] : memref<10240x16xf32, #tpu.memory_space<vmem_shared>> -> memref<10240x16xf32, #tpu.memory_space<vmem_shared>>
      tpu.wait_indirect_dma semaphore(%run_scoped3A : memref<!tpu.dma_semaphore, #tpu.memory_space<semaphore_mem>>) src(%arg11 : memref<1024x16xf32, #tpu.memory_space<vmem>>) dst(%dma_wait3A_124 : memref<10240x16xf32, #tpu.memory_space<vmem_shared>>)
      tpu.yield
    }) : () -> ()
    %dma_start3A_92 = arith.constant 9216 : i32
    %dma_start3A_93 = tpu.memref_slice %arg8[%dma_start3A_92] : memref<10240xi32, #tpu.memory_space<vmem>> -> memref<1024xi32, #tpu.memory_space<vmem>>
    %dma_start3A_94 = arith.constant 0 : i32
    %dma_start3A_95 = arith.constant 0 : i32
    %dma_start3A_96 = tpu.memref_slice %arg2[%dma_start3A_94, %dma_start3A_95] : memref<10240x16xf32, #tpu.memory_space<hbm>> -> memref<10240x16xf32, #tpu.memory_space<hbm>>
    tpu.enqueue_indirect_dma source(%dma_start3A_96 : memref<10240x16xf32, #tpu.memory_space<hbm>>) target(%arg11 : memref<1024x16xf32, #tpu.memory_space<vmem>>) offsets(%dma_start3A_93 : memref<1024xi32, #tpu.memory_space<vmem>>) semaphore(%arg14 : memref<!tpu.dma_semaphore, #tpu.memory_space<semaphore_mem>>)
    %dma_wait3A_97 = arith.constant 8192 : i32
    %dma_wait3A_98 = tpu.memref_slice %arg8[%dma_wait3A_97] : memref<10240xi32, #tpu.memory_space<vmem>> -> memref<1024xi32, #tpu.memory_space<vmem>>
    %dma_wait3A_99 = arith.constant 0 : i32
    %dma_wait3A_100 = arith.constant 0 : i32
    %dma_wait3A_101 = tpu.memref_slice %arg2[%dma_wait3A_99, %dma_wait3A_100] : memref<10240x16xf32, #tpu.memory_space<hbm>> -> memref<10240x16xf32, #tpu.memory_space<hbm>>
    tpu.wait_indirect_dma semaphore(%arg13 : memref<!tpu.dma_semaphore, #tpu.memory_space<semaphore_mem>>) src(%dma_wait3A_101 : memref<10240x16xf32, #tpu.memory_space<hbm>>) dst(%arg10 : memref<1024x16xf32, #tpu.memory_space<vmem>>)
    "tpu.region"() ({
      %run_scoped3A = tpu.sem_alloc : memref<!tpu.dma_semaphore, #tpu.memory_space<semaphore_mem>>
      %dma_start3A_115 = arith.constant 8192 : i32
      %dma_start3A_116 = tpu.memref_slice %arg9[%dma_start3A_115] : memref<10240xi32, #tpu.memory_space<vmem>> -> memref<1024xi32, #tpu.memory_space<vmem>>
      %dma_start3A_117 = arith.constant 0 : i32
      %dma_start3A_118 = arith.constant 0 : i32
      %dma_start3A_119 = tpu.memref_slice %arg12[%dma_start3A_117, %dma_start3A_118] : memref<10240x16xf32, #tpu.memory_space<vmem_shared>> -> memref<10240x16xf32, #tpu.memory_space<vmem_shared>>
      tpu.enqueue_indirect_dma source(%arg10 : memref<1024x16xf32, #tpu.memory_space<vmem>>) target(%dma_start3A_119 : memref<10240x16xf32, #tpu.memory_space<vmem_shared>>) offsets(%dma_start3A_116 : memref<1024xi32, #tpu.memory_space<vmem>>) semaphore(%run_scoped3A : memref<!tpu.dma_semaphore, #tpu.memory_space<semaphore_mem>>) {add = true}
      %dma_wait3A_120 = arith.constant 8192 : i32
      %dma_wait3A_121 = tpu.memref_slice %arg9[%dma_wait3A_120] : memref<10240xi32, #tpu.memory_space<vmem>> -> memref<1024xi32, #tpu.memory_space<vmem>>
      %dma_wait3A_122 = arith.constant 0 : i32
      %dma_wait3A_123 = arith.constant 0 : i32
      %dma_wait3A_124 = tpu.memref_slice %arg12[%dma_wait3A_122, %dma_wait3A_123] : memref<10240x16xf32, #tpu.memory_space<vmem_shared>> -> memref<10240x16xf32, #tpu.memory_space<vmem_shared>>
      tpu.wait_indirect_dma semaphore(%run_scoped3A : memref<!tpu.dma_semaphore, #tpu.memory_space<semaphore_mem>>) src(%arg10 : memref<1024x16xf32, #tpu.memory_space<vmem>>) dst(%dma_wait3A_124 : memref<10240x16xf32, #tpu.memory_space<vmem_shared>>)
      tpu.yield
    }) : () -> ()
    %dma_wait3A_102 = arith.constant 9216 : i32
    %dma_wait3A_103 = tpu.memref_slice %arg8[%dma_wait3A_102] : memref<10240xi32, #tpu.memory_space<vmem>> -> memref<1024xi32, #tpu.memory_space<vmem>>
    %dma_wait3A_104 = arith.constant 0 : i32
    %dma_wait3A_105 = arith.constant 0 : i32
    %dma_wait3A_106 = tpu.memref_slice %arg2[%dma_wait3A_104, %dma_wait3A_105] : memref<10240x16xf32, #tpu.memory_space<hbm>> -> memref<10240x16xf32, #tpu.memory_space<hbm>>
    tpu.wait_indirect_dma semaphore(%arg14 : memref<!tpu.dma_semaphore, #tpu.memory_space<semaphore_mem>>) src(%dma_wait3A_106 : memref<10240x16xf32, #tpu.memory_space<hbm>>) dst(%arg11 : memref<1024x16xf32, #tpu.memory_space<vmem>>)
    "tpu.region"() ({
      %run_scoped3A = tpu.sem_alloc : memref<!tpu.dma_semaphore, #tpu.memory_space<semaphore_mem>>
      %dma_start3A_115 = arith.constant 9216 : i32
      %dma_start3A_116 = tpu.memref_slice %arg9[%dma_start3A_115] : memref<10240xi32, #tpu.memory_space<vmem>> -> memref<1024xi32, #tpu.memory_space<vmem>>
      %dma_start3A_117 = arith.constant 0 : i32
      %dma_start3A_118 = arith.constant 0 : i32
      %dma_start3A_119 = tpu.memref_slice %arg12[%dma_start3A_117, %dma_start3A_118] : memref<10240x16xf32, #tpu.memory_space<vmem_shared>> -> memref<10240x16xf32, #tpu.memory_space<vmem_shared>>
      tpu.enqueue_indirect_dma source(%arg11 : memref<1024x16xf32, #tpu.memory_space<vmem>>) target(%dma_start3A_119 : memref<10240x16xf32, #tpu.memory_space<vmem_shared>>) offsets(%dma_start3A_116 : memref<1024xi32, #tpu.memory_space<vmem>>) semaphore(%run_scoped3A : memref<!tpu.dma_semaphore, #tpu.memory_space<semaphore_mem>>) {add = true}
      %dma_wait3A_120 = arith.constant 9216 : i32
      %dma_wait3A_121 = tpu.memref_slice %arg9[%dma_wait3A_120] : memref<10240xi32, #tpu.memory_space<vmem>> -> memref<1024xi32, #tpu.memory_space<vmem>>
      %dma_wait3A_122 = arith.constant 0 : i32
      %dma_wait3A_123 = arith.constant 0 : i32
      %dma_wait3A_124 = tpu.memref_slice %arg12[%dma_wait3A_122, %dma_wait3A_123] : memref<10240x16xf32, #tpu.memory_space<vmem_shared>> -> memref<10240x16xf32, #tpu.memory_space<vmem_shared>>
      tpu.wait_indirect_dma semaphore(%run_scoped3A : memref<!tpu.dma_semaphore, #tpu.memory_space<semaphore_mem>>) src(%arg11 : memref<1024x16xf32, #tpu.memory_space<vmem>>) dst(%dma_wait3A_124 : memref<10240x16xf32, #tpu.memory_space<vmem_shared>>)
      tpu.yield
    }) : () -> ()
    %barrier3A_107 = arith.constant 0 : index
    tpu.barrier barrier_id(%barrier3A_107)
    %eq3A = arith.constant 0 : i32
    %eq3A_108 = arith.cmpi eq, %arg0, %eq3A : i32
    %convert_element_type3A = arith.extui %eq3A_108 : i1 to i32
    %cond3A = arith.constant 0 : i32
    %cond3A_109 = arith.cmpi ne, %convert_element_type3A, %cond3A : i32
    scf.if %cond3A_109 {
      %mul3A_115 = arith.constant 640 : i32
      %mul3A_116 = arith.muli %arg1, %mul3A_115 : i32
      %mul3A_117 = arith.constant 640 : i32
      %mul3A_118 = arith.muli %arg1, %mul3A_117 : i32
      "tpu.region"() ({
        %run_scoped3A = tpu.sem_alloc : memref<!tpu.dma_semaphore, #tpu.memory_space<semaphore_mem>>
        %dma_start3A_119 = arith.constant 0 : i32
        %dma_start3A_120 = tpu.memref_slice %arg6[%mul3A_118, %dma_start3A_119] : memref<10240x16xf32, #tpu.memory_space<hbm>> -> memref<640x16xf32, #tpu.memory_space<hbm>>
        %dma_start3A_121 = arith.constant 0 : i32
        %dma_start3A_122 = tpu.memref_slice %arg12[%mul3A_116, %dma_start3A_121] : memref<10240x16xf32, #tpu.memory_space<vmem_shared>> -> memref<640x16xf32, #tpu.memory_space<vmem_shared>>
        tpu.enqueue_dma source(%dma_start3A_122 : memref<640x16xf32, #tpu.memory_space<vmem_shared>>) target(%dma_start3A_120 : memref<640x16xf32, #tpu.memory_space<hbm>>) target_semaphore(%run_scoped3A : memref<!tpu.dma_semaphore, #tpu.memory_space<semaphore_mem>>)
        %dma_wait3A_123 = arith.constant 0 : i32
        %dma_wait3A_124 = tpu.memref_slice %arg6[%mul3A_118, %dma_wait3A_123] : memref<10240x16xf32, #tpu.memory_space<hbm>> -> memref<640x16xf32, #tpu.memory_space<hbm>>
        %dma_wait3A_125 = arith.constant 0 : i32
        %dma_wait3A_126 = tpu.memref_slice %arg12[%mul3A_116, %dma_wait3A_125] : memref<10240x16xf32, #tpu.memory_space<vmem_shared>> -> memref<640x16xf32, #tpu.memory_space<vmem_shared>>
        tpu.wait_dma2 semaphore(%run_scoped3A : memref<!tpu.dma_semaphore, #tpu.memory_space<semaphore_mem>>) src(%dma_wait3A_126 : memref<640x16xf32, #tpu.memory_space<vmem_shared>>) dst(%dma_wait3A_124 : memref<640x16xf32, #tpu.memory_space<hbm>>)
        tpu.yield
      }) : () -> ()
    } else {
    }
    %eq3A_110 = arith.constant 1 : i32
    %eq3A_111 = arith.cmpi eq, %arg0, %eq3A_110 : i32
    %convert_element_type3A_112 = arith.extui %eq3A_111 : i1 to i32
    %cond3A_113 = arith.constant 0 : i32
    %cond3A_114 = arith.cmpi ne, %convert_element_type3A_112, %cond3A_113 : i32
    scf.if %cond3A_114 {
      %mul3A_115 = arith.constant 640 : i32
      %mul3A_116 = arith.muli %arg1, %mul3A_115 : i32
      %mul3A_117 = arith.constant 640 : i32
      %mul3A_118 = arith.muli %arg1, %mul3A_117 : i32
      "tpu.region"() ({
        %run_scoped3A = tpu.sem_alloc : memref<!tpu.dma_semaphore, #tpu.memory_space<semaphore_mem>>
        %dma_start3A_119 = arith.constant 0 : i32
        %dma_start3A_120 = tpu.memref_slice %arg7[%mul3A_118, %dma_start3A_119] : memref<10240x16xf32, #tpu.memory_space<hbm>> -> memref<640x16xf32, #tpu.memory_space<hbm>>
        %dma_start3A_121 = arith.constant 0 : i32
        %dma_start3A_122 = tpu.memref_slice %arg12[%mul3A_116, %dma_start3A_121] : memref<10240x16xf32, #tpu.memory_space<vmem_shared>> -> memref<640x16xf32, #tpu.memory_space<vmem_shared>>
        tpu.enqueue_dma source(%dma_start3A_122 : memref<640x16xf32, #tpu.memory_space<vmem_shared>>) target(%dma_start3A_120 : memref<640x16xf32, #tpu.memory_space<hbm>>) target_semaphore(%run_scoped3A : memref<!tpu.dma_semaphore, #tpu.memory_space<semaphore_mem>>)
        %dma_wait3A_123 = arith.constant 0 : i32
        %dma_wait3A_124 = tpu.memref_slice %arg7[%mul3A_118, %dma_wait3A_123] : memref<10240x16xf32, #tpu.memory_space<hbm>> -> memref<640x16xf32, #tpu.memory_space<hbm>>
        %dma_wait3A_125 = arith.constant 0 : i32
        %dma_wait3A_126 = tpu.memref_slice %arg12[%mul3A_116, %dma_wait3A_125] : memref<10240x16xf32, #tpu.memory_space<vmem_shared>> -> memref<640x16xf32, #tpu.memory_space<vmem_shared>>
        tpu.wait_dma2 semaphore(%run_scoped3A : memref<!tpu.dma_semaphore, #tpu.memory_space<semaphore_mem>>) src(%dma_wait3A_126 : memref<640x16xf32, #tpu.memory_space<vmem_shared>>) dst(%dma_wait3A_124 : memref<640x16xf32, #tpu.memory_space<hbm>>)
        tpu.yield
      }) : () -> ()
    } else {
    }
    return
  }
}

#map = affine_map<(d0, d1) -> (0)>
module attributes {stable_mosaic.version = 14 : i64} {
  func.func @k(%arg0: i32, %arg1: i32, %arg2: memref<327680xi32, #tpu.memory_space<hbm>>, %arg3: memref<10240xf32, #tpu.memory_space<hbm>>, %arg4: memref<10240xf32, #tpu.memory_space<hbm>>, %arg5: memref<10240xf32, #tpu.memory_space<hbm>>, %arg6: memref<10240xf32, #tpu.memory_space<hbm>>, %arg7: memref<10240xi32, #tpu.memory_space<vmem>>, %arg8: memref<10240xf32, #tpu.memory_space<vmem>>, %arg9: memref<10240xf32, #tpu.memory_space<vmem_shared>>, %arg10: memref<!tpu.dma_semaphore, #tpu.memory_space<semaphore_mem>>) attributes {dimension_semantics = [#tpu.dimension_semantics<core_parallel>, #tpu.dimension_semantics<subcore_parallel>], iteration_bounds = array<i64: 2, 16>, scalar_prefetch = 0 : i64, scratch_operands = 4 : i64, tpu.core_type = #tpu.core_type<sc_vector_subcore>, window_params = [{transform_indices = #map}, {transform_indices = #map}, {transform_indices = #map}, {transform_indices = #map}, {transform_indices = #map}]} {
    %mul3A = arith.constant 16 : i32
    %mul3A_0 = arith.muli %arg0, %mul3A : i32
    %add3A = arith.addi %mul3A_0, %arg1 : i32
    %mul3A_1 = arith.constant 640 : i32
    %mul3A_2 = arith.muli %arg1, %mul3A_1 : i32
    %mul3A_3 = arith.constant 640 : i32
    %mul3A_4 = arith.muli %arg1, %mul3A_3 : i32
    "tpu.region"() ({
      %run_scoped3A = tpu.sem_alloc : memref<!tpu.dma_semaphore, #tpu.memory_space<semaphore_mem>>
      %dma_start3A = tpu.memref_slice %arg9[%mul3A_4] : memref<10240xf32, #tpu.memory_space<vmem_shared>> -> memref<640xf32, #tpu.memory_space<vmem_shared>>
      %dma_start3A_15 = tpu.memref_slice %arg4[%mul3A_2] : memref<10240xf32, #tpu.memory_space<hbm>> -> memref<640xf32, #tpu.memory_space<hbm>>
      tpu.enqueue_dma source(%dma_start3A_15 : memref<640xf32, #tpu.memory_space<hbm>>) target(%dma_start3A : memref<640xf32, #tpu.memory_space<vmem_shared>>) target_semaphore(%run_scoped3A : memref<!tpu.dma_semaphore, #tpu.memory_space<semaphore_mem>>)
      %dma_wait3A = tpu.memref_slice %arg9[%mul3A_4] : memref<10240xf32, #tpu.memory_space<vmem_shared>> -> memref<640xf32, #tpu.memory_space<vmem_shared>>
      %dma_wait3A_16 = tpu.memref_slice %arg4[%mul3A_2] : memref<10240xf32, #tpu.memory_space<hbm>> -> memref<640xf32, #tpu.memory_space<hbm>>
      tpu.wait_dma2 semaphore(%run_scoped3A : memref<!tpu.dma_semaphore, #tpu.memory_space<semaphore_mem>>) src(%dma_wait3A_16 : memref<640xf32, #tpu.memory_space<hbm>>) dst(%dma_wait3A : memref<640xf32, #tpu.memory_space<vmem_shared>>)
      tpu.yield
    }) : () -> ()
    %mul3A_5 = arith.constant 10240 : i32
    %mul3A_6 = arith.muli %add3A, %mul3A_5 : i32
    "tpu.region"() ({
      %run_scoped3A = tpu.sem_alloc : memref<!tpu.dma_semaphore, #tpu.memory_space<semaphore_mem>>
      %dma_start3A = tpu.memref_slice %arg2[%mul3A_6] : memref<327680xi32, #tpu.memory_space<hbm>> -> memref<10240xi32, #tpu.memory_space<hbm>>
      %dma_start3A_15 = tpu.memref_slice %arg2[%mul3A_6] : memref<327680xi32, #tpu.memory_space<hbm>> -> memref<10240xi32, #tpu.memory_space<hbm>>
      tpu.enqueue_dma source(%dma_start3A_15 : memref<10240xi32, #tpu.memory_space<hbm>>) target(%arg7 : memref<10240xi32, #tpu.memory_space<vmem>>) target_semaphore(%run_scoped3A : memref<!tpu.dma_semaphore, #tpu.memory_space<semaphore_mem>>)
      %dma_wait3A = tpu.memref_slice %arg2[%mul3A_6] : memref<327680xi32, #tpu.memory_space<hbm>> -> memref<10240xi32, #tpu.memory_space<hbm>>
      %dma_wait3A_16 = tpu.memref_slice %arg2[%mul3A_6] : memref<327680xi32, #tpu.memory_space<hbm>> -> memref<10240xi32, #tpu.memory_space<hbm>>
      tpu.wait_dma2 semaphore(%run_scoped3A : memref<!tpu.dma_semaphore, #tpu.memory_space<semaphore_mem>>) src(%dma_wait3A_16 : memref<10240xi32, #tpu.memory_space<hbm>>) dst(%arg7 : memref<10240xi32, #tpu.memory_space<vmem>>)
      tpu.yield
    }) : () -> ()
    "tpu.region"() ({
      %run_scoped3A = tpu.sem_alloc : memref<!tpu.dma_semaphore, #tpu.memory_space<semaphore_mem>>
      tpu.enqueue_dma source(%arg3 : memref<10240xf32, #tpu.memory_space<hbm>>) target(%arg8 : memref<10240xf32, #tpu.memory_space<vmem>>) target_semaphore(%run_scoped3A : memref<!tpu.dma_semaphore, #tpu.memory_space<semaphore_mem>>)
      tpu.wait_dma2 semaphore(%run_scoped3A : memref<!tpu.dma_semaphore, #tpu.memory_space<semaphore_mem>>) src(%arg3 : memref<10240xf32, #tpu.memory_space<hbm>>) dst(%arg8 : memref<10240xf32, #tpu.memory_space<vmem>>)
      tpu.yield
    }) : () -> ()
    %barrier3A = arith.constant 0 : index
    tpu.barrier barrier_id(%barrier3A)
    "tpu.region"() ({
      %run_scoped3A = tpu.sem_alloc : memref<!tpu.dma_semaphore, #tpu.memory_space<semaphore_mem>>
      %dma_start3A = arith.constant 0 : i32
      %dma_start3A_15 = tpu.memref_slice %arg9[%dma_start3A] : memref<10240xf32, #tpu.memory_space<vmem_shared>> -> memref<10240xf32, #tpu.memory_space<vmem_shared>>
      tpu.enqueue_indirect_dma source(%arg8 : memref<10240xf32, #tpu.memory_space<vmem>>) target(%dma_start3A_15 : memref<10240xf32, #tpu.memory_space<vmem_shared>>) offsets(%arg7 : memref<10240xi32, #tpu.memory_space<vmem>>) semaphore(%run_scoped3A : memref<!tpu.dma_semaphore, #tpu.memory_space<semaphore_mem>>) {add = true}
      %dma_wait3A = arith.constant 0 : i32
      %dma_wait3A_16 = tpu.memref_slice %arg9[%dma_wait3A] : memref<10240xf32, #tpu.memory_space<vmem_shared>> -> memref<10240xf32, #tpu.memory_space<vmem_shared>>
      tpu.wait_indirect_dma semaphore(%run_scoped3A : memref<!tpu.dma_semaphore, #tpu.memory_space<semaphore_mem>>) src(%arg8 : memref<10240xf32, #tpu.memory_space<vmem>>) dst(%dma_wait3A_16 : memref<10240xf32, #tpu.memory_space<vmem_shared>>)
      tpu.yield
    }) : () -> ()
    %barrier3A_7 = arith.constant 0 : index
    tpu.barrier barrier_id(%barrier3A_7)
    %eq3A = arith.constant 0 : i32
    %eq3A_8 = arith.cmpi eq, %arg0, %eq3A : i32
    %convert_element_type3A = arith.extui %eq3A_8 : i1 to i32
    %cond3A = arith.constant 0 : i32
    %cond3A_9 = arith.cmpi ne, %convert_element_type3A, %cond3A : i32
    scf.if %cond3A_9 {
      %mul3A_15 = arith.constant 640 : i32
      %mul3A_16 = arith.muli %arg1, %mul3A_15 : i32
      %mul3A_17 = arith.constant 640 : i32
      %mul3A_18 = arith.muli %arg1, %mul3A_17 : i32
      "tpu.region"() ({
        %run_scoped3A = tpu.sem_alloc : memref<!tpu.dma_semaphore, #tpu.memory_space<semaphore_mem>>
        %dma_start3A = tpu.memref_slice %arg5[%mul3A_18] : memref<10240xf32, #tpu.memory_space<hbm>> -> memref<640xf32, #tpu.memory_space<hbm>>
        %dma_start3A_19 = tpu.memref_slice %arg9[%mul3A_16] : memref<10240xf32, #tpu.memory_space<vmem_shared>> -> memref<640xf32, #tpu.memory_space<vmem_shared>>
        tpu.enqueue_dma source(%dma_start3A_19 : memref<640xf32, #tpu.memory_space<vmem_shared>>) target(%dma_start3A : memref<640xf32, #tpu.memory_space<hbm>>) target_semaphore(%run_scoped3A : memref<!tpu.dma_semaphore, #tpu.memory_space<semaphore_mem>>)
        %dma_wait3A = tpu.memref_slice %arg5[%mul3A_18] : memref<10240xf32, #tpu.memory_space<hbm>> -> memref<640xf32, #tpu.memory_space<hbm>>
        %dma_wait3A_20 = tpu.memref_slice %arg9[%mul3A_16] : memref<10240xf32, #tpu.memory_space<vmem_shared>> -> memref<640xf32, #tpu.memory_space<vmem_shared>>
        tpu.wait_dma2 semaphore(%run_scoped3A : memref<!tpu.dma_semaphore, #tpu.memory_space<semaphore_mem>>) src(%dma_wait3A_20 : memref<640xf32, #tpu.memory_space<vmem_shared>>) dst(%dma_wait3A : memref<640xf32, #tpu.memory_space<hbm>>)
        tpu.yield
      }) : () -> ()
    } else {
    }
    %eq3A_10 = arith.constant 1 : i32
    %eq3A_11 = arith.cmpi eq, %arg0, %eq3A_10 : i32
    %convert_element_type3A_12 = arith.extui %eq3A_11 : i1 to i32
    %cond3A_13 = arith.constant 0 : i32
    %cond3A_14 = arith.cmpi ne, %convert_element_type3A_12, %cond3A_13 : i32
    scf.if %cond3A_14 {
      %mul3A_15 = arith.constant 640 : i32
      %mul3A_16 = arith.muli %arg1, %mul3A_15 : i32
      %mul3A_17 = arith.constant 640 : i32
      %mul3A_18 = arith.muli %arg1, %mul3A_17 : i32
      "tpu.region"() ({
        %run_scoped3A = tpu.sem_alloc : memref<!tpu.dma_semaphore, #tpu.memory_space<semaphore_mem>>
        %dma_start3A = tpu.memref_slice %arg6[%mul3A_18] : memref<10240xf32, #tpu.memory_space<hbm>> -> memref<640xf32, #tpu.memory_space<hbm>>
        %dma_start3A_19 = tpu.memref_slice %arg9[%mul3A_16] : memref<10240xf32, #tpu.memory_space<vmem_shared>> -> memref<640xf32, #tpu.memory_space<vmem_shared>>
        tpu.enqueue_dma source(%dma_start3A_19 : memref<640xf32, #tpu.memory_space<vmem_shared>>) target(%dma_start3A : memref<640xf32, #tpu.memory_space<hbm>>) target_semaphore(%run_scoped3A : memref<!tpu.dma_semaphore, #tpu.memory_space<semaphore_mem>>)
        %dma_wait3A = tpu.memref_slice %arg6[%mul3A_18] : memref<10240xf32, #tpu.memory_space<hbm>> -> memref<640xf32, #tpu.memory_space<hbm>>
        %dma_wait3A_20 = tpu.memref_slice %arg9[%mul3A_16] : memref<10240xf32, #tpu.memory_space<vmem_shared>> -> memref<640xf32, #tpu.memory_space<vmem_shared>>
        tpu.wait_dma2 semaphore(%run_scoped3A : memref<!tpu.dma_semaphore, #tpu.memory_space<semaphore_mem>>) src(%dma_wait3A_20 : memref<640xf32, #tpu.memory_space<vmem_shared>>) dst(%dma_wait3A : memref<640xf32, #tpu.memory_space<hbm>>)
        tpu.yield
      }) : () -> ()
    } else {
    }
    return
  }
}

#map = affine_map<(d0, d1) -> (0, 0)>
#map1 = affine_map<(d0, d1) -> (0)>
module attributes {stable_mosaic.version = 14 : i64} {
  func.func @k(%arg0: i32, %arg1: i32, %arg2: memref<10240x16xf32, #tpu.memory_space<hbm>>, %arg3: memref<327680xi32, #tpu.memory_space<hbm>>, %arg4: memref<327680xi32, #tpu.memory_space<hbm>>, %arg5: memref<10240x16xf32, #tpu.memory_space<hbm>>, %arg6: memref<10240x16xf32, #tpu.memory_space<hbm>>, %arg7: memref<10240x16xf32, #tpu.memory_space<hbm>>, %arg8: memref<10240xi32, #tpu.memory_space<vmem>>, %arg9: memref<10240xi32, #tpu.memory_space<vmem>>, %arg10: memref<1024x16xf32, #tpu.memory_space<vmem>>, %arg11: memref<1024x16xf32, #tpu.memory_space<vmem>>, %arg12: memref<10240x16xf32, #tpu.memory_space<vmem_shared>>, %arg13: memref<!tpu.dma_semaphore, #tpu.memory_space<semaphore_mem>>, %arg14: memref<!tpu.dma_semaphore, #tpu.memory_space<semaphore_mem>>) attributes {dimension_semantics = [#tpu.dimension_semantics<core_parallel>, #tpu.dimension_semantics<subcore_parallel>], iteration_bounds = array<i64: 2, 16>, scalar_prefetch = 0 : i64, scratch_operands = 7 : i64, tpu.core_type = #tpu.core_type<sc_vector_subcore>, window_params = [{transform_indices = #map}, {transform_indices = #map1}, {transform_indices = #map1}, {transform_indices = #map}, {transform_indices = #map}, {transform_indices = #map}]} {
    %mul3A = arith.constant 16 : i32
    %mul3A_0 = arith.muli %arg0, %mul3A : i32
    %add3A = arith.addi %mul3A_0, %arg1 : i32
    %mul3A_1 = arith.constant 640 : i32
    %mul3A_2 = arith.muli %arg1, %mul3A_1 : i32
    %mul3A_3 = arith.constant 640 : i32
    %mul3A_4 = arith.muli %arg1, %mul3A_3 : i32
    "tpu.region"() ({
      %run_scoped3A = tpu.sem_alloc : memref<!tpu.dma_semaphore, #tpu.memory_space<semaphore_mem>>
      %dma_start3A_115 = arith.constant 0 : i32
      %dma_start3A_116 = tpu.memref_slice %arg12[%mul3A_4, %dma_start3A_115] : memref<10240x16xf32, #tpu.memory_space<vmem_shared>> -> memref<640x16xf32, #tpu.memory_space<vmem_shared>>
      %dma_start3A_117 = arith.constant 0 : i32
      %dma_start3A_118 = tpu.memref_slice %arg5[%mul3A_2, %dma_start3A_117] : memref<10240x16xf32, #tpu.memory_space<hbm>> -> memref<640x16xf32, #tpu.memory_space<hbm>>
      tpu.enqueue_dma source(%dma_start3A_118 : memref<640x16xf32, #tpu.memory_space<hbm>>) target(%dma_start3A_116 : memref<640x16xf32, #tpu.memory_space<vmem_shared>>) target_semaphore(%run_scoped3A : memref<!tpu.dma_semaphore, #tpu.memory_space<semaphore_mem>>)
      %dma_wait3A_119 = arith.constant 0 : i32
      %dma_wait3A_120 = tpu.memref_slice %arg12[%mul3A_4, %dma_wait3A_119] : memref<10240x16xf32, #tpu.memory_space<vmem_shared>> -> memref<640x16xf32, #tpu.memory_space<vmem_shared>>
      %dma_wait3A_121 = arith.constant 0 : i32
      %dma_wait3A_122 = tpu.memref_slice %arg5[%mul3A_2, %dma_wait3A_121] : memref<10240x16xf32, #tpu.memory_space<hbm>> -> memref<640x16xf32, #tpu.memory_space<hbm>>
      tpu.wait_dma2 semaphore(%run_scoped3A : memref<!tpu.dma_semaphore, #tpu.memory_space<semaphore_mem>>) src(%dma_wait3A_122 : memref<640x16xf32, #tpu.memory_space<hbm>>) dst(%dma_wait3A_120 : memref<640x16xf32, #tpu.memory_space<vmem_shared>>)
      tpu.yield
    }) : () -> ()
    %mul3A_5 = arith.constant 10240 : i32
    %mul3A_6 = arith.muli %add3A, %mul3A_5 : i32
    "tpu.region"() ({
      %run_scoped3A = tpu.sem_alloc : memref<!tpu.dma_semaphore, #tpu.memory_space<semaphore_mem>>
      %dma_start3A_115 = tpu.memref_slice %arg3[%mul3A_6] : memref<327680xi32, #tpu.memory_space<hbm>> -> memref<10240xi32, #tpu.memory_space<hbm>>
      %dma_start3A_116 = tpu.memref_slice %arg3[%mul3A_6] : memref<327680xi32, #tpu.memory_space<hbm>> -> memref<10240xi32, #tpu.memory_space<hbm>>
      tpu.enqueue_dma source(%dma_start3A_116 : memref<10240xi32, #tpu.memory_space<hbm>>) target(%arg8 : memref<10240xi32, #tpu.memory_space<vmem>>) target_semaphore(%run_scoped3A : memref<!tpu.dma_semaphore, #tpu.memory_space<semaphore_mem>>)
      %dma_wait3A_117 = tpu.memref_slice %arg3[%mul3A_6] : memref<327680xi32, #tpu.memory_space<hbm>> -> memref<10240xi32, #tpu.memory_space<hbm>>
      %dma_wait3A_118 = tpu.memref_slice %arg3[%mul3A_6] : memref<327680xi32, #tpu.memory_space<hbm>> -> memref<10240xi32, #tpu.memory_space<hbm>>
      tpu.wait_dma2 semaphore(%run_scoped3A : memref<!tpu.dma_semaphore, #tpu.memory_space<semaphore_mem>>) src(%dma_wait3A_118 : memref<10240xi32, #tpu.memory_space<hbm>>) dst(%arg8 : memref<10240xi32, #tpu.memory_space<vmem>>)
      tpu.yield
    }) : () -> ()
    %mul3A_7 = arith.constant 10240 : i32
    %mul3A_8 = arith.muli %add3A, %mul3A_7 : i32
    "tpu.region"() ({
      %run_scoped3A = tpu.sem_alloc : memref<!tpu.dma_semaphore, #tpu.memory_space<semaphore_mem>>
      %dma_start3A_115 = tpu.memref_slice %arg4[%mul3A_8] : memref<327680xi32, #tpu.memory_space<hbm>> -> memref<10240xi32, #tpu.memory_space<hbm>>
      %dma_start3A_116 = tpu.memref_slice %arg4[%mul3A_8] : memref<327680xi32, #tpu.memory_space<hbm>> -> memref<10240xi32, #tpu.memory_space<hbm>>
      tpu.enqueue_dma source(%dma_start3A_116 : memref<10240xi32, #tpu.memory_space<hbm>>) target(%arg9 : memref<10240xi32, #tpu.memory_space<vmem>>) target_semaphore(%run_scoped3A : memref<!tpu.dma_semaphore, #tpu.memory_space<semaphore_mem>>)
      %dma_wait3A_117 = tpu.memref_slice %arg4[%mul3A_8] : memref<327680xi32, #tpu.memory_space<hbm>> -> memref<10240xi32, #tpu.memory_space<hbm>>
      %dma_wait3A_118 = tpu.memref_slice %arg4[%mul3A_8] : memref<327680xi32, #tpu.memory_space<hbm>> -> memref<10240xi32, #tpu.memory_space<hbm>>
      tpu.wait_dma2 semaphore(%run_scoped3A : memref<!tpu.dma_semaphore, #tpu.memory_space<semaphore_mem>>) src(%dma_wait3A_118 : memref<10240xi32, #tpu.memory_space<hbm>>) dst(%arg9 : memref<10240xi32, #tpu.memory_space<vmem>>)
      tpu.yield
    }) : () -> ()
    %barrier3A = arith.constant 0 : index
    tpu.barrier barrier_id(%barrier3A)
    %dma_start3A = arith.constant 0 : i32
    %dma_start3A_9 = tpu.memref_slice %arg8[%dma_start3A] : memref<10240xi32, #tpu.memory_space<vmem>> -> memref<1024xi32, #tpu.memory_space<vmem>>
    %dma_start3A_10 = arith.constant 0 : i32
    %dma_start3A_11 = arith.constant 0 : i32
    %dma_start3A_12 = tpu.memref_slice %arg2[%dma_start3A_10, %dma_start3A_11] : memref<10240x16xf32, #tpu.memory_space<hbm>> -> memref<10240x16xf32, #tpu.memory_space<hbm>>
    tpu.enqueue_indirect_dma source(%dma_start3A_12 : memref<10240x16xf32, #tpu.memory_space<hbm>>) target(%arg10 : memref<1024x16xf32, #tpu.memory_space<vmem>>) offsets(%dma_start3A_9 : memref<1024xi32, #tpu.memory_space<vmem>>) semaphore(%arg13 : memref<!tpu.dma_semaphore, #tpu.memory_space<semaphore_mem>>)
    %dma_start3A_13 = arith.constant 1024 : i32
    %dma_start3A_14 = tpu.memref_slice %arg8[%dma_start3A_13] : memref<10240xi32, #tpu.memory_space<vmem>> -> memref<1024xi32, #tpu.memory_space<vmem>>
    %dma_start3A_15 = arith.constant 0 : i32
    %dma_start3A_16 = arith.constant 0 : i32
    %dma_start3A_17 = tpu.memref_slice %arg2[%dma_start3A_15, %dma_start3A_16] : memref<10240x16xf32, #tpu.memory_space<hbm>> -> memref<10240x16xf32, #tpu.memory_space<hbm>>
    tpu.enqueue_indirect_dma source(%dma_start3A_17 : memref<10240x16xf32, #tpu.memory_space<hbm>>) target(%arg11 : memref<1024x16xf32, #tpu.memory_space<vmem>>) offsets(%dma_start3A_14 : memref<1024xi32, #tpu.memory_space<vmem>>) semaphore(%arg14 : memref<!tpu.dma_semaphore, #tpu.memory_space<semaphore_mem>>)
    %dma_wait3A = arith.constant 0 : i32
    %dma_wait3A_18 = tpu.memref_slice %arg8[%dma_wait3A] : memref<10240xi32, #tpu.memory_space<vmem>> -> memref<1024xi32, #tpu.memory_space<vmem>>
    %dma_wait3A_19 = arith.constant 0 : i32
    %dma_wait3A_20 = arith.constant 0 : i32
    %dma_wait3A_21 = tpu.memref_slice %arg2[%dma_wait3A_19, %dma_wait3A_20] : memref<10240x16xf32, #tpu.memory_space<hbm>> -> memref<10240x16xf32, #tpu.memory_space<hbm>>
    tpu.wait_indirect_dma semaphore(%arg13 : memref<!tpu.dma_semaphore, #tpu.memory_space<semaphore_mem>>) src(%dma_wait3A_21 : memref<10240x16xf32, #tpu.memory_space<hbm>>) dst(%arg10 : memref<1024x16xf32, #tpu.memory_space<vmem>>)
    "tpu.region"() ({
      %run_scoped3A = tpu.sem_alloc : memref<!tpu.dma_semaphore, #tpu.memory_space<semaphore_mem>>
      %dma_start3A_115 = arith.constant 0 : i32
      %dma_start3A_116 = tpu.memref_slice %arg9[%dma_start3A_115] : memref<10240xi32, #tpu.memory_space<vmem>> -> memref<1024xi32, #tpu.memory_space<vmem>>
      %dma_start3A_117 = arith.constant 0 : i32
      %dma_start3A_118 = arith.constant 0 : i32
      %dma_start3A_119 = tpu.memref_slice %arg12[%dma_start3A_117, %dma_start3A_118] : memref<10240x16xf32, #tpu.memory_space<vmem_shared>> -> memref<10240x16xf32, #tpu.memory_space<vmem_shared>>
      tpu.enqueue_indirect_dma source(%arg10 : memref<1024x16xf32, #tpu.memory_space<vmem>>) target(%dma_start3A_119 : memref<10240x16xf32, #tpu.memory_space<vmem_shared>>) offsets(%dma_start3A_116 : memref<1024xi32, #tpu.memory_space<vmem>>) semaphore(%run_scoped3A : memref<!tpu.dma_semaphore, #tpu.memory_space<semaphore_mem>>) {add = true}
      %dma_wait3A_120 = arith.constant 0 : i32
      %dma_wait3A_121 = tpu.memref_slice %arg9[%dma_wait3A_120] : memref<10240xi32, #tpu.memory_space<vmem>> -> memref<1024xi32, #tpu.memory_space<vmem>>
      %dma_wait3A_122 = arith.constant 0 : i32
      %dma_wait3A_123 = arith.constant 0 : i32
      %dma_wait3A_124 = tpu.memref_slice %arg12[%dma_wait3A_122, %dma_wait3A_123] : memref<10240x16xf32, #tpu.memory_space<vmem_shared>> -> memref<10240x16xf32, #tpu.memory_space<vmem_shared>>
      tpu.wait_indirect_dma semaphore(%run_scoped3A : memref<!tpu.dma_semaphore, #tpu.memory_space<semaphore_mem>>) src(%arg10 : memref<1024x16xf32, #tpu.memory_space<vmem>>) dst(%dma_wait3A_124 : memref<10240x16xf32, #tpu.memory_space<vmem_shared>>)
      tpu.yield
    }) : () -> ()
    %dma_start3A_22 = arith.constant 2048 : i32
    %dma_start3A_23 = tpu.memref_slice %arg8[%dma_start3A_22] : memref<10240xi32, #tpu.memory_space<vmem>> -> memref<1024xi32, #tpu.memory_space<vmem>>
    %dma_start3A_24 = arith.constant 0 : i32
    %dma_start3A_25 = arith.constant 0 : i32
    %dma_start3A_26 = tpu.memref_slice %arg2[%dma_start3A_24, %dma_start3A_25] : memref<10240x16xf32, #tpu.memory_space<hbm>> -> memref<10240x16xf32, #tpu.memory_space<hbm>>
    tpu.enqueue_indirect_dma source(%dma_start3A_26 : memref<10240x16xf32, #tpu.memory_space<hbm>>) target(%arg10 : memref<1024x16xf32, #tpu.memory_space<vmem>>) offsets(%dma_start3A_23 : memref<1024xi32, #tpu.memory_space<vmem>>) semaphore(%arg13 : memref<!tpu.dma_semaphore, #tpu.memory_space<semaphore_mem>>)
    %dma_wait3A_27 = arith.constant 1024 : i32
    %dma_wait3A_28 = tpu.memref_slice %arg8[%dma_wait3A_27] : memref<10240xi32, #tpu.memory_space<vmem>> -> memref<1024xi32, #tpu.memory_space<vmem>>
    %dma_wait3A_29 = arith.constant 0 : i32
    %dma_wait3A_30 = arith.constant 0 : i32
    %dma_wait3A_31 = tpu.memref_slice %arg2[%dma_wait3A_29, %dma_wait3A_30] : memref<10240x16xf32, #tpu.memory_space<hbm>> -> memref<10240x16xf32, #tpu.memory_space<hbm>>
    tpu.wait_indirect_dma semaphore(%arg14 : memref<!tpu.dma_semaphore, #tpu.memory_space<semaphore_mem>>) src(%dma_wait3A_31 : memref<10240x16xf32, #tpu.memory_space<hbm>>) dst(%arg11 : memref<1024x16xf32, #tpu.memory_space<vmem>>)
    "tpu.region"() ({
      %run_scoped3A = tpu.sem_alloc : memref<!tpu.dma_semaphore, #tpu.memory_space<semaphore_mem>>
      %dma_start3A_115 = arith.constant 1024 : i32
      %dma_start3A_116 = tpu.memref_slice %arg9[%dma_start3A_115] : memref<10240xi32, #tpu.memory_space<vmem>> -> memref<1024xi32, #tpu.memory_space<vmem>>
      %dma_start3A_117 = arith.constant 0 : i32
      %dma_start3A_118 = arith.constant 0 : i32
      %dma_start3A_119 = tpu.memref_slice %arg12[%dma_start3A_117, %dma_start3A_118] : memref<10240x16xf32, #tpu.memory_space<vmem_shared>> -> memref<10240x16xf32, #tpu.memory_space<vmem_shared>>
      tpu.enqueue_indirect_dma source(%arg11 : memref<1024x16xf32, #tpu.memory_space<vmem>>) target(%dma_start3A_119 : memref<10240x16xf32, #tpu.memory_space<vmem_shared>>) offsets(%dma_start3A_116 : memref<1024xi32, #tpu.memory_space<vmem>>) semaphore(%run_scoped3A : memref<!tpu.dma_semaphore, #tpu.memory_space<semaphore_mem>>) {add = true}
      %dma_wait3A_120 = arith.constant 1024 : i32
      %dma_wait3A_121 = tpu.memref_slice %arg9[%dma_wait3A_120] : memref<10240xi32, #tpu.memory_space<vmem>> -> memref<1024xi32, #tpu.memory_space<vmem>>
      %dma_wait3A_122 = arith.constant 0 : i32
      %dma_wait3A_123 = arith.constant 0 : i32
      %dma_wait3A_124 = tpu.memref_slice %arg12[%dma_wait3A_122, %dma_wait3A_123] : memref<10240x16xf32, #tpu.memory_space<vmem_shared>> -> memref<10240x16xf32, #tpu.memory_space<vmem_shared>>
      tpu.wait_indirect_dma semaphore(%run_scoped3A : memref<!tpu.dma_semaphore, #tpu.memory_space<semaphore_mem>>) src(%arg11 : memref<1024x16xf32, #tpu.memory_space<vmem>>) dst(%dma_wait3A_124 : memref<10240x16xf32, #tpu.memory_space<vmem_shared>>)
      tpu.yield
    }) : () -> ()
    %dma_start3A_32 = arith.constant 3072 : i32
    %dma_start3A_33 = tpu.memref_slice %arg8[%dma_start3A_32] : memref<10240xi32, #tpu.memory_space<vmem>> -> memref<1024xi32, #tpu.memory_space<vmem>>
    %dma_start3A_34 = arith.constant 0 : i32
    %dma_start3A_35 = arith.constant 0 : i32
    %dma_start3A_36 = tpu.memref_slice %arg2[%dma_start3A_34, %dma_start3A_35] : memref<10240x16xf32, #tpu.memory_space<hbm>> -> memref<10240x16xf32, #tpu.memory_space<hbm>>
    tpu.enqueue_indirect_dma source(%dma_start3A_36 : memref<10240x16xf32, #tpu.memory_space<hbm>>) target(%arg11 : memref<1024x16xf32, #tpu.memory_space<vmem>>) offsets(%dma_start3A_33 : memref<1024xi32, #tpu.memory_space<vmem>>) semaphore(%arg14 : memref<!tpu.dma_semaphore, #tpu.memory_space<semaphore_mem>>)
    %dma_wait3A_37 = arith.constant 2048 : i32
    %dma_wait3A_38 = tpu.memref_slice %arg8[%dma_wait3A_37] : memref<10240xi32, #tpu.memory_space<vmem>> -> memref<1024xi32, #tpu.memory_space<vmem>>
    %dma_wait3A_39 = arith.constant 0 : i32
    %dma_wait3A_40 = arith.constant 0 : i32
    %dma_wait3A_41 = tpu.memref_slice %arg2[%dma_wait3A_39, %dma_wait3A_40] : memref<10240x16xf32, #tpu.memory_space<hbm>> -> memref<10240x16xf32, #tpu.memory_space<hbm>>
    tpu.wait_indirect_dma semaphore(%arg13 : memref<!tpu.dma_semaphore, #tpu.memory_space<semaphore_mem>>) src(%dma_wait3A_41 : memref<10240x16xf32, #tpu.memory_space<hbm>>) dst(%arg10 : memref<1024x16xf32, #tpu.memory_space<vmem>>)
    "tpu.region"() ({
      %run_scoped3A = tpu.sem_alloc : memref<!tpu.dma_semaphore, #tpu.memory_space<semaphore_mem>>
      %dma_start3A_115 = arith.constant 2048 : i32
      %dma_start3A_116 = tpu.memref_slice %arg9[%dma_start3A_115] : memref<10240xi32, #tpu.memory_space<vmem>> -> memref<1024xi32, #tpu.memory_space<vmem>>
      %dma_start3A_117 = arith.constant 0 : i32
      %dma_start3A_118 = arith.constant 0 : i32
      %dma_start3A_119 = tpu.memref_slice %arg12[%dma_start3A_117, %dma_start3A_118] : memref<10240x16xf32, #tpu.memory_space<vmem_shared>> -> memref<10240x16xf32, #tpu.memory_space<vmem_shared>>
      tpu.enqueue_indirect_dma source(%arg10 : memref<1024x16xf32, #tpu.memory_space<vmem>>) target(%dma_start3A_119 : memref<10240x16xf32, #tpu.memory_space<vmem_shared>>) offsets(%dma_start3A_116 : memref<1024xi32, #tpu.memory_space<vmem>>) semaphore(%run_scoped3A : memref<!tpu.dma_semaphore, #tpu.memory_space<semaphore_mem>>) {add = true}
      %dma_wait3A_120 = arith.constant 2048 : i32
      %dma_wait3A_121 = tpu.memref_slice %arg9[%dma_wait3A_120] : memref<10240xi32, #tpu.memory_space<vmem>> -> memref<1024xi32, #tpu.memory_space<vmem>>
      %dma_wait3A_122 = arith.constant 0 : i32
      %dma_wait3A_123 = arith.constant 0 : i32
      %dma_wait3A_124 = tpu.memref_slice %arg12[%dma_wait3A_122, %dma_wait3A_123] : memref<10240x16xf32, #tpu.memory_space<vmem_shared>> -> memref<10240x16xf32, #tpu.memory_space<vmem_shared>>
      tpu.wait_indirect_dma semaphore(%run_scoped3A : memref<!tpu.dma_semaphore, #tpu.memory_space<semaphore_mem>>) src(%arg10 : memref<1024x16xf32, #tpu.memory_space<vmem>>) dst(%dma_wait3A_124 : memref<10240x16xf32, #tpu.memory_space<vmem_shared>>)
      tpu.yield
    }) : () -> ()
    %dma_start3A_42 = arith.constant 4096 : i32
    %dma_start3A_43 = tpu.memref_slice %arg8[%dma_start3A_42] : memref<10240xi32, #tpu.memory_space<vmem>> -> memref<1024xi32, #tpu.memory_space<vmem>>
    %dma_start3A_44 = arith.constant 0 : i32
    %dma_start3A_45 = arith.constant 0 : i32
    %dma_start3A_46 = tpu.memref_slice %arg2[%dma_start3A_44, %dma_start3A_45] : memref<10240x16xf32, #tpu.memory_space<hbm>> -> memref<10240x16xf32, #tpu.memory_space<hbm>>
    tpu.enqueue_indirect_dma source(%dma_start3A_46 : memref<10240x16xf32, #tpu.memory_space<hbm>>) target(%arg10 : memref<1024x16xf32, #tpu.memory_space<vmem>>) offsets(%dma_start3A_43 : memref<1024xi32, #tpu.memory_space<vmem>>) semaphore(%arg13 : memref<!tpu.dma_semaphore, #tpu.memory_space<semaphore_mem>>)
    %dma_wait3A_47 = arith.constant 3072 : i32
    %dma_wait3A_48 = tpu.memref_slice %arg8[%dma_wait3A_47] : memref<10240xi32, #tpu.memory_space<vmem>> -> memref<1024xi32, #tpu.memory_space<vmem>>
    %dma_wait3A_49 = arith.constant 0 : i32
    %dma_wait3A_50 = arith.constant 0 : i32
    %dma_wait3A_51 = tpu.memref_slice %arg2[%dma_wait3A_49, %dma_wait3A_50] : memref<10240x16xf32, #tpu.memory_space<hbm>> -> memref<10240x16xf32, #tpu.memory_space<hbm>>
    tpu.wait_indirect_dma semaphore(%arg14 : memref<!tpu.dma_semaphore, #tpu.memory_space<semaphore_mem>>) src(%dma_wait3A_51 : memref<10240x16xf32, #tpu.memory_space<hbm>>) dst(%arg11 : memref<1024x16xf32, #tpu.memory_space<vmem>>)
    "tpu.region"() ({
      %run_scoped3A = tpu.sem_alloc : memref<!tpu.dma_semaphore, #tpu.memory_space<semaphore_mem>>
      %dma_start3A_115 = arith.constant 3072 : i32
      %dma_start3A_116 = tpu.memref_slice %arg9[%dma_start3A_115] : memref<10240xi32, #tpu.memory_space<vmem>> -> memref<1024xi32, #tpu.memory_space<vmem>>
      %dma_start3A_117 = arith.constant 0 : i32
      %dma_start3A_118 = arith.constant 0 : i32
      %dma_start3A_119 = tpu.memref_slice %arg12[%dma_start3A_117, %dma_start3A_118] : memref<10240x16xf32, #tpu.memory_space<vmem_shared>> -> memref<10240x16xf32, #tpu.memory_space<vmem_shared>>
      tpu.enqueue_indirect_dma source(%arg11 : memref<1024x16xf32, #tpu.memory_space<vmem>>) target(%dma_start3A_119 : memref<10240x16xf32, #tpu.memory_space<vmem_shared>>) offsets(%dma_start3A_116 : memref<1024xi32, #tpu.memory_space<vmem>>) semaphore(%run_scoped3A : memref<!tpu.dma_semaphore, #tpu.memory_space<semaphore_mem>>) {add = true}
      %dma_wait3A_120 = arith.constant 3072 : i32
      %dma_wait3A_121 = tpu.memref_slice %arg9[%dma_wait3A_120] : memref<10240xi32, #tpu.memory_space<vmem>> -> memref<1024xi32, #tpu.memory_space<vmem>>
      %dma_wait3A_122 = arith.constant 0 : i32
      %dma_wait3A_123 = arith.constant 0 : i32
      %dma_wait3A_124 = tpu.memref_slice %arg12[%dma_wait3A_122, %dma_wait3A_123] : memref<10240x16xf32, #tpu.memory_space<vmem_shared>> -> memref<10240x16xf32, #tpu.memory_space<vmem_shared>>
      tpu.wait_indirect_dma semaphore(%run_scoped3A : memref<!tpu.dma_semaphore, #tpu.memory_space<semaphore_mem>>) src(%arg11 : memref<1024x16xf32, #tpu.memory_space<vmem>>) dst(%dma_wait3A_124 : memref<10240x16xf32, #tpu.memory_space<vmem_shared>>)
      tpu.yield
    }) : () -> ()
    %dma_start3A_52 = arith.constant 5120 : i32
    %dma_start3A_53 = tpu.memref_slice %arg8[%dma_start3A_52] : memref<10240xi32, #tpu.memory_space<vmem>> -> memref<1024xi32, #tpu.memory_space<vmem>>
    %dma_start3A_54 = arith.constant 0 : i32
    %dma_start3A_55 = arith.constant 0 : i32
    %dma_start3A_56 = tpu.memref_slice %arg2[%dma_start3A_54, %dma_start3A_55] : memref<10240x16xf32, #tpu.memory_space<hbm>> -> memref<10240x16xf32, #tpu.memory_space<hbm>>
    tpu.enqueue_indirect_dma source(%dma_start3A_56 : memref<10240x16xf32, #tpu.memory_space<hbm>>) target(%arg11 : memref<1024x16xf32, #tpu.memory_space<vmem>>) offsets(%dma_start3A_53 : memref<1024xi32, #tpu.memory_space<vmem>>) semaphore(%arg14 : memref<!tpu.dma_semaphore, #tpu.memory_space<semaphore_mem>>)
    %dma_wait3A_57 = arith.constant 4096 : i32
    %dma_wait3A_58 = tpu.memref_slice %arg8[%dma_wait3A_57] : memref<10240xi32, #tpu.memory_space<vmem>> -> memref<1024xi32, #tpu.memory_space<vmem>>
    %dma_wait3A_59 = arith.constant 0 : i32
    %dma_wait3A_60 = arith.constant 0 : i32
    %dma_wait3A_61 = tpu.memref_slice %arg2[%dma_wait3A_59, %dma_wait3A_60] : memref<10240x16xf32, #tpu.memory_space<hbm>> -> memref<10240x16xf32, #tpu.memory_space<hbm>>
    tpu.wait_indirect_dma semaphore(%arg13 : memref<!tpu.dma_semaphore, #tpu.memory_space<semaphore_mem>>) src(%dma_wait3A_61 : memref<10240x16xf32, #tpu.memory_space<hbm>>) dst(%arg10 : memref<1024x16xf32, #tpu.memory_space<vmem>>)
    "tpu.region"() ({
      %run_scoped3A = tpu.sem_alloc : memref<!tpu.dma_semaphore, #tpu.memory_space<semaphore_mem>>
      %dma_start3A_115 = arith.constant 4096 : i32
      %dma_start3A_116 = tpu.memref_slice %arg9[%dma_start3A_115] : memref<10240xi32, #tpu.memory_space<vmem>> -> memref<1024xi32, #tpu.memory_space<vmem>>
      %dma_start3A_117 = arith.constant 0 : i32
      %dma_start3A_118 = arith.constant 0 : i32
      %dma_start3A_119 = tpu.memref_slice %arg12[%dma_start3A_117, %dma_start3A_118] : memref<10240x16xf32, #tpu.memory_space<vmem_shared>> -> memref<10240x16xf32, #tpu.memory_space<vmem_shared>>
      tpu.enqueue_indirect_dma source(%arg10 : memref<1024x16xf32, #tpu.memory_space<vmem>>) target(%dma_start3A_119 : memref<10240x16xf32, #tpu.memory_space<vmem_shared>>) offsets(%dma_start3A_116 : memref<1024xi32, #tpu.memory_space<vmem>>) semaphore(%run_scoped3A : memref<!tpu.dma_semaphore, #tpu.memory_space<semaphore_mem>>) {add = true}
      %dma_wait3A_120 = arith.constant 4096 : i32
      %dma_wait3A_121 = tpu.memref_slice %arg9[%dma_wait3A_120] : memref<10240xi32, #tpu.memory_space<vmem>> -> memref<1024xi32, #tpu.memory_space<vmem>>
      %dma_wait3A_122 = arith.constant 0 : i32
      %dma_wait3A_123 = arith.constant 0 : i32
      %dma_wait3A_124 = tpu.memref_slice %arg12[%dma_wait3A_122, %dma_wait3A_123] : memref<10240x16xf32, #tpu.memory_space<vmem_shared>> -> memref<10240x16xf32, #tpu.memory_space<vmem_shared>>
      tpu.wait_indirect_dma semaphore(%run_scoped3A : memref<!tpu.dma_semaphore, #tpu.memory_space<semaphore_mem>>) src(%arg10 : memref<1024x16xf32, #tpu.memory_space<vmem>>) dst(%dma_wait3A_124 : memref<10240x16xf32, #tpu.memory_space<vmem_shared>>)
      tpu.yield
    }) : () -> ()
    %dma_start3A_62 = arith.constant 6144 : i32
    %dma_start3A_63 = tpu.memref_slice %arg8[%dma_start3A_62] : memref<10240xi32, #tpu.memory_space<vmem>> -> memref<1024xi32, #tpu.memory_space<vmem>>
    %dma_start3A_64 = arith.constant 0 : i32
    %dma_start3A_65 = arith.constant 0 : i32
    %dma_start3A_66 = tpu.memref_slice %arg2[%dma_start3A_64, %dma_start3A_65] : memref<10240x16xf32, #tpu.memory_space<hbm>> -> memref<10240x16xf32, #tpu.memory_space<hbm>>
    tpu.enqueue_indirect_dma source(%dma_start3A_66 : memref<10240x16xf32, #tpu.memory_space<hbm>>) target(%arg10 : memref<1024x16xf32, #tpu.memory_space<vmem>>) offsets(%dma_start3A_63 : memref<1024xi32, #tpu.memory_space<vmem>>) semaphore(%arg13 : memref<!tpu.dma_semaphore, #tpu.memory_space<semaphore_mem>>)
    %dma_wait3A_67 = arith.constant 5120 : i32
    %dma_wait3A_68 = tpu.memref_slice %arg8[%dma_wait3A_67] : memref<10240xi32, #tpu.memory_space<vmem>> -> memref<1024xi32, #tpu.memory_space<vmem>>
    %dma_wait3A_69 = arith.constant 0 : i32
    %dma_wait3A_70 = arith.constant 0 : i32
    %dma_wait3A_71 = tpu.memref_slice %arg2[%dma_wait3A_69, %dma_wait3A_70] : memref<10240x16xf32, #tpu.memory_space<hbm>> -> memref<10240x16xf32, #tpu.memory_space<hbm>>
    tpu.wait_indirect_dma semaphore(%arg14 : memref<!tpu.dma_semaphore, #tpu.memory_space<semaphore_mem>>) src(%dma_wait3A_71 : memref<10240x16xf32, #tpu.memory_space<hbm>>) dst(%arg11 : memref<1024x16xf32, #tpu.memory_space<vmem>>)
    "tpu.region"() ({
      %run_scoped3A = tpu.sem_alloc : memref<!tpu.dma_semaphore, #tpu.memory_space<semaphore_mem>>
      %dma_start3A_115 = arith.constant 5120 : i32
      %dma_start3A_116 = tpu.memref_slice %arg9[%dma_start3A_115] : memref<10240xi32, #tpu.memory_space<vmem>> -> memref<1024xi32, #tpu.memory_space<vmem>>
      %dma_start3A_117 = arith.constant 0 : i32
      %dma_start3A_118 = arith.constant 0 : i32
      %dma_start3A_119 = tpu.memref_slice %arg12[%dma_start3A_117, %dma_start3A_118] : memref<10240x16xf32, #tpu.memory_space<vmem_shared>> -> memref<10240x16xf32, #tpu.memory_space<vmem_shared>>
      tpu.enqueue_indirect_dma source(%arg11 : memref<1024x16xf32, #tpu.memory_space<vmem>>) target(%dma_start3A_119 : memref<10240x16xf32, #tpu.memory_space<vmem_shared>>) offsets(%dma_start3A_116 : memref<1024xi32, #tpu.memory_space<vmem>>) semaphore(%run_scoped3A : memref<!tpu.dma_semaphore, #tpu.memory_space<semaphore_mem>>) {add = true}
      %dma_wait3A_120 = arith.constant 5120 : i32
      %dma_wait3A_121 = tpu.memref_slice %arg9[%dma_wait3A_120] : memref<10240xi32, #tpu.memory_space<vmem>> -> memref<1024xi32, #tpu.memory_space<vmem>>
      %dma_wait3A_122 = arith.constant 0 : i32
      %dma_wait3A_123 = arith.constant 0 : i32
      %dma_wait3A_124 = tpu.memref_slice %arg12[%dma_wait3A_122, %dma_wait3A_123] : memref<10240x16xf32, #tpu.memory_space<vmem_shared>> -> memref<10240x16xf32, #tpu.memory_space<vmem_shared>>
      tpu.wait_indirect_dma semaphore(%run_scoped3A : memref<!tpu.dma_semaphore, #tpu.memory_space<semaphore_mem>>) src(%arg11 : memref<1024x16xf32, #tpu.memory_space<vmem>>) dst(%dma_wait3A_124 : memref<10240x16xf32, #tpu.memory_space<vmem_shared>>)
      tpu.yield
    }) : () -> ()
    %dma_start3A_72 = arith.constant 7168 : i32
    %dma_start3A_73 = tpu.memref_slice %arg8[%dma_start3A_72] : memref<10240xi32, #tpu.memory_space<vmem>> -> memref<1024xi32, #tpu.memory_space<vmem>>
    %dma_start3A_74 = arith.constant 0 : i32
    %dma_start3A_75 = arith.constant 0 : i32
    %dma_start3A_76 = tpu.memref_slice %arg2[%dma_start3A_74, %dma_start3A_75] : memref<10240x16xf32, #tpu.memory_space<hbm>> -> memref<10240x16xf32, #tpu.memory_space<hbm>>
    tpu.enqueue_indirect_dma source(%dma_start3A_76 : memref<10240x16xf32, #tpu.memory_space<hbm>>) target(%arg11 : memref<1024x16xf32, #tpu.memory_space<vmem>>) offsets(%dma_start3A_73 : memref<1024xi32, #tpu.memory_space<vmem>>) semaphore(%arg14 : memref<!tpu.dma_semaphore, #tpu.memory_space<semaphore_mem>>)
    %dma_wait3A_77 = arith.constant 6144 : i32
    %dma_wait3A_78 = tpu.memref_slice %arg8[%dma_wait3A_77] : memref<10240xi32, #tpu.memory_space<vmem>> -> memref<1024xi32, #tpu.memory_space<vmem>>
    %dma_wait3A_79 = arith.constant 0 : i32
    %dma_wait3A_80 = arith.constant 0 : i32
    %dma_wait3A_81 = tpu.memref_slice %arg2[%dma_wait3A_79, %dma_wait3A_80] : memref<10240x16xf32, #tpu.memory_space<hbm>> -> memref<10240x16xf32, #tpu.memory_space<hbm>>
    tpu.wait_indirect_dma semaphore(%arg13 : memref<!tpu.dma_semaphore, #tpu.memory_space<semaphore_mem>>) src(%dma_wait3A_81 : memref<10240x16xf32, #tpu.memory_space<hbm>>) dst(%arg10 : memref<1024x16xf32, #tpu.memory_space<vmem>>)
    "tpu.region"() ({
      %run_scoped3A = tpu.sem_alloc : memref<!tpu.dma_semaphore, #tpu.memory_space<semaphore_mem>>
      %dma_start3A_115 = arith.constant 6144 : i32
      %dma_start3A_116 = tpu.memref_slice %arg9[%dma_start3A_115] : memref<10240xi32, #tpu.memory_space<vmem>> -> memref<1024xi32, #tpu.memory_space<vmem>>
      %dma_start3A_117 = arith.constant 0 : i32
      %dma_start3A_118 = arith.constant 0 : i32
      %dma_start3A_119 = tpu.memref_slice %arg12[%dma_start3A_117, %dma_start3A_118] : memref<10240x16xf32, #tpu.memory_space<vmem_shared>> -> memref<10240x16xf32, #tpu.memory_space<vmem_shared>>
      tpu.enqueue_indirect_dma source(%arg10 : memref<1024x16xf32, #tpu.memory_space<vmem>>) target(%dma_start3A_119 : memref<10240x16xf32, #tpu.memory_space<vmem_shared>>) offsets(%dma_start3A_116 : memref<1024xi32, #tpu.memory_space<vmem>>) semaphore(%run_scoped3A : memref<!tpu.dma_semaphore, #tpu.memory_space<semaphore_mem>>) {add = true}
      %dma_wait3A_120 = arith.constant 6144 : i32
      %dma_wait3A_121 = tpu.memref_slice %arg9[%dma_wait3A_120] : memref<10240xi32, #tpu.memory_space<vmem>> -> memref<1024xi32, #tpu.memory_space<vmem>>
      %dma_wait3A_122 = arith.constant 0 : i32
      %dma_wait3A_123 = arith.constant 0 : i32
      %dma_wait3A_124 = tpu.memref_slice %arg12[%dma_wait3A_122, %dma_wait3A_123] : memref<10240x16xf32, #tpu.memory_space<vmem_shared>> -> memref<10240x16xf32, #tpu.memory_space<vmem_shared>>
      tpu.wait_indirect_dma semaphore(%run_scoped3A : memref<!tpu.dma_semaphore, #tpu.memory_space<semaphore_mem>>) src(%arg10 : memref<1024x16xf32, #tpu.memory_space<vmem>>) dst(%dma_wait3A_124 : memref<10240x16xf32, #tpu.memory_space<vmem_shared>>)
      tpu.yield
    }) : () -> ()
    %dma_start3A_82 = arith.constant 8192 : i32
    %dma_start3A_83 = tpu.memref_slice %arg8[%dma_start3A_82] : memref<10240xi32, #tpu.memory_space<vmem>> -> memref<1024xi32, #tpu.memory_space<vmem>>
    %dma_start3A_84 = arith.constant 0 : i32
    %dma_start3A_85 = arith.constant 0 : i32
    %dma_start3A_86 = tpu.memref_slice %arg2[%dma_start3A_84, %dma_start3A_85] : memref<10240x16xf32, #tpu.memory_space<hbm>> -> memref<10240x16xf32, #tpu.memory_space<hbm>>
    tpu.enqueue_indirect_dma source(%dma_start3A_86 : memref<10240x16xf32, #tpu.memory_space<hbm>>) target(%arg10 : memref<1024x16xf32, #tpu.memory_space<vmem>>) offsets(%dma_start3A_83 : memref<1024xi32, #tpu.memory_space<vmem>>) semaphore(%arg13 : memref<!tpu.dma_semaphore, #tpu.memory_space<semaphore_mem>>)
    %dma_wait3A_87 = arith.constant 7168 : i32
    %dma_wait3A_88 = tpu.memref_slice %arg8[%dma_wait3A_87] : memref<10240xi32, #tpu.memory_space<vmem>> -> memref<1024xi32, #tpu.memory_space<vmem>>
    %dma_wait3A_89 = arith.constant 0 : i32
    %dma_wait3A_90 = arith.constant 0 : i32
    %dma_wait3A_91 = tpu.memref_slice %arg2[%dma_wait3A_89, %dma_wait3A_90] : memref<10240x16xf32, #tpu.memory_space<hbm>> -> memref<10240x16xf32, #tpu.memory_space<hbm>>
    tpu.wait_indirect_dma semaphore(%arg14 : memref<!tpu.dma_semaphore, #tpu.memory_space<semaphore_mem>>) src(%dma_wait3A_91 : memref<10240x16xf32, #tpu.memory_space<hbm>>) dst(%arg11 : memref<1024x16xf32, #tpu.memory_space<vmem>>)
    "tpu.region"() ({
      %run_scoped3A = tpu.sem_alloc : memref<!tpu.dma_semaphore, #tpu.memory_space<semaphore_mem>>
      %dma_start3A_115 = arith.constant 7168 : i32
      %dma_start3A_116 = tpu.memref_slice %arg9[%dma_start3A_115] : memref<10240xi32, #tpu.memory_space<vmem>> -> memref<1024xi32, #tpu.memory_space<vmem>>
      %dma_start3A_117 = arith.constant 0 : i32
      %dma_start3A_118 = arith.constant 0 : i32
      %dma_start3A_119 = tpu.memref_slice %arg12[%dma_start3A_117, %dma_start3A_118] : memref<10240x16xf32, #tpu.memory_space<vmem_shared>> -> memref<10240x16xf32, #tpu.memory_space<vmem_shared>>
      tpu.enqueue_indirect_dma source(%arg11 : memref<1024x16xf32, #tpu.memory_space<vmem>>) target(%dma_start3A_119 : memref<10240x16xf32, #tpu.memory_space<vmem_shared>>) offsets(%dma_start3A_116 : memref<1024xi32, #tpu.memory_space<vmem>>) semaphore(%run_scoped3A : memref<!tpu.dma_semaphore, #tpu.memory_space<semaphore_mem>>) {add = true}
      %dma_wait3A_120 = arith.constant 7168 : i32
      %dma_wait3A_121 = tpu.memref_slice %arg9[%dma_wait3A_120] : memref<10240xi32, #tpu.memory_space<vmem>> -> memref<1024xi32, #tpu.memory_space<vmem>>
      %dma_wait3A_122 = arith.constant 0 : i32
      %dma_wait3A_123 = arith.constant 0 : i32
      %dma_wait3A_124 = tpu.memref_slice %arg12[%dma_wait3A_122, %dma_wait3A_123] : memref<10240x16xf32, #tpu.memory_space<vmem_shared>> -> memref<10240x16xf32, #tpu.memory_space<vmem_shared>>
      tpu.wait_indirect_dma semaphore(%run_scoped3A : memref<!tpu.dma_semaphore, #tpu.memory_space<semaphore_mem>>) src(%arg11 : memref<1024x16xf32, #tpu.memory_space<vmem>>) dst(%dma_wait3A_124 : memref<10240x16xf32, #tpu.memory_space<vmem_shared>>)
      tpu.yield
    }) : () -> ()
    %dma_start3A_92 = arith.constant 9216 : i32
    %dma_start3A_93 = tpu.memref_slice %arg8[%dma_start3A_92] : memref<10240xi32, #tpu.memory_space<vmem>> -> memref<1024xi32, #tpu.memory_space<vmem>>
    %dma_start3A_94 = arith.constant 0 : i32
    %dma_start3A_95 = arith.constant 0 : i32
    %dma_start3A_96 = tpu.memref_slice %arg2[%dma_start3A_94, %dma_start3A_95] : memref<10240x16xf32, #tpu.memory_space<hbm>> -> memref<10240x16xf32, #tpu.memory_space<hbm>>
    tpu.enqueue_indirect_dma source(%dma_start3A_96 : memref<10240x16xf32, #tpu.memory_space<hbm>>) target(%arg11 : memref<1024x16xf32, #tpu.memory_space<vmem>>) offsets(%dma_start3A_93 : memref<1024xi32, #tpu.memory_space<vmem>>) semaphore(%arg14 : memref<!tpu.dma_semaphore, #tpu.memory_space<semaphore_mem>>)
    %dma_wait3A_97 = arith.constant 8192 : i32
    %dma_wait3A_98 = tpu.memref_slice %arg8[%dma_wait3A_97] : memref<10240xi32, #tpu.memory_space<vmem>> -> memref<1024xi32, #tpu.memory_space<vmem>>
    %dma_wait3A_99 = arith.constant 0 : i32
    %dma_wait3A_100 = arith.constant 0 : i32
    %dma_wait3A_101 = tpu.memref_slice %arg2[%dma_wait3A_99, %dma_wait3A_100] : memref<10240x16xf32, #tpu.memory_space<hbm>> -> memref<10240x16xf32, #tpu.memory_space<hbm>>
    tpu.wait_indirect_dma semaphore(%arg13 : memref<!tpu.dma_semaphore, #tpu.memory_space<semaphore_mem>>) src(%dma_wait3A_101 : memref<10240x16xf32, #tpu.memory_space<hbm>>) dst(%arg10 : memref<1024x16xf32, #tpu.memory_space<vmem>>)
    "tpu.region"() ({
      %run_scoped3A = tpu.sem_alloc : memref<!tpu.dma_semaphore, #tpu.memory_space<semaphore_mem>>
      %dma_start3A_115 = arith.constant 8192 : i32
      %dma_start3A_116 = tpu.memref_slice %arg9[%dma_start3A_115] : memref<10240xi32, #tpu.memory_space<vmem>> -> memref<1024xi32, #tpu.memory_space<vmem>>
      %dma_start3A_117 = arith.constant 0 : i32
      %dma_start3A_118 = arith.constant 0 : i32
      %dma_start3A_119 = tpu.memref_slice %arg12[%dma_start3A_117, %dma_start3A_118] : memref<10240x16xf32, #tpu.memory_space<vmem_shared>> -> memref<10240x16xf32, #tpu.memory_space<vmem_shared>>
      tpu.enqueue_indirect_dma source(%arg10 : memref<1024x16xf32, #tpu.memory_space<vmem>>) target(%dma_start3A_119 : memref<10240x16xf32, #tpu.memory_space<vmem_shared>>) offsets(%dma_start3A_116 : memref<1024xi32, #tpu.memory_space<vmem>>) semaphore(%run_scoped3A : memref<!tpu.dma_semaphore, #tpu.memory_space<semaphore_mem>>) {add = true}
      %dma_wait3A_120 = arith.constant 8192 : i32
      %dma_wait3A_121 = tpu.memref_slice %arg9[%dma_wait3A_120] : memref<10240xi32, #tpu.memory_space<vmem>> -> memref<1024xi32, #tpu.memory_space<vmem>>
      %dma_wait3A_122 = arith.constant 0 : i32
      %dma_wait3A_123 = arith.constant 0 : i32
      %dma_wait3A_124 = tpu.memref_slice %arg12[%dma_wait3A_122, %dma_wait3A_123] : memref<10240x16xf32, #tpu.memory_space<vmem_shared>> -> memref<10240x16xf32, #tpu.memory_space<vmem_shared>>
      tpu.wait_indirect_dma semaphore(%run_scoped3A : memref<!tpu.dma_semaphore, #tpu.memory_space<semaphore_mem>>) src(%arg10 : memref<1024x16xf32, #tpu.memory_space<vmem>>) dst(%dma_wait3A_124 : memref<10240x16xf32, #tpu.memory_space<vmem_shared>>)
      tpu.yield
    }) : () -> ()
    %dma_wait3A_102 = arith.constant 9216 : i32
    %dma_wait3A_103 = tpu.memref_slice %arg8[%dma_wait3A_102] : memref<10240xi32, #tpu.memory_space<vmem>> -> memref<1024xi32, #tpu.memory_space<vmem>>
    %dma_wait3A_104 = arith.constant 0 : i32
    %dma_wait3A_105 = arith.constant 0 : i32
    %dma_wait3A_106 = tpu.memref_slice %arg2[%dma_wait3A_104, %dma_wait3A_105] : memref<10240x16xf32, #tpu.memory_space<hbm>> -> memref<10240x16xf32, #tpu.memory_space<hbm>>
    tpu.wait_indirect_dma semaphore(%arg14 : memref<!tpu.dma_semaphore, #tpu.memory_space<semaphore_mem>>) src(%dma_wait3A_106 : memref<10240x16xf32, #tpu.memory_space<hbm>>) dst(%arg11 : memref<1024x16xf32, #tpu.memory_space<vmem>>)
    "tpu.region"() ({
      %run_scoped3A = tpu.sem_alloc : memref<!tpu.dma_semaphore, #tpu.memory_space<semaphore_mem>>
      %dma_start3A_115 = arith.constant 9216 : i32
      %dma_start3A_116 = tpu.memref_slice %arg9[%dma_start3A_115] : memref<10240xi32, #tpu.memory_space<vmem>> -> memref<1024xi32, #tpu.memory_space<vmem>>
      %dma_start3A_117 = arith.constant 0 : i32
      %dma_start3A_118 = arith.constant 0 : i32
      %dma_start3A_119 = tpu.memref_slice %arg12[%dma_start3A_117, %dma_start3A_118] : memref<10240x16xf32, #tpu.memory_space<vmem_shared>> -> memref<10240x16xf32, #tpu.memory_space<vmem_shared>>
      tpu.enqueue_indirect_dma source(%arg11 : memref<1024x16xf32, #tpu.memory_space<vmem>>) target(%dma_start3A_119 : memref<10240x16xf32, #tpu.memory_space<vmem_shared>>) offsets(%dma_start3A_116 : memref<1024xi32, #tpu.memory_space<vmem>>) semaphore(%run_scoped3A : memref<!tpu.dma_semaphore, #tpu.memory_space<semaphore_mem>>) {add = true}
      %dma_wait3A_120 = arith.constant 9216 : i32
      %dma_wait3A_121 = tpu.memref_slice %arg9[%dma_wait3A_120] : memref<10240xi32, #tpu.memory_space<vmem>> -> memref<1024xi32, #tpu.memory_space<vmem>>
      %dma_wait3A_122 = arith.constant 0 : i32
      %dma_wait3A_123 = arith.constant 0 : i32
      %dma_wait3A_124 = tpu.memref_slice %arg12[%dma_wait3A_122, %dma_wait3A_123] : memref<10240x16xf32, #tpu.memory_space<vmem_shared>> -> memref<10240x16xf32, #tpu.memory_space<vmem_shared>>
      tpu.wait_indirect_dma semaphore(%run_scoped3A : memref<!tpu.dma_semaphore, #tpu.memory_space<semaphore_mem>>) src(%arg11 : memref<1024x16xf32, #tpu.memory_space<vmem>>) dst(%dma_wait3A_124 : memref<10240x16xf32, #tpu.memory_space<vmem_shared>>)
      tpu.yield
    }) : () -> ()
    %barrier3A_107 = arith.constant 0 : index
    tpu.barrier barrier_id(%barrier3A_107)
    %eq3A = arith.constant 0 : i32
    %eq3A_108 = arith.cmpi eq, %arg0, %eq3A : i32
    %convert_element_type3A = arith.extui %eq3A_108 : i1 to i32
    %cond3A = arith.constant 0 : i32
    %cond3A_109 = arith.cmpi ne, %convert_element_type3A, %cond3A : i32
    scf.if %cond3A_109 {
      %mul3A_115 = arith.constant 640 : i32
      %mul3A_116 = arith.muli %arg1, %mul3A_115 : i32
      %mul3A_117 = arith.constant 640 : i32
      %mul3A_118 = arith.muli %arg1, %mul3A_117 : i32
      "tpu.region"() ({
        %run_scoped3A = tpu.sem_alloc : memref<!tpu.dma_semaphore, #tpu.memory_space<semaphore_mem>>
        %dma_start3A_119 = arith.constant 0 : i32
        %dma_start3A_120 = tpu.memref_slice %arg6[%mul3A_118, %dma_start3A_119] : memref<10240x16xf32, #tpu.memory_space<hbm>> -> memref<640x16xf32, #tpu.memory_space<hbm>>
        %dma_start3A_121 = arith.constant 0 : i32
        %dma_start3A_122 = tpu.memref_slice %arg12[%mul3A_116, %dma_start3A_121] : memref<10240x16xf32, #tpu.memory_space<vmem_shared>> -> memref<640x16xf32, #tpu.memory_space<vmem_shared>>
        tpu.enqueue_dma source(%dma_start3A_122 : memref<640x16xf32, #tpu.memory_space<vmem_shared>>) target(%dma_start3A_120 : memref<640x16xf32, #tpu.memory_space<hbm>>) target_semaphore(%run_scoped3A : memref<!tpu.dma_semaphore, #tpu.memory_space<semaphore_mem>>)
        %dma_wait3A_123 = arith.constant 0 : i32
        %dma_wait3A_124 = tpu.memref_slice %arg6[%mul3A_118, %dma_wait3A_123] : memref<10240x16xf32, #tpu.memory_space<hbm>> -> memref<640x16xf32, #tpu.memory_space<hbm>>
        %dma_wait3A_125 = arith.constant 0 : i32
        %dma_wait3A_126 = tpu.memref_slice %arg12[%mul3A_116, %dma_wait3A_125] : memref<10240x16xf32, #tpu.memory_space<vmem_shared>> -> memref<640x16xf32, #tpu.memory_space<vmem_shared>>
        tpu.wait_dma2 semaphore(%run_scoped3A : memref<!tpu.dma_semaphore, #tpu.memory_space<semaphore_mem>>) src(%dma_wait3A_126 : memref<640x16xf32, #tpu.memory_space<vmem_shared>>) dst(%dma_wait3A_124 : memref<640x16xf32, #tpu.memory_space<hbm>>)
        tpu.yield
      }) : () -> ()
    } else {
    }
    %eq3A_110 = arith.constant 1 : i32
    %eq3A_111 = arith.cmpi eq, %arg0, %eq3A_110 : i32
    %convert_element_type3A_112 = arith.extui %eq3A_111 : i1 to i32
    %cond3A_113 = arith.constant 0 : i32
    %cond3A_114 = arith.cmpi ne, %convert_element_type3A_112, %cond3A_113 : i32
    scf.if %cond3A_114 {
      %mul3A_115 = arith.constant 640 : i32
      %mul3A_116 = arith.muli %arg1, %mul3A_115 : i32
      %mul3A_117 = arith.constant 640 : i32
      %mul3A_118 = arith.muli %arg1, %mul3A_117 : i32
      "tpu.region"() ({
        %run_scoped3A = tpu.sem_alloc : memref<!tpu.dma_semaphore, #tpu.memory_space<semaphore_mem>>
        %dma_start3A_119 = arith.constant 0 : i32
        %dma_start3A_120 = tpu.memref_slice %arg7[%mul3A_118, %dma_start3A_119] : memref<10240x16xf32, #tpu.memory_space<hbm>> -> memref<640x16xf32, #tpu.memory_space<hbm>>
        %dma_start3A_121 = arith.constant 0 : i32
        %dma_start3A_122 = tpu.memref_slice %arg12[%mul3A_116, %dma_start3A_121] : memref<10240x16xf32, #tpu.memory_space<vmem_shared>> -> memref<640x16xf32, #tpu.memory_space<vmem_shared>>
        tpu.enqueue_dma source(%dma_start3A_122 : memref<640x16xf32, #tpu.memory_space<vmem_shared>>) target(%dma_start3A_120 : memref<640x16xf32, #tpu.memory_space<hbm>>) target_semaphore(%run_scoped3A : memref<!tpu.dma_semaphore, #tpu.memory_space<semaphore_mem>>)
        %dma_wait3A_123 = arith.constant 0 : i32
        %dma_wait3A_124 = tpu.memref_slice %arg7[%mul3A_118, %dma_wait3A_123] : memref<10240x16xf32, #tpu.memory_space<hbm>> -> memref<640x16xf32, #tpu.memory_space<hbm>>
        %dma_wait3A_125 = arith.constant 0 : i32
        %dma_wait3A_126 = tpu.memref_slice %arg12[%mul3A_116, %dma_wait3A_125] : memref<10240x16xf32, #tpu.memory_space<vmem_shared>> -> memref<640x16xf32, #tpu.memory_space<vmem_shared>>
        tpu.wait_dma2 semaphore(%run_scoped3A : memref<!tpu.dma_semaphore, #tpu.memory_space<semaphore_mem>>) src(%dma_wait3A_126 : memref<640x16xf32, #tpu.memory_space<vmem_shared>>) dst(%dma_wait3A_124 : memref<640x16xf32, #tpu.memory_space<hbm>>)
        tpu.yield
      }) : () -> ()
    } else {
    }
    return
  }
}

#map = affine_map<(d0, d1) -> (0, 0)>
#map1 = affine_map<(d0, d1) -> (0)>
module attributes {stable_mosaic.version = 14 : i64} {
  func.func @k(%arg0: i32, %arg1: i32, %arg2: memref<10240x16xf32, #tpu.memory_space<hbm>>, %arg3: memref<327680xi32, #tpu.memory_space<hbm>>, %arg4: memref<327680xi32, #tpu.memory_space<hbm>>, %arg5: memref<10240x16xf32, #tpu.memory_space<hbm>>, %arg6: memref<10240x16xf32, #tpu.memory_space<hbm>>, %arg7: memref<10240x16xf32, #tpu.memory_space<hbm>>, %arg8: memref<10240xi32, #tpu.memory_space<vmem>>, %arg9: memref<10240xi32, #tpu.memory_space<vmem>>, %arg10: memref<1024x16xf32, #tpu.memory_space<vmem>>, %arg11: memref<1024x16xf32, #tpu.memory_space<vmem>>, %arg12: memref<10240x16xf32, #tpu.memory_space<vmem_shared>>, %arg13: memref<!tpu.dma_semaphore, #tpu.memory_space<semaphore_mem>>, %arg14: memref<!tpu.dma_semaphore, #tpu.memory_space<semaphore_mem>>) attributes {dimension_semantics = [#tpu.dimension_semantics<core_parallel>, #tpu.dimension_semantics<subcore_parallel>], iteration_bounds = array<i64: 2, 16>, scalar_prefetch = 0 : i64, scratch_operands = 7 : i64, tpu.core_type = #tpu.core_type<sc_vector_subcore>, window_params = [{transform_indices = #map}, {transform_indices = #map1}, {transform_indices = #map1}, {transform_indices = #map}, {transform_indices = #map}, {transform_indices = #map}]} {
    %mul3A = arith.constant 16 : i32
    %mul3A_0 = arith.muli %arg0, %mul3A : i32
    %add3A = arith.addi %mul3A_0, %arg1 : i32
    %mul3A_1 = arith.constant 640 : i32
    %mul3A_2 = arith.muli %arg1, %mul3A_1 : i32
    %mul3A_3 = arith.constant 640 : i32
    %mul3A_4 = arith.muli %arg1, %mul3A_3 : i32
    "tpu.region"() ({
      %run_scoped3A = tpu.sem_alloc : memref<!tpu.dma_semaphore, #tpu.memory_space<semaphore_mem>>
      %dma_start3A_115 = arith.constant 0 : i32
      %dma_start3A_116 = tpu.memref_slice %arg12[%mul3A_4, %dma_start3A_115] : memref<10240x16xf32, #tpu.memory_space<vmem_shared>> -> memref<640x16xf32, #tpu.memory_space<vmem_shared>>
      %dma_start3A_117 = arith.constant 0 : i32
      %dma_start3A_118 = tpu.memref_slice %arg5[%mul3A_2, %dma_start3A_117] : memref<10240x16xf32, #tpu.memory_space<hbm>> -> memref<640x16xf32, #tpu.memory_space<hbm>>
      tpu.enqueue_dma source(%dma_start3A_118 : memref<640x16xf32, #tpu.memory_space<hbm>>) target(%dma_start3A_116 : memref<640x16xf32, #tpu.memory_space<vmem_shared>>) target_semaphore(%run_scoped3A : memref<!tpu.dma_semaphore, #tpu.memory_space<semaphore_mem>>)
      %dma_wait3A_119 = arith.constant 0 : i32
      %dma_wait3A_120 = tpu.memref_slice %arg12[%mul3A_4, %dma_wait3A_119] : memref<10240x16xf32, #tpu.memory_space<vmem_shared>> -> memref<640x16xf32, #tpu.memory_space<vmem_shared>>
      %dma_wait3A_121 = arith.constant 0 : i32
      %dma_wait3A_122 = tpu.memref_slice %arg5[%mul3A_2, %dma_wait3A_121] : memref<10240x16xf32, #tpu.memory_space<hbm>> -> memref<640x16xf32, #tpu.memory_space<hbm>>
      tpu.wait_dma2 semaphore(%run_scoped3A : memref<!tpu.dma_semaphore, #tpu.memory_space<semaphore_mem>>) src(%dma_wait3A_122 : memref<640x16xf32, #tpu.memory_space<hbm>>) dst(%dma_wait3A_120 : memref<640x16xf32, #tpu.memory_space<vmem_shared>>)
      tpu.yield
    }) : () -> ()
    %mul3A_5 = arith.constant 10240 : i32
    %mul3A_6 = arith.muli %add3A, %mul3A_5 : i32
    "tpu.region"() ({
      %run_scoped3A = tpu.sem_alloc : memref<!tpu.dma_semaphore, #tpu.memory_space<semaphore_mem>>
      %dma_start3A_115 = tpu.memref_slice %arg3[%mul3A_6] : memref<327680xi32, #tpu.memory_space<hbm>> -> memref<10240xi32, #tpu.memory_space<hbm>>
      %dma_start3A_116 = tpu.memref_slice %arg3[%mul3A_6] : memref<327680xi32, #tpu.memory_space<hbm>> -> memref<10240xi32, #tpu.memory_space<hbm>>
      tpu.enqueue_dma source(%dma_start3A_116 : memref<10240xi32, #tpu.memory_space<hbm>>) target(%arg8 : memref<10240xi32, #tpu.memory_space<vmem>>) target_semaphore(%run_scoped3A : memref<!tpu.dma_semaphore, #tpu.memory_space<semaphore_mem>>)
      %dma_wait3A_117 = tpu.memref_slice %arg3[%mul3A_6] : memref<327680xi32, #tpu.memory_space<hbm>> -> memref<10240xi32, #tpu.memory_space<hbm>>
      %dma_wait3A_118 = tpu.memref_slice %arg3[%mul3A_6] : memref<327680xi32, #tpu.memory_space<hbm>> -> memref<10240xi32, #tpu.memory_space<hbm>>
      tpu.wait_dma2 semaphore(%run_scoped3A : memref<!tpu.dma_semaphore, #tpu.memory_space<semaphore_mem>>) src(%dma_wait3A_118 : memref<10240xi32, #tpu.memory_space<hbm>>) dst(%arg8 : memref<10240xi32, #tpu.memory_space<vmem>>)
      tpu.yield
    }) : () -> ()
    %mul3A_7 = arith.constant 10240 : i32
    %mul3A_8 = arith.muli %add3A, %mul3A_7 : i32
    "tpu.region"() ({
      %run_scoped3A = tpu.sem_alloc : memref<!tpu.dma_semaphore, #tpu.memory_space<semaphore_mem>>
      %dma_start3A_115 = tpu.memref_slice %arg4[%mul3A_8] : memref<327680xi32, #tpu.memory_space<hbm>> -> memref<10240xi32, #tpu.memory_space<hbm>>
      %dma_start3A_116 = tpu.memref_slice %arg4[%mul3A_8] : memref<327680xi32, #tpu.memory_space<hbm>> -> memref<10240xi32, #tpu.memory_space<hbm>>
      tpu.enqueue_dma source(%dma_start3A_116 : memref<10240xi32, #tpu.memory_space<hbm>>) target(%arg9 : memref<10240xi32, #tpu.memory_space<vmem>>) target_semaphore(%run_scoped3A : memref<!tpu.dma_semaphore, #tpu.memory_space<semaphore_mem>>)
      %dma_wait3A_117 = tpu.memref_slice %arg4[%mul3A_8] : memref<327680xi32, #tpu.memory_space<hbm>> -> memref<10240xi32, #tpu.memory_space<hbm>>
      %dma_wait3A_118 = tpu.memref_slice %arg4[%mul3A_8] : memref<327680xi32, #tpu.memory_space<hbm>> -> memref<10240xi32, #tpu.memory_space<hbm>>
      tpu.wait_dma2 semaphore(%run_scoped3A : memref<!tpu.dma_semaphore, #tpu.memory_space<semaphore_mem>>) src(%dma_wait3A_118 : memref<10240xi32, #tpu.memory_space<hbm>>) dst(%arg9 : memref<10240xi32, #tpu.memory_space<vmem>>)
      tpu.yield
    }) : () -> ()
    %barrier3A = arith.constant 0 : index
    tpu.barrier barrier_id(%barrier3A)
    %dma_start3A = arith.constant 0 : i32
    %dma_start3A_9 = tpu.memref_slice %arg8[%dma_start3A] : memref<10240xi32, #tpu.memory_space<vmem>> -> memref<1024xi32, #tpu.memory_space<vmem>>
    %dma_start3A_10 = arith.constant 0 : i32
    %dma_start3A_11 = arith.constant 0 : i32
    %dma_start3A_12 = tpu.memref_slice %arg2[%dma_start3A_10, %dma_start3A_11] : memref<10240x16xf32, #tpu.memory_space<hbm>> -> memref<10240x16xf32, #tpu.memory_space<hbm>>
    tpu.enqueue_indirect_dma source(%dma_start3A_12 : memref<10240x16xf32, #tpu.memory_space<hbm>>) target(%arg10 : memref<1024x16xf32, #tpu.memory_space<vmem>>) offsets(%dma_start3A_9 : memref<1024xi32, #tpu.memory_space<vmem>>) semaphore(%arg13 : memref<!tpu.dma_semaphore, #tpu.memory_space<semaphore_mem>>)
    %dma_start3A_13 = arith.constant 1024 : i32
    %dma_start3A_14 = tpu.memref_slice %arg8[%dma_start3A_13] : memref<10240xi32, #tpu.memory_space<vmem>> -> memref<1024xi32, #tpu.memory_space<vmem>>
    %dma_start3A_15 = arith.constant 0 : i32
    %dma_start3A_16 = arith.constant 0 : i32
    %dma_start3A_17 = tpu.memref_slice %arg2[%dma_start3A_15, %dma_start3A_16] : memref<10240x16xf32, #tpu.memory_space<hbm>> -> memref<10240x16xf32, #tpu.memory_space<hbm>>
    tpu.enqueue_indirect_dma source(%dma_start3A_17 : memref<10240x16xf32, #tpu.memory_space<hbm>>) target(%arg11 : memref<1024x16xf32, #tpu.memory_space<vmem>>) offsets(%dma_start3A_14 : memref<1024xi32, #tpu.memory_space<vmem>>) semaphore(%arg14 : memref<!tpu.dma_semaphore, #tpu.memory_space<semaphore_mem>>)
    %dma_wait3A = arith.constant 0 : i32
    %dma_wait3A_18 = tpu.memref_slice %arg8[%dma_wait3A] : memref<10240xi32, #tpu.memory_space<vmem>> -> memref<1024xi32, #tpu.memory_space<vmem>>
    %dma_wait3A_19 = arith.constant 0 : i32
    %dma_wait3A_20 = arith.constant 0 : i32
    %dma_wait3A_21 = tpu.memref_slice %arg2[%dma_wait3A_19, %dma_wait3A_20] : memref<10240x16xf32, #tpu.memory_space<hbm>> -> memref<10240x16xf32, #tpu.memory_space<hbm>>
    tpu.wait_indirect_dma semaphore(%arg13 : memref<!tpu.dma_semaphore, #tpu.memory_space<semaphore_mem>>) src(%dma_wait3A_21 : memref<10240x16xf32, #tpu.memory_space<hbm>>) dst(%arg10 : memref<1024x16xf32, #tpu.memory_space<vmem>>)
    "tpu.region"() ({
      %run_scoped3A = tpu.sem_alloc : memref<!tpu.dma_semaphore, #tpu.memory_space<semaphore_mem>>
      %dma_start3A_115 = arith.constant 0 : i32
      %dma_start3A_116 = tpu.memref_slice %arg9[%dma_start3A_115] : memref<10240xi32, #tpu.memory_space<vmem>> -> memref<1024xi32, #tpu.memory_space<vmem>>
      %dma_start3A_117 = arith.constant 0 : i32
      %dma_start3A_118 = arith.constant 0 : i32
      %dma_start3A_119 = tpu.memref_slice %arg12[%dma_start3A_117, %dma_start3A_118] : memref<10240x16xf32, #tpu.memory_space<vmem_shared>> -> memref<10240x16xf32, #tpu.memory_space<vmem_shared>>
      tpu.enqueue_indirect_dma source(%arg10 : memref<1024x16xf32, #tpu.memory_space<vmem>>) target(%dma_start3A_119 : memref<10240x16xf32, #tpu.memory_space<vmem_shared>>) offsets(%dma_start3A_116 : memref<1024xi32, #tpu.memory_space<vmem>>) semaphore(%run_scoped3A : memref<!tpu.dma_semaphore, #tpu.memory_space<semaphore_mem>>) {add = true}
      %dma_wait3A_120 = arith.constant 0 : i32
      %dma_wait3A_121 = tpu.memref_slice %arg9[%dma_wait3A_120] : memref<10240xi32, #tpu.memory_space<vmem>> -> memref<1024xi32, #tpu.memory_space<vmem>>
      %dma_wait3A_122 = arith.constant 0 : i32
      %dma_wait3A_123 = arith.constant 0 : i32
      %dma_wait3A_124 = tpu.memref_slice %arg12[%dma_wait3A_122, %dma_wait3A_123] : memref<10240x16xf32, #tpu.memory_space<vmem_shared>> -> memref<10240x16xf32, #tpu.memory_space<vmem_shared>>
      tpu.wait_indirect_dma semaphore(%run_scoped3A : memref<!tpu.dma_semaphore, #tpu.memory_space<semaphore_mem>>) src(%arg10 : memref<1024x16xf32, #tpu.memory_space<vmem>>) dst(%dma_wait3A_124 : memref<10240x16xf32, #tpu.memory_space<vmem_shared>>)
      tpu.yield
    }) : () -> ()
    %dma_start3A_22 = arith.constant 2048 : i32
    %dma_start3A_23 = tpu.memref_slice %arg8[%dma_start3A_22] : memref<10240xi32, #tpu.memory_space<vmem>> -> memref<1024xi32, #tpu.memory_space<vmem>>
    %dma_start3A_24 = arith.constant 0 : i32
    %dma_start3A_25 = arith.constant 0 : i32
    %dma_start3A_26 = tpu.memref_slice %arg2[%dma_start3A_24, %dma_start3A_25] : memref<10240x16xf32, #tpu.memory_space<hbm>> -> memref<10240x16xf32, #tpu.memory_space<hbm>>
    tpu.enqueue_indirect_dma source(%dma_start3A_26 : memref<10240x16xf32, #tpu.memory_space<hbm>>) target(%arg10 : memref<1024x16xf32, #tpu.memory_space<vmem>>) offsets(%dma_start3A_23 : memref<1024xi32, #tpu.memory_space<vmem>>) semaphore(%arg13 : memref<!tpu.dma_semaphore, #tpu.memory_space<semaphore_mem>>)
    %dma_wait3A_27 = arith.constant 1024 : i32
    %dma_wait3A_28 = tpu.memref_slice %arg8[%dma_wait3A_27] : memref<10240xi32, #tpu.memory_space<vmem>> -> memref<1024xi32, #tpu.memory_space<vmem>>
    %dma_wait3A_29 = arith.constant 0 : i32
    %dma_wait3A_30 = arith.constant 0 : i32
    %dma_wait3A_31 = tpu.memref_slice %arg2[%dma_wait3A_29, %dma_wait3A_30] : memref<10240x16xf32, #tpu.memory_space<hbm>> -> memref<10240x16xf32, #tpu.memory_space<hbm>>
    tpu.wait_indirect_dma semaphore(%arg14 : memref<!tpu.dma_semaphore, #tpu.memory_space<semaphore_mem>>) src(%dma_wait3A_31 : memref<10240x16xf32, #tpu.memory_space<hbm>>) dst(%arg11 : memref<1024x16xf32, #tpu.memory_space<vmem>>)
    "tpu.region"() ({
      %run_scoped3A = tpu.sem_alloc : memref<!tpu.dma_semaphore, #tpu.memory_space<semaphore_mem>>
      %dma_start3A_115 = arith.constant 1024 : i32
      %dma_start3A_116 = tpu.memref_slice %arg9[%dma_start3A_115] : memref<10240xi32, #tpu.memory_space<vmem>> -> memref<1024xi32, #tpu.memory_space<vmem>>
      %dma_start3A_117 = arith.constant 0 : i32
      %dma_start3A_118 = arith.constant 0 : i32
      %dma_start3A_119 = tpu.memref_slice %arg12[%dma_start3A_117, %dma_start3A_118] : memref<10240x16xf32, #tpu.memory_space<vmem_shared>> -> memref<10240x16xf32, #tpu.memory_space<vmem_shared>>
      tpu.enqueue_indirect_dma source(%arg11 : memref<1024x16xf32, #tpu.memory_space<vmem>>) target(%dma_start3A_119 : memref<10240x16xf32, #tpu.memory_space<vmem_shared>>) offsets(%dma_start3A_116 : memref<1024xi32, #tpu.memory_space<vmem>>) semaphore(%run_scoped3A : memref<!tpu.dma_semaphore, #tpu.memory_space<semaphore_mem>>) {add = true}
      %dma_wait3A_120 = arith.constant 1024 : i32
      %dma_wait3A_121 = tpu.memref_slice %arg9[%dma_wait3A_120] : memref<10240xi32, #tpu.memory_space<vmem>> -> memref<1024xi32, #tpu.memory_space<vmem>>
      %dma_wait3A_122 = arith.constant 0 : i32
      %dma_wait3A_123 = arith.constant 0 : i32
      %dma_wait3A_124 = tpu.memref_slice %arg12[%dma_wait3A_122, %dma_wait3A_123] : memref<10240x16xf32, #tpu.memory_space<vmem_shared>> -> memref<10240x16xf32, #tpu.memory_space<vmem_shared>>
      tpu.wait_indirect_dma semaphore(%run_scoped3A : memref<!tpu.dma_semaphore, #tpu.memory_space<semaphore_mem>>) src(%arg11 : memref<1024x16xf32, #tpu.memory_space<vmem>>) dst(%dma_wait3A_124 : memref<10240x16xf32, #tpu.memory_space<vmem_shared>>)
      tpu.yield
    }) : () -> ()
    %dma_start3A_32 = arith.constant 3072 : i32
    %dma_start3A_33 = tpu.memref_slice %arg8[%dma_start3A_32] : memref<10240xi32, #tpu.memory_space<vmem>> -> memref<1024xi32, #tpu.memory_space<vmem>>
    %dma_start3A_34 = arith.constant 0 : i32
    %dma_start3A_35 = arith.constant 0 : i32
    %dma_start3A_36 = tpu.memref_slice %arg2[%dma_start3A_34, %dma_start3A_35] : memref<10240x16xf32, #tpu.memory_space<hbm>> -> memref<10240x16xf32, #tpu.memory_space<hbm>>
    tpu.enqueue_indirect_dma source(%dma_start3A_36 : memref<10240x16xf32, #tpu.memory_space<hbm>>) target(%arg11 : memref<1024x16xf32, #tpu.memory_space<vmem>>) offsets(%dma_start3A_33 : memref<1024xi32, #tpu.memory_space<vmem>>) semaphore(%arg14 : memref<!tpu.dma_semaphore, #tpu.memory_space<semaphore_mem>>)
    %dma_wait3A_37 = arith.constant 2048 : i32
    %dma_wait3A_38 = tpu.memref_slice %arg8[%dma_wait3A_37] : memref<10240xi32, #tpu.memory_space<vmem>> -> memref<1024xi32, #tpu.memory_space<vmem>>
    %dma_wait3A_39 = arith.constant 0 : i32
    %dma_wait3A_40 = arith.constant 0 : i32
    %dma_wait3A_41 = tpu.memref_slice %arg2[%dma_wait3A_39, %dma_wait3A_40] : memref<10240x16xf32, #tpu.memory_space<hbm>> -> memref<10240x16xf32, #tpu.memory_space<hbm>>
    tpu.wait_indirect_dma semaphore(%arg13 : memref<!tpu.dma_semaphore, #tpu.memory_space<semaphore_mem>>) src(%dma_wait3A_41 : memref<10240x16xf32, #tpu.memory_space<hbm>>) dst(%arg10 : memref<1024x16xf32, #tpu.memory_space<vmem>>)
    "tpu.region"() ({
      %run_scoped3A = tpu.sem_alloc : memref<!tpu.dma_semaphore, #tpu.memory_space<semaphore_mem>>
      %dma_start3A_115 = arith.constant 2048 : i32
      %dma_start3A_116 = tpu.memref_slice %arg9[%dma_start3A_115] : memref<10240xi32, #tpu.memory_space<vmem>> -> memref<1024xi32, #tpu.memory_space<vmem>>
      %dma_start3A_117 = arith.constant 0 : i32
      %dma_start3A_118 = arith.constant 0 : i32
      %dma_start3A_119 = tpu.memref_slice %arg12[%dma_start3A_117, %dma_start3A_118] : memref<10240x16xf32, #tpu.memory_space<vmem_shared>> -> memref<10240x16xf32, #tpu.memory_space<vmem_shared>>
      tpu.enqueue_indirect_dma source(%arg10 : memref<1024x16xf32, #tpu.memory_space<vmem>>) target(%dma_start3A_119 : memref<10240x16xf32, #tpu.memory_space<vmem_shared>>) offsets(%dma_start3A_116 : memref<1024xi32, #tpu.memory_space<vmem>>) semaphore(%run_scoped3A : memref<!tpu.dma_semaphore, #tpu.memory_space<semaphore_mem>>) {add = true}
      %dma_wait3A_120 = arith.constant 2048 : i32
      %dma_wait3A_121 = tpu.memref_slice %arg9[%dma_wait3A_120] : memref<10240xi32, #tpu.memory_space<vmem>> -> memref<1024xi32, #tpu.memory_space<vmem>>
      %dma_wait3A_122 = arith.constant 0 : i32
      %dma_wait3A_123 = arith.constant 0 : i32
      %dma_wait3A_124 = tpu.memref_slice %arg12[%dma_wait3A_122, %dma_wait3A_123] : memref<10240x16xf32, #tpu.memory_space<vmem_shared>> -> memref<10240x16xf32, #tpu.memory_space<vmem_shared>>
      tpu.wait_indirect_dma semaphore(%run_scoped3A : memref<!tpu.dma_semaphore, #tpu.memory_space<semaphore_mem>>) src(%arg10 : memref<1024x16xf32, #tpu.memory_space<vmem>>) dst(%dma_wait3A_124 : memref<10240x16xf32, #tpu.memory_space<vmem_shared>>)
      tpu.yield
    }) : () -> ()
    %dma_start3A_42 = arith.constant 4096 : i32
    %dma_start3A_43 = tpu.memref_slice %arg8[%dma_start3A_42] : memref<10240xi32, #tpu.memory_space<vmem>> -> memref<1024xi32, #tpu.memory_space<vmem>>
    %dma_start3A_44 = arith.constant 0 : i32
    %dma_start3A_45 = arith.constant 0 : i32
    %dma_start3A_46 = tpu.memref_slice %arg2[%dma_start3A_44, %dma_start3A_45] : memref<10240x16xf32, #tpu.memory_space<hbm>> -> memref<10240x16xf32, #tpu.memory_space<hbm>>
    tpu.enqueue_indirect_dma source(%dma_start3A_46 : memref<10240x16xf32, #tpu.memory_space<hbm>>) target(%arg10 : memref<1024x16xf32, #tpu.memory_space<vmem>>) offsets(%dma_start3A_43 : memref<1024xi32, #tpu.memory_space<vmem>>) semaphore(%arg13 : memref<!tpu.dma_semaphore, #tpu.memory_space<semaphore_mem>>)
    %dma_wait3A_47 = arith.constant 3072 : i32
    %dma_wait3A_48 = tpu.memref_slice %arg8[%dma_wait3A_47] : memref<10240xi32, #tpu.memory_space<vmem>> -> memref<1024xi32, #tpu.memory_space<vmem>>
    %dma_wait3A_49 = arith.constant 0 : i32
    %dma_wait3A_50 = arith.constant 0 : i32
    %dma_wait3A_51 = tpu.memref_slice %arg2[%dma_wait3A_49, %dma_wait3A_50] : memref<10240x16xf32, #tpu.memory_space<hbm>> -> memref<10240x16xf32, #tpu.memory_space<hbm>>
    tpu.wait_indirect_dma semaphore(%arg14 : memref<!tpu.dma_semaphore, #tpu.memory_space<semaphore_mem>>) src(%dma_wait3A_51 : memref<10240x16xf32, #tpu.memory_space<hbm>>) dst(%arg11 : memref<1024x16xf32, #tpu.memory_space<vmem>>)
    "tpu.region"() ({
      %run_scoped3A = tpu.sem_alloc : memref<!tpu.dma_semaphore, #tpu.memory_space<semaphore_mem>>
      %dma_start3A_115 = arith.constant 3072 : i32
      %dma_start3A_116 = tpu.memref_slice %arg9[%dma_start3A_115] : memref<10240xi32, #tpu.memory_space<vmem>> -> memref<1024xi32, #tpu.memory_space<vmem>>
      %dma_start3A_117 = arith.constant 0 : i32
      %dma_start3A_118 = arith.constant 0 : i32
      %dma_start3A_119 = tpu.memref_slice %arg12[%dma_start3A_117, %dma_start3A_118] : memref<10240x16xf32, #tpu.memory_space<vmem_shared>> -> memref<10240x16xf32, #tpu.memory_space<vmem_shared>>
      tpu.enqueue_indirect_dma source(%arg11 : memref<1024x16xf32, #tpu.memory_space<vmem>>) target(%dma_start3A_119 : memref<10240x16xf32, #tpu.memory_space<vmem_shared>>) offsets(%dma_start3A_116 : memref<1024xi32, #tpu.memory_space<vmem>>) semaphore(%run_scoped3A : memref<!tpu.dma_semaphore, #tpu.memory_space<semaphore_mem>>) {add = true}
      %dma_wait3A_120 = arith.constant 3072 : i32
      %dma_wait3A_121 = tpu.memref_slice %arg9[%dma_wait3A_120] : memref<10240xi32, #tpu.memory_space<vmem>> -> memref<1024xi32, #tpu.memory_space<vmem>>
      %dma_wait3A_122 = arith.constant 0 : i32
      %dma_wait3A_123 = arith.constant 0 : i32
      %dma_wait3A_124 = tpu.memref_slice %arg12[%dma_wait3A_122, %dma_wait3A_123] : memref<10240x16xf32, #tpu.memory_space<vmem_shared>> -> memref<10240x16xf32, #tpu.memory_space<vmem_shared>>
      tpu.wait_indirect_dma semaphore(%run_scoped3A : memref<!tpu.dma_semaphore, #tpu.memory_space<semaphore_mem>>) src(%arg11 : memref<1024x16xf32, #tpu.memory_space<vmem>>) dst(%dma_wait3A_124 : memref<10240x16xf32, #tpu.memory_space<vmem_shared>>)
      tpu.yield
    }) : () -> ()
    %dma_start3A_52 = arith.constant 5120 : i32
    %dma_start3A_53 = tpu.memref_slice %arg8[%dma_start3A_52] : memref<10240xi32, #tpu.memory_space<vmem>> -> memref<1024xi32, #tpu.memory_space<vmem>>
    %dma_start3A_54 = arith.constant 0 : i32
    %dma_start3A_55 = arith.constant 0 : i32
    %dma_start3A_56 = tpu.memref_slice %arg2[%dma_start3A_54, %dma_start3A_55] : memref<10240x16xf32, #tpu.memory_space<hbm>> -> memref<10240x16xf32, #tpu.memory_space<hbm>>
    tpu.enqueue_indirect_dma source(%dma_start3A_56 : memref<10240x16xf32, #tpu.memory_space<hbm>>) target(%arg11 : memref<1024x16xf32, #tpu.memory_space<vmem>>) offsets(%dma_start3A_53 : memref<1024xi32, #tpu.memory_space<vmem>>) semaphore(%arg14 : memref<!tpu.dma_semaphore, #tpu.memory_space<semaphore_mem>>)
    %dma_wait3A_57 = arith.constant 4096 : i32
    %dma_wait3A_58 = tpu.memref_slice %arg8[%dma_wait3A_57] : memref<10240xi32, #tpu.memory_space<vmem>> -> memref<1024xi32, #tpu.memory_space<vmem>>
    %dma_wait3A_59 = arith.constant 0 : i32
    %dma_wait3A_60 = arith.constant 0 : i32
    %dma_wait3A_61 = tpu.memref_slice %arg2[%dma_wait3A_59, %dma_wait3A_60] : memref<10240x16xf32, #tpu.memory_space<hbm>> -> memref<10240x16xf32, #tpu.memory_space<hbm>>
    tpu.wait_indirect_dma semaphore(%arg13 : memref<!tpu.dma_semaphore, #tpu.memory_space<semaphore_mem>>) src(%dma_wait3A_61 : memref<10240x16xf32, #tpu.memory_space<hbm>>) dst(%arg10 : memref<1024x16xf32, #tpu.memory_space<vmem>>)
    "tpu.region"() ({
      %run_scoped3A = tpu.sem_alloc : memref<!tpu.dma_semaphore, #tpu.memory_space<semaphore_mem>>
      %dma_start3A_115 = arith.constant 4096 : i32
      %dma_start3A_116 = tpu.memref_slice %arg9[%dma_start3A_115] : memref<10240xi32, #tpu.memory_space<vmem>> -> memref<1024xi32, #tpu.memory_space<vmem>>
      %dma_start3A_117 = arith.constant 0 : i32
      %dma_start3A_118 = arith.constant 0 : i32
      %dma_start3A_119 = tpu.memref_slice %arg12[%dma_start3A_117, %dma_start3A_118] : memref<10240x16xf32, #tpu.memory_space<vmem_shared>> -> memref<10240x16xf32, #tpu.memory_space<vmem_shared>>
      tpu.enqueue_indirect_dma source(%arg10 : memref<1024x16xf32, #tpu.memory_space<vmem>>) target(%dma_start3A_119 : memref<10240x16xf32, #tpu.memory_space<vmem_shared>>) offsets(%dma_start3A_116 : memref<1024xi32, #tpu.memory_space<vmem>>) semaphore(%run_scoped3A : memref<!tpu.dma_semaphore, #tpu.memory_space<semaphore_mem>>) {add = true}
      %dma_wait3A_120 = arith.constant 4096 : i32
      %dma_wait3A_121 = tpu.memref_slice %arg9[%dma_wait3A_120] : memref<10240xi32, #tpu.memory_space<vmem>> -> memref<1024xi32, #tpu.memory_space<vmem>>
      %dma_wait3A_122 = arith.constant 0 : i32
      %dma_wait3A_123 = arith.constant 0 : i32
      %dma_wait3A_124 = tpu.memref_slice %arg12[%dma_wait3A_122, %dma_wait3A_123] : memref<10240x16xf32, #tpu.memory_space<vmem_shared>> -> memref<10240x16xf32, #tpu.memory_space<vmem_shared>>
      tpu.wait_indirect_dma semaphore(%run_scoped3A : memref<!tpu.dma_semaphore, #tpu.memory_space<semaphore_mem>>) src(%arg10 : memref<1024x16xf32, #tpu.memory_space<vmem>>) dst(%dma_wait3A_124 : memref<10240x16xf32, #tpu.memory_space<vmem_shared>>)
      tpu.yield
    }) : () -> ()
    %dma_start3A_62 = arith.constant 6144 : i32
    %dma_start3A_63 = tpu.memref_slice %arg8[%dma_start3A_62] : memref<10240xi32, #tpu.memory_space<vmem>> -> memref<1024xi32, #tpu.memory_space<vmem>>
    %dma_start3A_64 = arith.constant 0 : i32
    %dma_start3A_65 = arith.constant 0 : i32
    %dma_start3A_66 = tpu.memref_slice %arg2[%dma_start3A_64, %dma_start3A_65] : memref<10240x16xf32, #tpu.memory_space<hbm>> -> memref<10240x16xf32, #tpu.memory_space<hbm>>
    tpu.enqueue_indirect_dma source(%dma_start3A_66 : memref<10240x16xf32, #tpu.memory_space<hbm>>) target(%arg10 : memref<1024x16xf32, #tpu.memory_space<vmem>>) offsets(%dma_start3A_63 : memref<1024xi32, #tpu.memory_space<vmem>>) semaphore(%arg13 : memref<!tpu.dma_semaphore, #tpu.memory_space<semaphore_mem>>)
    %dma_wait3A_67 = arith.constant 5120 : i32
    %dma_wait3A_68 = tpu.memref_slice %arg8[%dma_wait3A_67] : memref<10240xi32, #tpu.memory_space<vmem>> -> memref<1024xi32, #tpu.memory_space<vmem>>
    %dma_wait3A_69 = arith.constant 0 : i32
    %dma_wait3A_70 = arith.constant 0 : i32
    %dma_wait3A_71 = tpu.memref_slice %arg2[%dma_wait3A_69, %dma_wait3A_70] : memref<10240x16xf32, #tpu.memory_space<hbm>> -> memref<10240x16xf32, #tpu.memory_space<hbm>>
    tpu.wait_indirect_dma semaphore(%arg14 : memref<!tpu.dma_semaphore, #tpu.memory_space<semaphore_mem>>) src(%dma_wait3A_71 : memref<10240x16xf32, #tpu.memory_space<hbm>>) dst(%arg11 : memref<1024x16xf32, #tpu.memory_space<vmem>>)
    "tpu.region"() ({
      %run_scoped3A = tpu.sem_alloc : memref<!tpu.dma_semaphore, #tpu.memory_space<semaphore_mem>>
      %dma_start3A_115 = arith.constant 5120 : i32
      %dma_start3A_116 = tpu.memref_slice %arg9[%dma_start3A_115] : memref<10240xi32, #tpu.memory_space<vmem>> -> memref<1024xi32, #tpu.memory_space<vmem>>
      %dma_start3A_117 = arith.constant 0 : i32
      %dma_start3A_118 = arith.constant 0 : i32
      %dma_start3A_119 = tpu.memref_slice %arg12[%dma_start3A_117, %dma_start3A_118] : memref<10240x16xf32, #tpu.memory_space<vmem_shared>> -> memref<10240x16xf32, #tpu.memory_space<vmem_shared>>
      tpu.enqueue_indirect_dma source(%arg11 : memref<1024x16xf32, #tpu.memory_space<vmem>>) target(%dma_start3A_119 : memref<10240x16xf32, #tpu.memory_space<vmem_shared>>) offsets(%dma_start3A_116 : memref<1024xi32, #tpu.memory_space<vmem>>) semaphore(%run_scoped3A : memref<!tpu.dma_semaphore, #tpu.memory_space<semaphore_mem>>) {add = true}
      %dma_wait3A_120 = arith.constant 5120 : i32
      %dma_wait3A_121 = tpu.memref_slice %arg9[%dma_wait3A_120] : memref<10240xi32, #tpu.memory_space<vmem>> -> memref<1024xi32, #tpu.memory_space<vmem>>
      %dma_wait3A_122 = arith.constant 0 : i32
      %dma_wait3A_123 = arith.constant 0 : i32
      %dma_wait3A_124 = tpu.memref_slice %arg12[%dma_wait3A_122, %dma_wait3A_123] : memref<10240x16xf32, #tpu.memory_space<vmem_shared>> -> memref<10240x16xf32, #tpu.memory_space<vmem_shared>>
      tpu.wait_indirect_dma semaphore(%run_scoped3A : memref<!tpu.dma_semaphore, #tpu.memory_space<semaphore_mem>>) src(%arg11 : memref<1024x16xf32, #tpu.memory_space<vmem>>) dst(%dma_wait3A_124 : memref<10240x16xf32, #tpu.memory_space<vmem_shared>>)
      tpu.yield
    }) : () -> ()
    %dma_start3A_72 = arith.constant 7168 : i32
    %dma_start3A_73 = tpu.memref_slice %arg8[%dma_start3A_72] : memref<10240xi32, #tpu.memory_space<vmem>> -> memref<1024xi32, #tpu.memory_space<vmem>>
    %dma_start3A_74 = arith.constant 0 : i32
    %dma_start3A_75 = arith.constant 0 : i32
    %dma_start3A_76 = tpu.memref_slice %arg2[%dma_start3A_74, %dma_start3A_75] : memref<10240x16xf32, #tpu.memory_space<hbm>> -> memref<10240x16xf32, #tpu.memory_space<hbm>>
    tpu.enqueue_indirect_dma source(%dma_start3A_76 : memref<10240x16xf32, #tpu.memory_space<hbm>>) target(%arg11 : memref<1024x16xf32, #tpu.memory_space<vmem>>) offsets(%dma_start3A_73 : memref<1024xi32, #tpu.memory_space<vmem>>) semaphore(%arg14 : memref<!tpu.dma_semaphore, #tpu.memory_space<semaphore_mem>>)
    %dma_wait3A_77 = arith.constant 6144 : i32
    %dma_wait3A_78 = tpu.memref_slice %arg8[%dma_wait3A_77] : memref<10240xi32, #tpu.memory_space<vmem>> -> memref<1024xi32, #tpu.memory_space<vmem>>
    %dma_wait3A_79 = arith.constant 0 : i32
    %dma_wait3A_80 = arith.constant 0 : i32
    %dma_wait3A_81 = tpu.memref_slice %arg2[%dma_wait3A_79, %dma_wait3A_80] : memref<10240x16xf32, #tpu.memory_space<hbm>> -> memref<10240x16xf32, #tpu.memory_space<hbm>>
    tpu.wait_indirect_dma semaphore(%arg13 : memref<!tpu.dma_semaphore, #tpu.memory_space<semaphore_mem>>) src(%dma_wait3A_81 : memref<10240x16xf32, #tpu.memory_space<hbm>>) dst(%arg10 : memref<1024x16xf32, #tpu.memory_space<vmem>>)
    "tpu.region"() ({
      %run_scoped3A = tpu.sem_alloc : memref<!tpu.dma_semaphore, #tpu.memory_space<semaphore_mem>>
      %dma_start3A_115 = arith.constant 6144 : i32
      %dma_start3A_116 = tpu.memref_slice %arg9[%dma_start3A_115] : memref<10240xi32, #tpu.memory_space<vmem>> -> memref<1024xi32, #tpu.memory_space<vmem>>
      %dma_start3A_117 = arith.constant 0 : i32
      %dma_start3A_118 = arith.constant 0 : i32
      %dma_start3A_119 = tpu.memref_slice %arg12[%dma_start3A_117, %dma_start3A_118] : memref<10240x16xf32, #tpu.memory_space<vmem_shared>> -> memref<10240x16xf32, #tpu.memory_space<vmem_shared>>
      tpu.enqueue_indirect_dma source(%arg10 : memref<1024x16xf32, #tpu.memory_space<vmem>>) target(%dma_start3A_119 : memref<10240x16xf32, #tpu.memory_space<vmem_shared>>) offsets(%dma_start3A_116 : memref<1024xi32, #tpu.memory_space<vmem>>) semaphore(%run_scoped3A : memref<!tpu.dma_semaphore, #tpu.memory_space<semaphore_mem>>) {add = true}
      %dma_wait3A_120 = arith.constant 6144 : i32
      %dma_wait3A_121 = tpu.memref_slice %arg9[%dma_wait3A_120] : memref<10240xi32, #tpu.memory_space<vmem>> -> memref<1024xi32, #tpu.memory_space<vmem>>
      %dma_wait3A_122 = arith.constant 0 : i32
      %dma_wait3A_123 = arith.constant 0 : i32
      %dma_wait3A_124 = tpu.memref_slice %arg12[%dma_wait3A_122, %dma_wait3A_123] : memref<10240x16xf32, #tpu.memory_space<vmem_shared>> -> memref<10240x16xf32, #tpu.memory_space<vmem_shared>>
      tpu.wait_indirect_dma semaphore(%run_scoped3A : memref<!tpu.dma_semaphore, #tpu.memory_space<semaphore_mem>>) src(%arg10 : memref<1024x16xf32, #tpu.memory_space<vmem>>) dst(%dma_wait3A_124 : memref<10240x16xf32, #tpu.memory_space<vmem_shared>>)
      tpu.yield
    }) : () -> ()
    %dma_start3A_82 = arith.constant 8192 : i32
    %dma_start3A_83 = tpu.memref_slice %arg8[%dma_start3A_82] : memref<10240xi32, #tpu.memory_space<vmem>> -> memref<1024xi32, #tpu.memory_space<vmem>>
    %dma_start3A_84 = arith.constant 0 : i32
    %dma_start3A_85 = arith.constant 0 : i32
    %dma_start3A_86 = tpu.memref_slice %arg2[%dma_start3A_84, %dma_start3A_85] : memref<10240x16xf32, #tpu.memory_space<hbm>> -> memref<10240x16xf32, #tpu.memory_space<hbm>>
    tpu.enqueue_indirect_dma source(%dma_start3A_86 : memref<10240x16xf32, #tpu.memory_space<hbm>>) target(%arg10 : memref<1024x16xf32, #tpu.memory_space<vmem>>) offsets(%dma_start3A_83 : memref<1024xi32, #tpu.memory_space<vmem>>) semaphore(%arg13 : memref<!tpu.dma_semaphore, #tpu.memory_space<semaphore_mem>>)
    %dma_wait3A_87 = arith.constant 7168 : i32
    %dma_wait3A_88 = tpu.memref_slice %arg8[%dma_wait3A_87] : memref<10240xi32, #tpu.memory_space<vmem>> -> memref<1024xi32, #tpu.memory_space<vmem>>
    %dma_wait3A_89 = arith.constant 0 : i32
    %dma_wait3A_90 = arith.constant 0 : i32
    %dma_wait3A_91 = tpu.memref_slice %arg2[%dma_wait3A_89, %dma_wait3A_90] : memref<10240x16xf32, #tpu.memory_space<hbm>> -> memref<10240x16xf32, #tpu.memory_space<hbm>>
    tpu.wait_indirect_dma semaphore(%arg14 : memref<!tpu.dma_semaphore, #tpu.memory_space<semaphore_mem>>) src(%dma_wait3A_91 : memref<10240x16xf32, #tpu.memory_space<hbm>>) dst(%arg11 : memref<1024x16xf32, #tpu.memory_space<vmem>>)
    "tpu.region"() ({
      %run_scoped3A = tpu.sem_alloc : memref<!tpu.dma_semaphore, #tpu.memory_space<semaphore_mem>>
      %dma_start3A_115 = arith.constant 7168 : i32
      %dma_start3A_116 = tpu.memref_slice %arg9[%dma_start3A_115] : memref<10240xi32, #tpu.memory_space<vmem>> -> memref<1024xi32, #tpu.memory_space<vmem>>
      %dma_start3A_117 = arith.constant 0 : i32
      %dma_start3A_118 = arith.constant 0 : i32
      %dma_start3A_119 = tpu.memref_slice %arg12[%dma_start3A_117, %dma_start3A_118] : memref<10240x16xf32, #tpu.memory_space<vmem_shared>> -> memref<10240x16xf32, #tpu.memory_space<vmem_shared>>
      tpu.enqueue_indirect_dma source(%arg11 : memref<1024x16xf32, #tpu.memory_space<vmem>>) target(%dma_start3A_119 : memref<10240x16xf32, #tpu.memory_space<vmem_shared>>) offsets(%dma_start3A_116 : memref<1024xi32, #tpu.memory_space<vmem>>) semaphore(%run_scoped3A : memref<!tpu.dma_semaphore, #tpu.memory_space<semaphore_mem>>) {add = true}
      %dma_wait3A_120 = arith.constant 7168 : i32
      %dma_wait3A_121 = tpu.memref_slice %arg9[%dma_wait3A_120] : memref<10240xi32, #tpu.memory_space<vmem>> -> memref<1024xi32, #tpu.memory_space<vmem>>
      %dma_wait3A_122 = arith.constant 0 : i32
      %dma_wait3A_123 = arith.constant 0 : i32
      %dma_wait3A_124 = tpu.memref_slice %arg12[%dma_wait3A_122, %dma_wait3A_123] : memref<10240x16xf32, #tpu.memory_space<vmem_shared>> -> memref<10240x16xf32, #tpu.memory_space<vmem_shared>>
      tpu.wait_indirect_dma semaphore(%run_scoped3A : memref<!tpu.dma_semaphore, #tpu.memory_space<semaphore_mem>>) src(%arg11 : memref<1024x16xf32, #tpu.memory_space<vmem>>) dst(%dma_wait3A_124 : memref<10240x16xf32, #tpu.memory_space<vmem_shared>>)
      tpu.yield
    }) : () -> ()
    %dma_start3A_92 = arith.constant 9216 : i32
    %dma_start3A_93 = tpu.memref_slice %arg8[%dma_start3A_92] : memref<10240xi32, #tpu.memory_space<vmem>> -> memref<1024xi32, #tpu.memory_space<vmem>>
    %dma_start3A_94 = arith.constant 0 : i32
    %dma_start3A_95 = arith.constant 0 : i32
    %dma_start3A_96 = tpu.memref_slice %arg2[%dma_start3A_94, %dma_start3A_95] : memref<10240x16xf32, #tpu.memory_space<hbm>> -> memref<10240x16xf32, #tpu.memory_space<hbm>>
    tpu.enqueue_indirect_dma source(%dma_start3A_96 : memref<10240x16xf32, #tpu.memory_space<hbm>>) target(%arg11 : memref<1024x16xf32, #tpu.memory_space<vmem>>) offsets(%dma_start3A_93 : memref<1024xi32, #tpu.memory_space<vmem>>) semaphore(%arg14 : memref<!tpu.dma_semaphore, #tpu.memory_space<semaphore_mem>>)
    %dma_wait3A_97 = arith.constant 8192 : i32
    %dma_wait3A_98 = tpu.memref_slice %arg8[%dma_wait3A_97] : memref<10240xi32, #tpu.memory_space<vmem>> -> memref<1024xi32, #tpu.memory_space<vmem>>
    %dma_wait3A_99 = arith.constant 0 : i32
    %dma_wait3A_100 = arith.constant 0 : i32
    %dma_wait3A_101 = tpu.memref_slice %arg2[%dma_wait3A_99, %dma_wait3A_100] : memref<10240x16xf32, #tpu.memory_space<hbm>> -> memref<10240x16xf32, #tpu.memory_space<hbm>>
    tpu.wait_indirect_dma semaphore(%arg13 : memref<!tpu.dma_semaphore, #tpu.memory_space<semaphore_mem>>) src(%dma_wait3A_101 : memref<10240x16xf32, #tpu.memory_space<hbm>>) dst(%arg10 : memref<1024x16xf32, #tpu.memory_space<vmem>>)
    "tpu.region"() ({
      %run_scoped3A = tpu.sem_alloc : memref<!tpu.dma_semaphore, #tpu.memory_space<semaphore_mem>>
      %dma_start3A_115 = arith.constant 8192 : i32
      %dma_start3A_116 = tpu.memref_slice %arg9[%dma_start3A_115] : memref<10240xi32, #tpu.memory_space<vmem>> -> memref<1024xi32, #tpu.memory_space<vmem>>
      %dma_start3A_117 = arith.constant 0 : i32
      %dma_start3A_118 = arith.constant 0 : i32
      %dma_start3A_119 = tpu.memref_slice %arg12[%dma_start3A_117, %dma_start3A_118] : memref<10240x16xf32, #tpu.memory_space<vmem_shared>> -> memref<10240x16xf32, #tpu.memory_space<vmem_shared>>
      tpu.enqueue_indirect_dma source(%arg10 : memref<1024x16xf32, #tpu.memory_space<vmem>>) target(%dma_start3A_119 : memref<10240x16xf32, #tpu.memory_space<vmem_shared>>) offsets(%dma_start3A_116 : memref<1024xi32, #tpu.memory_space<vmem>>) semaphore(%run_scoped3A : memref<!tpu.dma_semaphore, #tpu.memory_space<semaphore_mem>>) {add = true}
      %dma_wait3A_120 = arith.constant 8192 : i32
      %dma_wait3A_121 = tpu.memref_slice %arg9[%dma_wait3A_120] : memref<10240xi32, #tpu.memory_space<vmem>> -> memref<1024xi32, #tpu.memory_space<vmem>>
      %dma_wait3A_122 = arith.constant 0 : i32
      %dma_wait3A_123 = arith.constant 0 : i32
      %dma_wait3A_124 = tpu.memref_slice %arg12[%dma_wait3A_122, %dma_wait3A_123] : memref<10240x16xf32, #tpu.memory_space<vmem_shared>> -> memref<10240x16xf32, #tpu.memory_space<vmem_shared>>
      tpu.wait_indirect_dma semaphore(%run_scoped3A : memref<!tpu.dma_semaphore, #tpu.memory_space<semaphore_mem>>) src(%arg10 : memref<1024x16xf32, #tpu.memory_space<vmem>>) dst(%dma_wait3A_124 : memref<10240x16xf32, #tpu.memory_space<vmem_shared>>)
      tpu.yield
    }) : () -> ()
    %dma_wait3A_102 = arith.constant 9216 : i32
    %dma_wait3A_103 = tpu.memref_slice %arg8[%dma_wait3A_102] : memref<10240xi32, #tpu.memory_space<vmem>> -> memref<1024xi32, #tpu.memory_space<vmem>>
    %dma_wait3A_104 = arith.constant 0 : i32
    %dma_wait3A_105 = arith.constant 0 : i32
    %dma_wait3A_106 = tpu.memref_slice %arg2[%dma_wait3A_104, %dma_wait3A_105] : memref<10240x16xf32, #tpu.memory_space<hbm>> -> memref<10240x16xf32, #tpu.memory_space<hbm>>
    tpu.wait_indirect_dma semaphore(%arg14 : memref<!tpu.dma_semaphore, #tpu.memory_space<semaphore_mem>>) src(%dma_wait3A_106 : memref<10240x16xf32, #tpu.memory_space<hbm>>) dst(%arg11 : memref<1024x16xf32, #tpu.memory_space<vmem>>)
    "tpu.region"() ({
      %run_scoped3A = tpu.sem_alloc : memref<!tpu.dma_semaphore, #tpu.memory_space<semaphore_mem>>
      %dma_start3A_115 = arith.constant 9216 : i32
      %dma_start3A_116 = tpu.memref_slice %arg9[%dma_start3A_115] : memref<10240xi32, #tpu.memory_space<vmem>> -> memref<1024xi32, #tpu.memory_space<vmem>>
      %dma_start3A_117 = arith.constant 0 : i32
      %dma_start3A_118 = arith.constant 0 : i32
      %dma_start3A_119 = tpu.memref_slice %arg12[%dma_start3A_117, %dma_start3A_118] : memref<10240x16xf32, #tpu.memory_space<vmem_shared>> -> memref<10240x16xf32, #tpu.memory_space<vmem_shared>>
      tpu.enqueue_indirect_dma source(%arg11 : memref<1024x16xf32, #tpu.memory_space<vmem>>) target(%dma_start3A_119 : memref<10240x16xf32, #tpu.memory_space<vmem_shared>>) offsets(%dma_start3A_116 : memref<1024xi32, #tpu.memory_space<vmem>>) semaphore(%run_scoped3A : memref<!tpu.dma_semaphore, #tpu.memory_space<semaphore_mem>>) {add = true}
      %dma_wait3A_120 = arith.constant 9216 : i32
      %dma_wait3A_121 = tpu.memref_slice %arg9[%dma_wait3A_120] : memref<10240xi32, #tpu.memory_space<vmem>> -> memref<1024xi32, #tpu.memory_space<vmem>>
      %dma_wait3A_122 = arith.constant 0 : i32
      %dma_wait3A_123 = arith.constant 0 : i32
      %dma_wait3A_124 = tpu.memref_slice %arg12[%dma_wait3A_122, %dma_wait3A_123] : memref<10240x16xf32, #tpu.memory_space<vmem_shared>> -> memref<10240x16xf32, #tpu.memory_space<vmem_shared>>
      tpu.wait_indirect_dma semaphore(%run_scoped3A : memref<!tpu.dma_semaphore, #tpu.memory_space<semaphore_mem>>) src(%arg11 : memref<1024x16xf32, #tpu.memory_space<vmem>>) dst(%dma_wait3A_124 : memref<10240x16xf32, #tpu.memory_space<vmem_shared>>)
      tpu.yield
    }) : () -> ()
    %barrier3A_107 = arith.constant 0 : index
    tpu.barrier barrier_id(%barrier3A_107)
    %eq3A = arith.constant 0 : i32
    %eq3A_108 = arith.cmpi eq, %arg0, %eq3A : i32
    %convert_element_type3A = arith.extui %eq3A_108 : i1 to i32
    %cond3A = arith.constant 0 : i32
    %cond3A_109 = arith.cmpi ne, %convert_element_type3A, %cond3A : i32
    scf.if %cond3A_109 {
      %mul3A_115 = arith.constant 640 : i32
      %mul3A_116 = arith.muli %arg1, %mul3A_115 : i32
      %mul3A_117 = arith.constant 640 : i32
      %mul3A_118 = arith.muli %arg1, %mul3A_117 : i32
      "tpu.region"() ({
        %run_scoped3A = tpu.sem_alloc : memref<!tpu.dma_semaphore, #tpu.memory_space<semaphore_mem>>
        %dma_start3A_119 = arith.constant 0 : i32
        %dma_start3A_120 = tpu.memref_slice %arg6[%mul3A_118, %dma_start3A_119] : memref<10240x16xf32, #tpu.memory_space<hbm>> -> memref<640x16xf32, #tpu.memory_space<hbm>>
        %dma_start3A_121 = arith.constant 0 : i32
        %dma_start3A_122 = tpu.memref_slice %arg12[%mul3A_116, %dma_start3A_121] : memref<10240x16xf32, #tpu.memory_space<vmem_shared>> -> memref<640x16xf32, #tpu.memory_space<vmem_shared>>
        tpu.enqueue_dma source(%dma_start3A_122 : memref<640x16xf32, #tpu.memory_space<vmem_shared>>) target(%dma_start3A_120 : memref<640x16xf32, #tpu.memory_space<hbm>>) target_semaphore(%run_scoped3A : memref<!tpu.dma_semaphore, #tpu.memory_space<semaphore_mem>>)
        %dma_wait3A_123 = arith.constant 0 : i32
        %dma_wait3A_124 = tpu.memref_slice %arg6[%mul3A_118, %dma_wait3A_123] : memref<10240x16xf32, #tpu.memory_space<hbm>> -> memref<640x16xf32, #tpu.memory_space<hbm>>
        %dma_wait3A_125 = arith.constant 0 : i32
        %dma_wait3A_126 = tpu.memref_slice %arg12[%mul3A_116, %dma_wait3A_125] : memref<10240x16xf32, #tpu.memory_space<vmem_shared>> -> memref<640x16xf32, #tpu.memory_space<vmem_shared>>
        tpu.wait_dma2 semaphore(%run_scoped3A : memref<!tpu.dma_semaphore, #tpu.memory_space<semaphore_mem>>) src(%dma_wait3A_126 : memref<640x16xf32, #tpu.memory_space<vmem_shared>>) dst(%dma_wait3A_124 : memref<640x16xf32, #tpu.memory_space<hbm>>)
        tpu.yield
      }) : () -> ()
    } else {
    }
    %eq3A_110 = arith.constant 1 : i32
    %eq3A_111 = arith.cmpi eq, %arg0, %eq3A_110 : i32
    %convert_element_type3A_112 = arith.extui %eq3A_111 : i1 to i32
    %cond3A_113 = arith.constant 0 : i32
    %cond3A_114 = arith.cmpi ne, %convert_element_type3A_112, %cond3A_113 : i32
    scf.if %cond3A_114 {
      %mul3A_115 = arith.constant 640 : i32
      %mul3A_116 = arith.muli %arg1, %mul3A_115 : i32
      %mul3A_117 = arith.constant 640 : i32
      %mul3A_118 = arith.muli %arg1, %mul3A_117 : i32
      "tpu.region"() ({
        %run_scoped3A = tpu.sem_alloc : memref<!tpu.dma_semaphore, #tpu.memory_space<semaphore_mem>>
        %dma_start3A_119 = arith.constant 0 : i32
        %dma_start3A_120 = tpu.memref_slice %arg7[%mul3A_118, %dma_start3A_119] : memref<10240x16xf32, #tpu.memory_space<hbm>> -> memref<640x16xf32, #tpu.memory_space<hbm>>
        %dma_start3A_121 = arith.constant 0 : i32
        %dma_start3A_122 = tpu.memref_slice %arg12[%mul3A_116, %dma_start3A_121] : memref<10240x16xf32, #tpu.memory_space<vmem_shared>> -> memref<640x16xf32, #tpu.memory_space<vmem_shared>>
        tpu.enqueue_dma source(%dma_start3A_122 : memref<640x16xf32, #tpu.memory_space<vmem_shared>>) target(%dma_start3A_120 : memref<640x16xf32, #tpu.memory_space<hbm>>) target_semaphore(%run_scoped3A : memref<!tpu.dma_semaphore, #tpu.memory_space<semaphore_mem>>)
        %dma_wait3A_123 = arith.constant 0 : i32
        %dma_wait3A_124 = tpu.memref_slice %arg7[%mul3A_118, %dma_wait3A_123] : memref<10240x16xf32, #tpu.memory_space<hbm>> -> memref<640x16xf32, #tpu.memory_space<hbm>>
        %dma_wait3A_125 = arith.constant 0 : i32
        %dma_wait3A_126 = tpu.memref_slice %arg12[%mul3A_116, %dma_wait3A_125] : memref<10240x16xf32, #tpu.memory_space<vmem_shared>> -> memref<640x16xf32, #tpu.memory_space<vmem_shared>>
        tpu.wait_dma2 semaphore(%run_scoped3A : memref<!tpu.dma_semaphore, #tpu.memory_space<semaphore_mem>>) src(%dma_wait3A_126 : memref<640x16xf32, #tpu.memory_space<vmem_shared>>) dst(%dma_wait3A_124 : memref<640x16xf32, #tpu.memory_space<hbm>>)
        tpu.yield
      }) : () -> ()
    } else {
    }
    return
  }
}

module attributes {stable_mosaic.version = 14 : i64} {
  func.func @body(%arg0: i32, %arg1: memref<1280x128xf32, #tpu.memory_space<vmem>>, %arg2: memref<128x16xf32, #tpu.memory_space<vmem>>, %arg3: memref<1280x1xf32, #tpu.memory_space<vmem>>, %arg4: memref<1280x1xf32, #tpu.memory_space<vmem>>, %arg5: memref<1280x16xf32, #tpu.memory_space<vmem>>, %arg6: memref<1280x16xf32, #tpu.memory_space<vmem>>) attributes {dimension_semantics = [#tpu.dimension_semantics<arbitrary>], iteration_bounds = array<i64: 8>, scalar_prefetch = 0 : i64, scratch_operands = 0 : i64, tpu.core_type = #tpu.core_type<tc>, window_params = [{transform_indices = @transform_0, window_bounds = array<i64: 1280, 128>}, {pipeline_mode = #tpu.pipeline_mode<synchronous>, transform_indices = @transform_1, window_bounds = array<i64: 128, 16>}, {transform_indices = @transform_2, window_bounds = array<i64: 1280, 1>}, {transform_indices = @transform_3, window_bounds = array<i64: 1280, 1>}, {transform_indices = @transform_4, window_bounds = array<i64: 1280, 16>}, {transform_indices = @transform_5, window_bounds = array<i64: 1280, 16>}]} {
    %get3A = arith.constant 0 : index
    %get3A_0 = arith.constant 0 : index
    %get3A_1 = vector.load %arg1[%get3A, %get3A_0] : memref<1280x128xf32, #tpu.memory_space<vmem>>, vector<1280x128xf32>
    %get3A_2 = arith.constant 0 : index
    %get3A_3 = arith.constant 0 : index
    %get3A_4 = vector.load %arg2[%get3A_2, %get3A_3] : memref<128x16xf32, #tpu.memory_space<vmem>>, vector<128x16xf32>
    %dot_general3A = arith.constant dense<0.000000e+00> : vector<1280x16xf32>
    %dot_general3A_5 = tpu.matmul %get3A_1, %get3A_4, %dot_general3A {dimension_numbers = #tpu.dot_dimension_numbers<[1], [0], [0], [1], [0, 0, 1, 1], [], []>, transpose_lhs_hint = false} : vector<1280x128xf32>, vector<128x16xf32>, vector<1280x16xf32> -> vector<1280x16xf32>
    %get3A_6 = arith.constant 0 : index
    %get3A_7 = arith.constant 0 : index
    %get3A_8 = vector.load %arg3[%get3A_6, %get3A_7] : memref<1280x1xf32, #tpu.memory_space<vmem>>, vector<1280x1xf32>
    %get3A_9 = arith.constant 0 : index
    %get3A_10 = arith.constant 0 : index
    %get3A_11 = vector.load %arg4[%get3A_9, %get3A_10] : memref<1280x1xf32, #tpu.memory_space<vmem>>, vector<1280x1xf32>
    %add3A = arith.addf %get3A_8, %get3A_11 : vector<1280x1xf32>
    %add3A_12 = arith.constant 1.000000e+00 : f32
    %add3A_13 = vector.broadcast %add3A_12 : f32 to vector<1280x1xf32>
    %add3A_14 = arith.addf %add3A, %add3A_13 : vector<1280x1xf32>
    %rsqrt3A = math.rsqrt %add3A_14 : vector<1280x1xf32>
    %broadcast_in_dim3A = vector.shape_cast %rsqrt3A : vector<1280x1xf32> to vector<1280x1xf32>
    %broadcast_in_dim3A_15 = vector.broadcast %broadcast_in_dim3A : vector<1280x1xf32> to vector<1280x16xf32>
    %swap3A = arith.constant 0 : index
    %swap3A_16 = arith.constant 0 : index
    %swap3A_17 = vector.load %arg5[%swap3A, %swap3A_16] : memref<1280x16xf32, #tpu.memory_space<vmem>>, vector<1280x16xf32>
    tpu.vector_store %arg5[%swap3A, %swap3A_16], %broadcast_in_dim3A_15 {strides = array<i32>} : memref<1280x16xf32, #tpu.memory_space<vmem>>, vector<1280x16xf32>,
    %mul3A = vector.broadcast %rsqrt3A : vector<1280x1xf32> to vector<1280x16xf32>
    %mul3A_18 = arith.mulf %dot_general3A_5, %mul3A : vector<1280x16xf32>
    %swap3A_19 = arith.constant 0 : index
    %swap3A_20 = arith.constant 0 : index
    %swap3A_21 = vector.load %arg6[%swap3A_19, %swap3A_20] : memref<1280x16xf32, #tpu.memory_space<vmem>>, vector<1280x16xf32>
    tpu.vector_store %arg6[%swap3A_19, %swap3A_20], %mul3A_18 {strides = array<i32>} : memref<1280x16xf32, #tpu.memory_space<vmem>>, vector<1280x16xf32>,
    return
  }
  func.func @transform_0(%arg0: i32) -> (i32, i32) {
    %c0_i32 = arith.constant 0 : i32
    %c0_i32_0 = arith.constant 0 : i32
    return %arg0, %c0_i32 : i32, i32
  }
  func.func @transform_1(%arg0: i32) -> (i32, i32) {
    %c0_i32 = arith.constant 0 : i32
    %c0_i32_0 = arith.constant 0 : i32
    %c0_i32_1 = arith.constant 0 : i32
    return %c0_i32, %c0_i32_0 : i32, i32
  }
  func.func @transform_2(%arg0: i32) -> (i32, i32) {
    %c0_i32 = arith.constant 0 : i32
    %c0_i32_0 = arith.constant 0 : i32
    return %arg0, %c0_i32 : i32, i32
  }
  func.func @transform_3(%arg0: i32) -> (i32, i32) {
    %c0_i32 = arith.constant 0 : i32
    %c0_i32_0 = arith.constant 0 : i32
    return %arg0, %c0_i32 : i32, i32
  }
  func.func @transform_4(%arg0: i32) -> (i32, i32) {
    %c0_i32 = arith.constant 0 : i32
    %c0_i32_0 = arith.constant 0 : i32
    return %arg0, %c0_i32 : i32, i32
  }
  func.func @transform_5(%arg0: i32) -> (i32, i32) {
    %c0_i32 = arith.constant 0 : i32
    %c0_i32_0 = arith.constant 0 : i32
    return %arg0, %c0_i32 : i32, i32
  }
}

module attributes {stable_mosaic.version = 14 : i64} {
  func.func @body(%arg0: i32, %arg1: memref<1280x16xf32, #tpu.memory_space<vmem>>, %arg2: memref<1280x16xf32, #tpu.memory_space<vmem>>, %arg3: memref<1280x16xf32, #tpu.memory_space<vmem>>, %arg4: memref<1280x16xf32, #tpu.memory_space<vmem>>, %arg5: memref<8x16xf32, #tpu.memory_space<vmem>>, %arg6: memref<16x16xf32, #tpu.memory_space<vmem>>, %arg7: memref<1280x16xf32, #tpu.memory_space<vmem>>, %arg8: memref<1280x16xf32, #tpu.memory_space<vmem>>) attributes {dimension_semantics = [#tpu.dimension_semantics<arbitrary>], iteration_bounds = array<i64: 8>, scalar_prefetch = 0 : i64, scratch_operands = 0 : i64, tpu.core_type = #tpu.core_type<tc>, window_params = [{transform_indices = @transform_0, window_bounds = array<i64: 1280, 16>}, {transform_indices = @transform_1, window_bounds = array<i64: 1280, 16>}, {transform_indices = @transform_2, window_bounds = array<i64: 1280, 16>}, {transform_indices = @transform_3, window_bounds = array<i64: 1280, 16>}, {pipeline_mode = #tpu.pipeline_mode<synchronous>, transform_indices = @transform_4, window_bounds = array<i64: 8, 16>}, {pipeline_mode = #tpu.pipeline_mode<synchronous>, transform_indices = @transform_5, window_bounds = array<i64: 16, 16>}, {transform_indices = @transform_6, window_bounds = array<i64: 1280, 16>}, {transform_indices = @transform_7, window_bounds = array<i64: 1280, 16>}]} {
    %get3A = arith.constant 0 : index
    %get3A_0 = arith.constant 0 : index
    %get3A_1 = vector.load %arg4[%get3A, %get3A_0] : memref<1280x16xf32, #tpu.memory_space<vmem>>, vector<1280x16xf32>
    %get3A_2 = arith.constant 0 : index
    %get3A_3 = arith.constant 0 : index
    %get3A_4 = vector.load %arg1[%get3A_2, %get3A_3] : memref<1280x16xf32, #tpu.memory_space<vmem>>, vector<1280x16xf32>
    %get3A_5 = arith.constant 0 : index
    %get3A_6 = arith.constant 0 : index
    %get3A_7 = vector.load %arg2[%get3A_5, %get3A_6] : memref<1280x16xf32, #tpu.memory_space<vmem>>, vector<1280x16xf32>
    %add3A = arith.addf %get3A_4, %get3A_7 : vector<1280x16xf32>
    %get3A_8 = arith.constant 0 : index
    %get3A_9 = arith.constant 0 : index
    %get3A_10 = vector.load %arg3[%get3A_8, %get3A_9] : memref<1280x16xf32, #tpu.memory_space<vmem>>, vector<1280x16xf32>
    %add3A_11 = arith.addf %add3A, %get3A_10 : vector<1280x16xf32>
    %mul3A = arith.mulf %get3A_1, %add3A_11 : vector<1280x16xf32>
    %get3A_12 = arith.constant 0 : index
    %get3A_13 = arith.constant 0 : index
    %get3A_14 = vector.load %arg5[%get3A_12, %get3A_13] : memref<8x16xf32, #tpu.memory_space<vmem>>, vector<1x16xf32>
    %add3A_15 = vector.broadcast %get3A_14 : vector<1x16xf32> to vector<1280x16xf32>
    %add3A_16 = arith.addf %mul3A, %add3A_15 : vector<1280x16xf32>
    %max3A = arith.constant 0.000000e+00 : f32
    %max3A_17 = vector.broadcast %max3A : f32 to vector<1280x16xf32>
    %max3A_18 = arith.maximumf %add3A_16, %max3A_17 : vector<1280x16xf32>
    %swap3A = arith.constant 0 : index
    %swap3A_19 = arith.constant 0 : index
    %swap3A_20 = vector.load %arg7[%swap3A, %swap3A_19] : memref<1280x16xf32, #tpu.memory_space<vmem>>, vector<1280x16xf32>
    tpu.vector_store %arg7[%swap3A, %swap3A_19], %max3A_18 {strides = array<i32>} : memref<1280x16xf32, #tpu.memory_space<vmem>>, vector<1280x16xf32>,
    %get3A_21 = arith.constant 0 : index
    %get3A_22 = arith.constant 0 : index
    %get3A_23 = vector.load %arg6[%get3A_21, %get3A_22] : memref<16x16xf32, #tpu.memory_space<vmem>>, vector<16x16xf32>
    %dot_general3A = arith.constant dense<0.000000e+00> : vector<1280x16xf32>
    %dot_general3A_24 = tpu.matmul %max3A_18, %get3A_23, %dot_general3A {dimension_numbers = #tpu.dot_dimension_numbers<[1], [0], [0], [1], [0, 0, 1, 1], [], []>, transpose_lhs_hint = false} : vector<1280x16xf32>, vector<16x16xf32>, vector<1280x16xf32> -> vector<1280x16xf32>
    %mul3A_25 = arith.mulf %get3A_1, %dot_general3A_24 : vector<1280x16xf32>
    %swap3A_26 = arith.constant 0 : index
    %swap3A_27 = arith.constant 0 : index
    %swap3A_28 = vector.load %arg8[%swap3A_26, %swap3A_27] : memref<1280x16xf32, #tpu.memory_space<vmem>>, vector<1280x16xf32>
    tpu.vector_store %arg8[%swap3A_26, %swap3A_27], %mul3A_25 {strides = array<i32>} : memref<1280x16xf32, #tpu.memory_space<vmem>>, vector<1280x16xf32>,
    return
  }
  func.func @transform_0(%arg0: i32) -> (i32, i32) {
    %c0_i32 = arith.constant 0 : i32
    %c0_i32_0 = arith.constant 0 : i32
    return %arg0, %c0_i32 : i32, i32
  }
  func.func @transform_1(%arg0: i32) -> (i32, i32) {
    %c0_i32 = arith.constant 0 : i32
    %c0_i32_0 = arith.constant 0 : i32
    return %arg0, %c0_i32 : i32, i32
  }
  func.func @transform_2(%arg0: i32) -> (i32, i32) {
    %c0_i32 = arith.constant 0 : i32
    %c0_i32_0 = arith.constant 0 : i32
    return %arg0, %c0_i32 : i32, i32
  }
  func.func @transform_3(%arg0: i32) -> (i32, i32) {
    %c0_i32 = arith.constant 0 : i32
    %c0_i32_0 = arith.constant 0 : i32
    return %arg0, %c0_i32 : i32, i32
  }
  func.func @transform_4(%arg0: i32) -> (i32, i32) {
    %c0_i32 = arith.constant 0 : i32
    %c0_i32_0 = arith.constant 0 : i32
    %c0_i32_1 = arith.constant 0 : i32
    return %c0_i32, %c0_i32_0 : i32, i32
  }
  func.func @transform_5(%arg0: i32) -> (i32, i32) {
    %c0_i32 = arith.constant 0 : i32
    %c0_i32_0 = arith.constant 0 : i32
    %c0_i32_1 = arith.constant 0 : i32
    return %c0_i32, %c0_i32_0 : i32, i32
  }
  func.func @transform_6(%arg0: i32) -> (i32, i32) {
    %c0_i32 = arith.constant 0 : i32
    %c0_i32_0 = arith.constant 0 : i32
    return %arg0, %c0_i32 : i32, i32
  }
  func.func @transform_7(%arg0: i32) -> (i32, i32) {
    %c0_i32 = arith.constant 0 : i32
    %c0_i32_0 = arith.constant 0 : i32
    return %arg0, %c0_i32 : i32, i32
  }
}

module attributes {stable_mosaic.version = 14 : i64} {
  func.func @body(%arg0: i32, %arg1: memref<1280x16xf32, #tpu.memory_space<vmem>>, %arg2: memref<1280x16xf32, #tpu.memory_space<vmem>>, %arg3: memref<1280x16xf32, #tpu.memory_space<vmem>>, %arg4: memref<1280x16xf32, #tpu.memory_space<vmem>>, %arg5: memref<8x16xf32, #tpu.memory_space<vmem>>, %arg6: memref<1280x16xf32, #tpu.memory_space<vmem>>, %arg7: memref<16x128xf32, #tpu.memory_space<vmem>>, %arg8: memref<32x128xf32, #tpu.memory_space<vmem>>, %arg9: memref<8x128xf32, #tpu.memory_space<vmem>>, %arg10: memref<16x128xf32, #tpu.memory_space<vmem>>, %arg11: memref<32x128xf32, #tpu.memory_space<vmem>>, %arg12: memref<8x128xf32, #tpu.memory_space<vmem>>, %arg13: memref<64x16xf32, #tpu.memory_space<vmem>>, %arg14: memref<1280x16xf32, #tpu.memory_space<vmem>>) attributes {dimension_semantics = [#tpu.dimension_semantics<arbitrary>], iteration_bounds = array<i64: 8>, scalar_prefetch = 0 : i64, scratch_operands = 0 : i64, tpu.core_type = #tpu.core_type<tc>, window_params = [{transform_indices = @transform_0, window_bounds = array<i64: 1280, 16>}, {transform_indices = @transform_1, window_bounds = array<i64: 1280, 16>}, {transform_indices = @transform_2, window_bounds = array<i64: 1280, 16>}, {transform_indices = @transform_3, window_bounds = array<i64: 1280, 16>}, {pipeline_mode = #tpu.pipeline_mode<synchronous>, transform_indices = @transform_4, window_bounds = array<i64: 8, 16>}, {transform_indices = @transform_5, window_bounds = array<i64: 1280, 16>}, {pipeline_mode = #tpu.pipeline_mode<synchronous>, transform_indices = @transform_6, window_bounds = array<i64: 16, 128>}, {pipeline_mode = #tpu.pipeline_mode<synchronous>, transform_indices = @transform_7, window_bounds = array<i64: 32, 128>}, {pipeline_mode = #tpu.pipeline_mode<synchronous>, transform_indices = @transform_8, window_bounds = array<i64: 8, 128>}, {pipeline_mode = #tpu.pipeline_mode<synchronous>, transform_indices = @transform_9, window_bounds = array<i64: 16, 128>}, {pipeline_mode = #tpu.pipeline_mode<synchronous>, transform_indices = @transform_10, window_bounds = array<i64: 32, 128>}, {pipeline_mode = #tpu.pipeline_mode<synchronous>, transform_indices = @transform_11, window_bounds = array<i64: 8, 128>}, {pipeline_mode = #tpu.pipeline_mode<synchronous>, transform_indices = @transform_12, window_bounds = array<i64: 64, 16>}, {transform_indices = @transform_13, window_bounds = array<i64: 1280, 16>}]} {
    %get3A = arith.constant 0 : index
    %get3A_0 = arith.constant 0 : index
    %get3A_1 = vector.load %arg4[%get3A, %get3A_0] : memref<1280x16xf32, #tpu.memory_space<vmem>>, vector<1280x16xf32>
    %get3A_2 = arith.constant 0 : index
    %get3A_3 = arith.constant 0 : index
    %get3A_4 = vector.load %arg6[%get3A_2, %get3A_3] : memref<1280x16xf32, #tpu.memory_space<vmem>>, vector<1280x16xf32>
    %get3A_5 = arith.constant 0 : index
    %get3A_6 = arith.constant 0 : index
    %get3A_7 = vector.load %arg1[%get3A_5, %get3A_6] : memref<1280x16xf32, #tpu.memory_space<vmem>>, vector<1280x16xf32>
    %get3A_8 = arith.constant 0 : index
    %get3A_9 = arith.constant 0 : index
    %get3A_10 = vector.load %arg2[%get3A_8, %get3A_9] : memref<1280x16xf32, #tpu.memory_space<vmem>>, vector<1280x16xf32>
    %add3A = arith.addf %get3A_7, %get3A_10 : vector<1280x16xf32>
    %get3A_11 = arith.constant 0 : index
    %get3A_12 = arith.constant 0 : index
    %get3A_13 = vector.load %arg3[%get3A_11, %get3A_12] : memref<1280x16xf32, #tpu.memory_space<vmem>>, vector<1280x16xf32>
    %add3A_14 = arith.addf %add3A, %get3A_13 : vector<1280x16xf32>
    %mul3A = arith.mulf %get3A_1, %add3A_14 : vector<1280x16xf32>
    %get3A_15 = arith.constant 0 : index
    %get3A_16 = arith.constant 0 : index
    %get3A_17 = vector.load %arg5[%get3A_15, %get3A_16] : memref<8x16xf32, #tpu.memory_space<vmem>>, vector<1x16xf32>
    %add3A_18 = vector.broadcast %get3A_17 : vector<1x16xf32> to vector<1280x16xf32>
    %add3A_19 = arith.addf %mul3A, %add3A_18 : vector<1280x16xf32>
    %max3A = arith.constant 0.000000e+00 : f32
    %max3A_20 = vector.broadcast %max3A : f32 to vector<1280x16xf32>
    %max3A_21 = arith.maximumf %add3A_19, %max3A_20 : vector<1280x16xf32>
    %get3A_22 = arith.constant 0 : index
    %get3A_23 = arith.constant 0 : index
    %get3A_24 = vector.load %arg9[%get3A_22, %get3A_23] : memref<8x128xf32, #tpu.memory_space<vmem>>, vector<1x128xf32>
    %get3A_25 = arith.constant 0 : index
    %get3A_26 = arith.constant 0 : index
    %get3A_27 = vector.load %arg12[%get3A_25, %get3A_26] : memref<8x128xf32, #tpu.memory_space<vmem>>, vector<1x128xf32>
    %get3A_28 = arith.constant 0 : index
    %get3A_29 = arith.constant 0 : index
    %get3A_30 = vector.load %arg7[%get3A_28, %get3A_29] : memref<16x128xf32, #tpu.memory_space<vmem>>, vector<16x128xf32>
    %dot_general3A = arith.constant dense<0.000000e+00> : vector<1280x128xf32>
    %dot_general3A_31 = tpu.matmul %get3A_4, %get3A_30, %dot_general3A {dimension_numbers = #tpu.dot_dimension_numbers<[1], [0], [0], [1], [0, 0, 1, 1], [], []>, transpose_lhs_hint = false} : vector<1280x16xf32>, vector<16x128xf32>, vector<1280x128xf32> -> vector<1280x128xf32>
    %add3A_32 = vector.broadcast %get3A_24 : vector<1x128xf32> to vector<1280x128xf32>
    %add3A_33 = arith.addf %dot_general3A_31, %add3A_32 : vector<1280x128xf32>
    %split3A = vector.extract_strided_slice %add3A_33 {offsets = [0, 0], sizes = [1280, 32], strides = [1, 1]} : vector<1280x128xf32> to vector<1280x32xf32>
    %split3A_34 = vector.extract_strided_slice %add3A_33 {offsets = [0, 32], sizes = [1280, 32], strides = [1, 1]} : vector<1280x128xf32> to vector<1280x32xf32>
    %split3A_35 = vector.extract_strided_slice %add3A_33 {offsets = [0, 64], sizes = [1280, 32], strides = [1, 1]} : vector<1280x128xf32> to vector<1280x32xf32>
    %split3A_36 = vector.extract_strided_slice %add3A_33 {offsets = [0, 96], sizes = [1280, 32], strides = [1, 1]} : vector<1280x128xf32> to vector<1280x32xf32>
    %logistic3A = arith.negf %split3A : vector<1280x32xf32>
    %logistic3A_37 = math.exp %logistic3A : vector<1280x32xf32>
    %logistic3A_38 = arith.constant 1.000000e+00 : f32
    %logistic3A_39 = vector.broadcast %logistic3A_38 : f32 to vector<1280x32xf32>
    %logistic3A_40 = arith.addf %logistic3A_39, %logistic3A_37 : vector<1280x32xf32>
    %logistic3A_41 = arith.divf %logistic3A_39, %logistic3A_40 : vector<1280x32xf32>
    %tanh3A = math.tanh %split3A_35 : vector<1280x32xf32>
    %mul3A_42 = arith.mulf %logistic3A_41, %tanh3A : vector<1280x32xf32>
    %logistic3A_43 = arith.negf %split3A_36 : vector<1280x32xf32>
    %logistic3A_44 = math.exp %logistic3A_43 : vector<1280x32xf32>
    %logistic3A_45 = arith.constant 1.000000e+00 : f32
    %logistic3A_46 = vector.broadcast %logistic3A_45 : f32 to vector<1280x32xf32>
    %logistic3A_47 = arith.addf %logistic3A_46, %logistic3A_44 : vector<1280x32xf32>
    %logistic3A_48 = arith.divf %logistic3A_46, %logistic3A_47 : vector<1280x32xf32>
    %tanh3A_49 = math.tanh %mul3A_42 : vector<1280x32xf32>
    %mul3A_50 = arith.mulf %logistic3A_48, %tanh3A_49 : vector<1280x32xf32>
    %get3A_51 = arith.constant 0 : index
    %get3A_52 = arith.constant 0 : index
    %get3A_53 = vector.load %arg7[%get3A_51, %get3A_52] : memref<16x128xf32, #tpu.memory_space<vmem>>, vector<16x128xf32>
    %get3A_54 = arith.constant 0 : index
    %get3A_55 = arith.constant 0 : index
    %get3A_56 = vector.load %arg8[%get3A_54, %get3A_55] : memref<32x128xf32, #tpu.memory_space<vmem>>, vector<32x128xf32>
    %dot_general3A_57 = arith.constant dense<0.000000e+00> : vector<1280x128xf32>
    %dot_general3A_58 = tpu.matmul %max3A_21, %get3A_53, %dot_general3A_57 {dimension_numbers = #tpu.dot_dimension_numbers<[1], [0], [0], [1], [0, 0, 1, 1], [], []>, transpose_lhs_hint = false} : vector<1280x16xf32>, vector<16x128xf32>, vector<1280x128xf32> -> vector<1280x128xf32>
    %add3A_59 = vector.broadcast %get3A_24 : vector<1x128xf32> to vector<1280x128xf32>
    %add3A_60 = arith.addf %dot_general3A_58, %add3A_59 : vector<1280x128xf32>
    %dot_general3A_61 = arith.constant dense<0.000000e+00> : vector<1280x128xf32>
    %dot_general3A_62 = tpu.matmul %mul3A_50, %get3A_56, %dot_general3A_61 {dimension_numbers = #tpu.dot_dimension_numbers<[1], [0], [0], [1], [0, 0, 1, 1], [], []>, transpose_lhs_hint = false} : vector<1280x32xf32>, vector<32x128xf32>, vector<1280x128xf32> -> vector<1280x128xf32>
    %add3A_63 = arith.addf %add3A_60, %dot_general3A_62 : vector<1280x128xf32>
    %split3A_64 = vector.extract_strided_slice %add3A_63 {offsets = [0, 0], sizes = [1280, 32], strides = [1, 1]} : vector<1280x128xf32> to vector<1280x32xf32>
    %split3A_65 = vector.extract_strided_slice %add3A_63 {offsets = [0, 32], sizes = [1280, 32], strides = [1, 1]} : vector<1280x128xf32> to vector<1280x32xf32>
    %split3A_66 = vector.extract_strided_slice %add3A_63 {offsets = [0, 64], sizes = [1280, 32], strides = [1, 1]} : vector<1280x128xf32> to vector<1280x32xf32>
    %split3A_67 = vector.extract_strided_slice %add3A_63 {offsets = [0, 96], sizes = [1280, 32], strides = [1, 1]} : vector<1280x128xf32> to vector<1280x32xf32>
    %logistic3A_68 = arith.negf %split3A_64 : vector<1280x32xf32>
    %logistic3A_69 = math.exp %logistic3A_68 : vector<1280x32xf32>
    %logistic3A_70 = arith.constant 1.000000e+00 : f32
    %logistic3A_71 = vector.broadcast %logistic3A_70 : f32 to vector<1280x32xf32>
    %logistic3A_72 = arith.addf %logistic3A_71, %logistic3A_69 : vector<1280x32xf32>
    %logistic3A_73 = arith.divf %logistic3A_71, %logistic3A_72 : vector<1280x32xf32>
    %tanh3A_74 = math.tanh %split3A_66 : vector<1280x32xf32>
    %mul3A_75 = arith.mulf %logistic3A_73, %tanh3A_74 : vector<1280x32xf32>
    %logistic3A_76 = arith.negf %split3A_65 : vector<1280x32xf32>
    %logistic3A_77 = math.exp %logistic3A_76 : vector<1280x32xf32>
    %logistic3A_78 = arith.constant 1.000000e+00 : f32
    %logistic3A_79 = vector.broadcast %logistic3A_78 : f32 to vector<1280x32xf32>
    %logistic3A_80 = arith.addf %logistic3A_79, %logistic3A_77 : vector<1280x32xf32>
    %logistic3A_81 = arith.divf %logistic3A_79, %logistic3A_80 : vector<1280x32xf32>
    %mul3A_82 = arith.mulf %logistic3A_81, %mul3A_42 : vector<1280x32xf32>
    %add3A_83 = arith.addf %mul3A_75, %mul3A_82 : vector<1280x32xf32>
    %logistic3A_84 = arith.negf %split3A_67 : vector<1280x32xf32>
    %logistic3A_85 = math.exp %logistic3A_84 : vector<1280x32xf32>
    %logistic3A_86 = arith.constant 1.000000e+00 : f32
    %logistic3A_87 = vector.broadcast %logistic3A_86 : f32 to vector<1280x32xf32>
    %logistic3A_88 = arith.addf %logistic3A_87, %logistic3A_85 : vector<1280x32xf32>
    %logistic3A_89 = arith.divf %logistic3A_87, %logistic3A_88 : vector<1280x32xf32>
    %tanh3A_90 = math.tanh %add3A_83 : vector<1280x32xf32>
    %mul3A_91 = arith.mulf %logistic3A_89, %tanh3A_90 : vector<1280x32xf32>
    %get3A_92 = arith.constant 0 : index
    %get3A_93 = arith.constant 0 : index
    %get3A_94 = vector.load %arg10[%get3A_92, %get3A_93] : memref<16x128xf32, #tpu.memory_space<vmem>>, vector<16x128xf32>
    %dot_general3A_95 = arith.constant dense<0.000000e+00> : vector<1280x128xf32>
    %dot_general3A_96 = tpu.matmul %max3A_21, %get3A_94, %dot_general3A_95 {dimension_numbers = #tpu.dot_dimension_numbers<[1], [0], [0], [1], [0, 0, 1, 1], [], []>, transpose_lhs_hint = false} : vector<1280x16xf32>, vector<16x128xf32>, vector<1280x128xf32> -> vector<1280x128xf32>
    %add3A_97 = vector.broadcast %get3A_27 : vector<1x128xf32> to vector<1280x128xf32>
    %add3A_98 = arith.addf %dot_general3A_96, %add3A_97 : vector<1280x128xf32>
    %split3A_99 = vector.extract_strided_slice %add3A_98 {offsets = [0, 0], sizes = [1280, 32], strides = [1, 1]} : vector<1280x128xf32> to vector<1280x32xf32>
    %split3A_100 = vector.extract_strided_slice %add3A_98 {offsets = [0, 32], sizes = [1280, 32], strides = [1, 1]} : vector<1280x128xf32> to vector<1280x32xf32>
    %split3A_101 = vector.extract_strided_slice %add3A_98 {offsets = [0, 64], sizes = [1280, 32], strides = [1, 1]} : vector<1280x128xf32> to vector<1280x32xf32>
    %split3A_102 = vector.extract_strided_slice %add3A_98 {offsets = [0, 96], sizes = [1280, 32], strides = [1, 1]} : vector<1280x128xf32> to vector<1280x32xf32>
    %logistic3A_103 = arith.negf %split3A_99 : vector<1280x32xf32>
    %logistic3A_104 = math.exp %logistic3A_103 : vector<1280x32xf32>
    %logistic3A_105 = arith.constant 1.000000e+00 : f32
    %logistic3A_106 = vector.broadcast %logistic3A_105 : f32 to vector<1280x32xf32>
    %logistic3A_107 = arith.addf %logistic3A_106, %logistic3A_104 : vector<1280x32xf32>
    %logistic3A_108 = arith.divf %logistic3A_106, %logistic3A_107 : vector<1280x32xf32>
    %tanh3A_109 = math.tanh %split3A_101 : vector<1280x32xf32>
    %mul3A_110 = arith.mulf %logistic3A_108, %tanh3A_109 : vector<1280x32xf32>
    %logistic3A_111 = arith.negf %split3A_102 : vector<1280x32xf32>
    %logistic3A_112 = math.exp %logistic3A_111 : vector<1280x32xf32>
    %logistic3A_113 = arith.constant 1.000000e+00 : f32
    %logistic3A_114 = vector.broadcast %logistic3A_113 : f32 to vector<1280x32xf32>
    %logistic3A_115 = arith.addf %logistic3A_114, %logistic3A_112 : vector<1280x32xf32>
    %logistic3A_116 = arith.divf %logistic3A_114, %logistic3A_115 : vector<1280x32xf32>
    %tanh3A_117 = math.tanh %mul3A_110 : vector<1280x32xf32>
    %mul3A_118 = arith.mulf %logistic3A_116, %tanh3A_117 : vector<1280x32xf32>
    %get3A_119 = arith.constant 0 : index
    %get3A_120 = arith.constant 0 : index
    %get3A_121 = vector.load %arg10[%get3A_119, %get3A_120] : memref<16x128xf32, #tpu.memory_space<vmem>>, vector<16x128xf32>
    %get3A_122 = arith.constant 0 : index
    %get3A_123 = arith.constant 0 : index
    %get3A_124 = vector.load %arg11[%get3A_122, %get3A_123] : memref<32x128xf32, #tpu.memory_space<vmem>>, vector<32x128xf32>
    %dot_general3A_125 = arith.constant dense<0.000000e+00> : vector<1280x128xf32>
    %dot_general3A_126 = tpu.matmul %get3A_4, %get3A_121, %dot_general3A_125 {dimension_numbers = #tpu.dot_dimension_numbers<[1], [0], [0], [1], [0, 0, 1, 1], [], []>, transpose_lhs_hint = false} : vector<1280x16xf32>, vector<16x128xf32>, vector<1280x128xf32> -> vector<1280x128xf32>
    %add3A_127 = vector.broadcast %get3A_27 : vector<1x128xf32> to vector<1280x128xf32>
    %add3A_128 = arith.addf %dot_general3A_126, %add3A_127 : vector<1280x128xf32>
    %dot_general3A_129 = arith.constant dense<0.000000e+00> : vector<1280x128xf32>
    %dot_general3A_130 = tpu.matmul %mul3A_118, %get3A_124, %dot_general3A_129 {dimension_numbers = #tpu.dot_dimension_numbers<[1], [0], [0], [1], [0, 0, 1, 1], [], []>, transpose_lhs_hint = false} : vector<1280x32xf32>, vector<32x128xf32>, vector<1280x128xf32> -> vector<1280x128xf32>
    %add3A_131 = arith.addf %add3A_128, %dot_general3A_130 : vector<1280x128xf32>
    %split3A_132 = vector.extract_strided_slice %add3A_131 {offsets = [0, 0], sizes = [1280, 32], strides = [1, 1]} : vector<1280x128xf32> to vector<1280x32xf32>
    %split3A_133 = vector.extract_strided_slice %add3A_131 {offsets = [0, 32], sizes = [1280, 32], strides = [1, 1]} : vector<1280x128xf32> to vector<1280x32xf32>
    %split3A_134 = vector.extract_strided_slice %add3A_131 {offsets = [0, 64], sizes = [1280, 32], strides = [1, 1]} : vector<1280x128xf32> to vector<1280x32xf32>
    %split3A_135 = vector.extract_strided_slice %add3A_131 {offsets = [0, 96], sizes = [1280, 32], strides = [1, 1]} : vector<1280x128xf32> to vector<1280x32xf32>
    %logistic3A_136 = arith.negf %split3A_132 : vector<1280x32xf32>
    %logistic3A_137 = math.exp %logistic3A_136 : vector<1280x32xf32>
    %logistic3A_138 = arith.constant 1.000000e+00 : f32
    %logistic3A_139 = vector.broadcast %logistic3A_138 : f32 to vector<1280x32xf32>
    %logistic3A_140 = arith.addf %logistic3A_139, %logistic3A_137 : vector<1280x32xf32>
    %logistic3A_141 = arith.divf %logistic3A_139, %logistic3A_140 : vector<1280x32xf32>
    %tanh3A_142 = math.tanh %split3A_134 : vector<1280x32xf32>
    %mul3A_143 = arith.mulf %logistic3A_141, %tanh3A_142 : vector<1280x32xf32>
    %logistic3A_144 = arith.negf %split3A_133 : vector<1280x32xf32>
    %logistic3A_145 = math.exp %logistic3A_144 : vector<1280x32xf32>
    %logistic3A_146 = arith.constant 1.000000e+00 : f32
    %logistic3A_147 = vector.broadcast %logistic3A_146 : f32 to vector<1280x32xf32>
    %logistic3A_148 = arith.addf %logistic3A_147, %logistic3A_145 : vector<1280x32xf32>
    %logistic3A_149 = arith.divf %logistic3A_147, %logistic3A_148 : vector<1280x32xf32>
    %mul3A_150 = arith.mulf %logistic3A_149, %mul3A_110 : vector<1280x32xf32>
    %add3A_151 = arith.addf %mul3A_143, %mul3A_150 : vector<1280x32xf32>
    %logistic3A_152 = arith.negf %split3A_135 : vector<1280x32xf32>
    %logistic3A_153 = math.exp %logistic3A_152 : vector<1280x32xf32>
    %logistic3A_154 = arith.constant 1.000000e+00 : f32
    %logistic3A_155 = vector.broadcast %logistic3A_154 : f32 to vector<1280x32xf32>
    %logistic3A_156 = arith.addf %logistic3A_155, %logistic3A_153 : vector<1280x32xf32>
    %logistic3A_157 = arith.divf %logistic3A_155, %logistic3A_156 : vector<1280x32xf32>
    %tanh3A_158 = math.tanh %add3A_151 : vector<1280x32xf32>
    %mul3A_159 = arith.mulf %logistic3A_157, %tanh3A_158 : vector<1280x32xf32>
    %get3A_160 = arith.constant 0 : index
    %get3A_161 = arith.constant 0 : index
    %get3A_162 = vector.load %arg13[%get3A_160, %get3A_161] : memref<64x16xf32, #tpu.memory_space<vmem>>, vector<64x16xf32>
    %concatenate3A = tpu.concatenate %mul3A_50, %mul3A_159 in 1 : vector<1280x32xf32>, vector<1280x32xf32> -> vector<1280x64xf32>
    %dot_general3A_163 = arith.constant dense<0.000000e+00> : vector<1280x16xf32>
    %dot_general3A_164 = tpu.matmul %concatenate3A, %get3A_162, %dot_general3A_163 {dimension_numbers = #tpu.dot_dimension_numbers<[1], [0], [0], [1], [0, 0, 1, 1], [], []>, transpose_lhs_hint = false} : vector<1280x64xf32>, vector<64x16xf32>, vector<1280x16xf32> -> vector<1280x16xf32>
    %concatenate3A_165 = tpu.concatenate %mul3A_91, %mul3A_118 in 1 : vector<1280x32xf32>, vector<1280x32xf32> -> vector<1280x64xf32>
    %dot_general3A_166 = arith.constant dense<0.000000e+00> : vector<1280x16xf32>
    %dot_general3A_167 = tpu.matmul %concatenate3A_165, %get3A_162, %dot_general3A_166 {dimension_numbers = #tpu.dot_dimension_numbers<[1], [0], [0], [1], [0, 0, 1, 1], [], []>, transpose_lhs_hint = false} : vector<1280x64xf32>, vector<64x16xf32>, vector<1280x16xf32> -> vector<1280x16xf32>
    %max3A_168 = arith.maximumf %dot_general3A_164, %dot_general3A_167 : vector<1280x16xf32>
    %sub3A = arith.subf %dot_general3A_164, %max3A_168 : vector<1280x16xf32>
    %exp3A = math.exp %sub3A : vector<1280x16xf32>
    %sub3A_169 = arith.subf %dot_general3A_167, %max3A_168 : vector<1280x16xf32>
    %exp3A_170 = math.exp %sub3A_169 : vector<1280x16xf32>
    %mul3A_171 = arith.mulf %exp3A, %get3A_4 : vector<1280x16xf32>
    %mul3A_172 = arith.mulf %exp3A_170, %max3A_21 : vector<1280x16xf32>
    %add3A_173 = arith.addf %mul3A_171, %mul3A_172 : vector<1280x16xf32>
    %add3A_174 = arith.addf %exp3A, %exp3A_170 : vector<1280x16xf32>
    %div3A = arith.divf %add3A_173, %add3A_174 : vector<1280x16xf32>
    %mul3A_175 = arith.mulf %get3A_1, %div3A : vector<1280x16xf32>
    %swap3A = arith.constant 0 : index
    %swap3A_176 = arith.constant 0 : index
    %swap3A_177 = vector.load %arg14[%swap3A, %swap3A_176] : memref<1280x16xf32, #tpu.memory_space<vmem>>, vector<1280x16xf32>
    tpu.vector_store %arg14[%swap3A, %swap3A_176], %mul3A_175 {strides = array<i32>} : memref<1280x16xf32, #tpu.memory_space<vmem>>, vector<1280x16xf32>,
    return
  }
  func.func @transform_0(%arg0: i32) -> (i32, i32) {
    %c0_i32 = arith.constant 0 : i32
    %c0_i32_0 = arith.constant 0 : i32
    return %arg0, %c0_i32 : i32, i32
  }
  func.func @transform_1(%arg0: i32) -> (i32, i32) {
    %c0_i32 = arith.constant 0 : i32
    %c0_i32_0 = arith.constant 0 : i32
    return %arg0, %c0_i32 : i32, i32
  }
  func.func @transform_2(%arg0: i32) -> (i32, i32) {
    %c0_i32 = arith.constant 0 : i32
    %c0_i32_0 = arith.constant 0 : i32
    return %arg0, %c0_i32 : i32, i32
  }
  func.func @transform_3(%arg0: i32) -> (i32, i32) {
    %c0_i32 = arith.constant 0 : i32
    %c0_i32_0 = arith.constant 0 : i32
    return %arg0, %c0_i32 : i32, i32
  }
  func.func @transform_4(%arg0: i32) -> (i32, i32) {
    %c0_i32 = arith.constant 0 : i32
    %c0_i32_0 = arith.constant 0 : i32
    %c0_i32_1 = arith.constant 0 : i32
    return %c0_i32, %c0_i32_0 : i32, i32
  }
  func.func @transform_5(%arg0: i32) -> (i32, i32) {
    %c0_i32 = arith.constant 0 : i32
    %c0_i32_0 = arith.constant 0 : i32
    return %arg0, %c0_i32 : i32, i32
  }
  func.func @transform_6(%arg0: i32) -> (i32, i32) {
    %c0_i32 = arith.constant 0 : i32
    %c0_i32_0 = arith.constant 0 : i32
    %c0_i32_1 = arith.constant 0 : i32
    return %c0_i32, %c0_i32_0 : i32, i32
  }
  func.func @transform_7(%arg0: i32) -> (i32, i32) {
    %c0_i32 = arith.constant 0 : i32
    %c0_i32_0 = arith.constant 0 : i32
    %c0_i32_1 = arith.constant 0 : i32
    return %c0_i32, %c0_i32_0 : i32, i32
  }
  func.func @transform_8(%arg0: i32) -> (i32, i32) {
    %c0_i32 = arith.constant 0 : i32
    %c0_i32_0 = arith.constant 0 : i32
    %c0_i32_1 = arith.constant 0 : i32
    return %c0_i32, %c0_i32_0 : i32, i32
  }
  func.func @transform_9(%arg0: i32) -> (i32, i32) {
    %c0_i32 = arith.constant 0 : i32
    %c0_i32_0 = arith.constant 0 : i32
    %c0_i32_1 = arith.constant 0 : i32
    return %c0_i32, %c0_i32_0 : i32, i32
  }
  func.func @transform_10(%arg0: i32) -> (i32, i32) {
    %c0_i32 = arith.constant 0 : i32
    %c0_i32_0 = arith.constant 0 : i32
    %c0_i32_1 = arith.constant 0 : i32
    return %c0_i32, %c0_i32_0 : i32, i32
  }
  func.func @transform_11(%arg0: i32) -> (i32, i32) {
    %c0_i32 = arith.constant 0 : i32
    %c0_i32_0 = arith.constant 0 : i32
    %c0_i32_1 = arith.constant 0 : i32
    return %c0_i32, %c0_i32_0 : i32, i32
  }
  func.func @transform_12(%arg0: i32) -> (i32, i32) {
    %c0_i32 = arith.constant 0 : i32
    %c0_i32_0 = arith.constant 0 : i32
    %c0_i32_1 = arith.constant 0 : i32
    return %c0_i32, %c0_i32_0 : i32, i32
  }
  func.func @transform_13(%arg0: i32) -> (i32, i32) {
    %c0_i32 = arith.constant 0 : i32
    %c0_i32_0 = arith.constant 0 : i32
    return %arg0, %c0_i32 : i32, i32
  }
}

module attributes {stable_mosaic.version = 14 : i64} {
  func.func @body(%arg0: i32, %arg1: memref<1280x16xf32, #tpu.memory_space<vmem>>, %arg2: memref<1280x16xf32, #tpu.memory_space<vmem>>, %arg3: memref<1280x16xf32, #tpu.memory_space<vmem>>, %arg4: memref<1280x16xf32, #tpu.memory_space<vmem>>, %arg5: memref<16x16xf32, #tpu.memory_space<vmem>>, %arg6: memref<8x16xf32, #tpu.memory_space<vmem>>, %arg7: memref<1280x16xf32, #tpu.memory_space<vmem>>) attributes {dimension_semantics = [#tpu.dimension_semantics<arbitrary>], iteration_bounds = array<i64: 8>, scalar_prefetch = 0 : i64, scratch_operands = 0 : i64, tpu.core_type = #tpu.core_type<tc>, window_params = [{transform_indices = @transform_0, window_bounds = array<i64: 1280, 16>}, {transform_indices = @transform_1, window_bounds = array<i64: 1280, 16>}, {transform_indices = @transform_2, window_bounds = array<i64: 1280, 16>}, {transform_indices = @transform_3, window_bounds = array<i64: 1280, 16>}, {pipeline_mode = #tpu.pipeline_mode<synchronous>, transform_indices = @transform_4, window_bounds = array<i64: 16, 16>}, {pipeline_mode = #tpu.pipeline_mode<synchronous>, transform_indices = @transform_5, window_bounds = array<i64: 8, 16>}, {transform_indices = @transform_6, window_bounds = array<i64: 1280, 16>}]} {
    %get3A = arith.constant 0 : index
    %get3A_0 = arith.constant 0 : index
    %get3A_1 = vector.load %arg4[%get3A, %get3A_0] : memref<1280x16xf32, #tpu.memory_space<vmem>>, vector<1280x16xf32>
    %get3A_2 = arith.constant 0 : index
    %get3A_3 = arith.constant 0 : index
    %get3A_4 = vector.load %arg1[%get3A_2, %get3A_3] : memref<1280x16xf32, #tpu.memory_space<vmem>>, vector<1280x16xf32>
    %get3A_5 = arith.constant 0 : index
    %get3A_6 = arith.constant 0 : index
    %get3A_7 = vector.load %arg2[%get3A_5, %get3A_6] : memref<1280x16xf32, #tpu.memory_space<vmem>>, vector<1280x16xf32>
    %add3A = arith.addf %get3A_4, %get3A_7 : vector<1280x16xf32>
    %get3A_8 = arith.constant 0 : index
    %get3A_9 = arith.constant 0 : index
    %get3A_10 = vector.load %arg3[%get3A_8, %get3A_9] : memref<1280x16xf32, #tpu.memory_space<vmem>>, vector<1280x16xf32>
    %add3A_11 = arith.addf %add3A, %get3A_10 : vector<1280x16xf32>
    %mul3A = arith.mulf %get3A_1, %add3A_11 : vector<1280x16xf32>
    %get3A_12 = arith.constant 0 : index
    %get3A_13 = arith.constant 0 : index
    %get3A_14 = vector.load %arg5[%get3A_12, %get3A_13] : memref<16x16xf32, #tpu.memory_space<vmem>>, vector<16x16xf32>
    %dot_general3A = arith.constant dense<0.000000e+00> : vector<1280x16xf32>
    %dot_general3A_15 = tpu.matmul %mul3A, %get3A_14, %dot_general3A {dimension_numbers = #tpu.dot_dimension_numbers<[1], [0], [0], [1], [0, 0, 1, 1], [], []>, transpose_lhs_hint = false} : vector<1280x16xf32>, vector<16x16xf32>, vector<1280x16xf32> -> vector<1280x16xf32>
    %get3A_16 = arith.constant 0 : index
    %get3A_17 = arith.constant 0 : index
    %get3A_18 = vector.load %arg6[%get3A_16, %get3A_17] : memref<8x16xf32, #tpu.memory_space<vmem>>, vector<1x16xf32>
    %add3A_19 = vector.broadcast %get3A_18 : vector<1x16xf32> to vector<1280x16xf32>
    %add3A_20 = arith.addf %dot_general3A_15, %add3A_19 : vector<1280x16xf32>
    %reduce_max3A = arith.constant dense<0xFF800000> : vector<1280xf32>
    %reduce_max3A_21 = vector.multi_reduction <maximumf>, %add3A_20, %reduce_max3A [1] : vector<1280x16xf32> to vector<1280xf32>
    %broadcast_in_dim3A = vector.shape_cast %reduce_max3A_21 : vector<1280xf32> to vector<1280x1xf32>
    %sub3A = vector.broadcast %broadcast_in_dim3A : vector<1280x1xf32> to vector<1280x16xf32>
    %sub3A_22 = arith.subf %add3A_20, %sub3A : vector<1280x16xf32>
    %exp3A = math.exp %sub3A_22 : vector<1280x16xf32>
    %sub3A_23 = vector.broadcast %broadcast_in_dim3A : vector<1280x1xf32> to vector<1280x16xf32>
    %sub3A_24 = arith.subf %add3A_20, %sub3A_23 : vector<1280x16xf32>
    %reduce_sum3A = arith.constant dense<0.000000e+00> : vector<1280xf32>
    %reduce_sum3A_25 = vector.multi_reduction <add>, %exp3A, %reduce_sum3A [1] : vector<1280x16xf32> to vector<1280xf32>
    %broadcast_in_dim3A_26 = vector.shape_cast %reduce_sum3A_25 : vector<1280xf32> to vector<1280x1xf32>
    %log3A = math.log %broadcast_in_dim3A_26 : vector<1280x1xf32>
    %sub3A_27 = vector.broadcast %log3A : vector<1280x1xf32> to vector<1280x16xf32>
    %sub3A_28 = arith.subf %sub3A_24, %sub3A_27 : vector<1280x16xf32>
    %swap3A = arith.constant 0 : index
    %swap3A_29 = arith.constant 0 : index
    %swap3A_30 = vector.load %arg7[%swap3A, %swap3A_29] : memref<1280x16xf32, #tpu.memory_space<vmem>>, vector<1280x16xf32>
    tpu.vector_store %arg7[%swap3A, %swap3A_29], %sub3A_28 {strides = array<i32>} : memref<1280x16xf32, #tpu.memory_space<vmem>>, vector<1280x16xf32>,
    return
  }
  func.func @transform_0(%arg0: i32) -> (i32, i32) {
    %c0_i32 = arith.constant 0 : i32
    %c0_i32_0 = arith.constant 0 : i32
    return %arg0, %c0_i32 : i32, i32
  }
  func.func @transform_1(%arg0: i32) -> (i32, i32) {
    %c0_i32 = arith.constant 0 : i32
    %c0_i32_0 = arith.constant 0 : i32
    return %arg0, %c0_i32 : i32, i32
  }
  func.func @transform_2(%arg0: i32) -> (i32, i32) {
    %c0_i32 = arith.constant 0 : i32
    %c0_i32_0 = arith.constant 0 : i32
    return %arg0, %c0_i32 : i32, i32
  }
  func.func @transform_3(%arg0: i32) -> (i32, i32) {
    %c0_i32 = arith.constant 0 : i32
    %c0_i32_0 = arith.constant 0 : i32
    return %arg0, %c0_i32 : i32, i32
  }
  func.func @transform_4(%arg0: i32) -> (i32, i32) {
    %c0_i32 = arith.constant 0 : i32
    %c0_i32_0 = arith.constant 0 : i32
    %c0_i32_1 = arith.constant 0 : i32
    return %c0_i32, %c0_i32_0 : i32, i32
  }
  func.func @transform_5(%arg0: i32) -> (i32, i32) {
    %c0_i32 = arith.constant 0 : i32
    %c0_i32_0 = arith.constant 0 : i32
    %c0_i32_1 = arith.constant 0 : i32
    return %c0_i32, %c0_i32_0 : i32, i32
  }
  func.func @transform_6(%arg0: i32) -> (i32, i32) {
    %c0_i32 = arith.constant 0 : i32
    %c0_i32_0 = arith.constant 0 : i32
    return %arg0, %c0_i32 : i32, i32
  }
}

</mosaic_0001>

<sc_bundles>
// kernel: kernel.10.cloned.1.call-start
scs
__scs_entry_jumppad:
0x0: {  	(pc) =	sbr.rel $0x88, $3  }
0x1: {  	(tag) =	ssettag $0x0;
	lr =	simm.s32 $0x1  }
0x2: {  	[smem:$0x3F90] =	sst lr;
	_ =	strace $0xD0000000  }
0x3: {  	_ = 	snop  }
0x4: {  	_ = 	snop  }
0x5: {  	_ = 	snop  }
0x6: {  	_ = 	snop  }
0x7: {  	_ = 	snop  }
__scs_overlays_trampoline_lowered:
0x8: {  	[smem:$0x3F9F] =	sst s0  }
0x9: {  	[smem:$0x3FA0] =	sst s1  }
0xa: {  	[smem:$0x3FA1] =	sst s2  }
0xb: {  	[smem:$0x3FA2] =	sst s3  }
0xc: {  	[smem:$0x3FA3] =	sst s4  }
0xd: {  	[smem:$0x3FA4] =	sst s5  }
0xe: {  	[smem:$0x3FA5] =	sst s6  }
0xf: {  	[smem:$0x3FA6] =	sst s7  }
0x10: {  	[smem:$0x3FA7] =	sst s8  }
0x11: {  	[smem:$0x3FA8] =	sst s9;
	s0 =	simm.s32 @!p0 $0x0  }
0x12: {  	s1 =	sld [smem:$0x3F8E];
	s0 =	simm.s32 @p0 $0x1  }
0x13: {  	[smem:$0x3FA9] =	sst s0;
	s0 =	simm.s32 @!p1 $0x0  }
0x14: {  	s2 =	sld [smem:$0x3F8D];
	s0 =	simm.s32 @p1 $0x1  }
0x15: {  	[smem:$0x3FAA] =	sst s0;
	s0 =	simm.s32 @!p2 $0x0  }
0x16: {  	s3 =	sld [smem:$0x3FDB];
	s0 =	simm.s32 @p2 $0x1  }
0x17: {  	s4 =	simm.s32 $0x1BF5;
	[smem:$0x3FAC] =	sst s0  }
0x18: {  	s0 =	sld [smem:$0x3F8F];
	_ =	swait.ge [sflag:s4], $0x0  }
0x19: {  	s7 =	sld [smem:$0x3F90]  }
0x1a: {  	s8 =	sadd.s32 $0xFFFFE003, lr  }
0x1b: {  	s9 =	sadd.s32 $0xFFFFFEF7, lr;
	s5 =	simm.s32 $0xFFFFFFFF;
	p2 =	slt.u32 s8, $0xFFFFF086  }
0x1c: {  	p1 =	slt.u32 s9, $0xF7A;
	s5 =	simm.s32 @!p2 $0x0  }
0x1d: {  	s5 =	simm.s32 @p1 $0x1;
	p0 =	seq.s32 s7, s2  }
0x1e: {  	s7 =	smul.u32 @!p0 $0xF7A, s2;
	p2 =	seq.s32 @!p0 s5, $0x0  }
0x1f: {  	s9 =	smul.u32 $0xF7A, s1;
	s8 =	simm.s32 @!p0 $0x1BF5;
	p2 =	por !p2, p0  }
0x20: {  	[sflag:s8] =	ssyncset.s32 @!p0 $0xFFFFF086;
	s6 =	sadd.s32 @!p0 s3, s7;
	s7 =	simm.s32 @!p0 $0x108  }
0x21: {  	s3 =	sadd.s32 s3, s9;
	s6 =	sadd.s32 @!p0 $0x88, s6;
	s7 =	simm.s32 @p2 $0x1082  }
0x22: {  	[simem:s7], [sflag:s8] =	dma.local @!p0 [hbm:s6], $0xF7A  }
0x23: {  	s9 =	sor.u32 $0xD0000000, s2;
	s6 =	simm.s32 $0x108;
	_ =	swait.ge @!p0 [sflag:s8], $0x0  }
0x24: {  	s3 =	sadd.s32 $0x88, s3;
	s6 =	simm.s32 @!p1 $0x1082;
	[sflag:s4] =	ssyncset.s32 $0xFFFFF086  }
0x25: {  	[simem:s6], [sflag:s4] =	dma.local [hbm:s3], $0xF7A  }
0x26: {  	[smem:$0x3F90] =	sst s1;
	(tag) =	ssettag s2;
	_ =	strace s9  }
0x27: {  	s1 =	sld [smem:$0x3FA0]  }
0x28: {  	s2 =	sld [smem:$0x3FA1]  }
0x29: {  	s4 =	sld [smem:$0x3FA3]  }
0x2a: {  	p0 =	seq.s32 s5, $0x0;
	s5 =	sld [smem:$0x3FA4]  }
0x2b: {  	s6 =	sld [smem:$0x3FA5]  }
0x2c: {  	s7 =	sld [smem:$0x3FA6]  }
0x2d: {  	s3 =	simm.s32 $0x108;
	s8 =	sld [smem:$0x3FA7]  }
0x2e: {  	s3 =	simm.s32 @!p0 $0x1082;
	s9 =	sld [smem:$0x3FA8]  }
0x2f: {  	lr =	sadd.s32 s0, s3;
	s0 =	sld [smem:$0x3F9F]  }
0x30: {  	s3 =	sld [smem:$0x3FA2]  }
0x31: {  	[smem:$0x3FAB] =	sst s10  }
0x32: {  	s10 =	sld [smem:$0x3FA9];
	_ =	sdelay $0x3  }
0x33: {  	p0 =	seq.s32 s10, $0x1;
	s10 =	sld [smem:$0x3FAB];
	_ =	sdelay $0x3  }
0x34: {  	[smem:$0x3FAB] =	sst s10  }
0x35: {  	s10 =	sld [smem:$0x3FAA];
	_ =	sdelay $0x3  }
0x36: {  	p1 =	seq.s32 s10, $0x1;
	s10 =	sld [smem:$0x3FAB];
	_ =	sdelay $0x3  }
0x37: {  	[smem:$0x3FAB] =	sst s10  }
0x38: {  	s10 =	sld [smem:$0x3FAC]  }
0x39: {  	_ = 	snop;
	(pc) =	sbr.ind lr, $3  }
0x3a: {  	_ = 	snop  }
0x3b: {  	_ = 	snop  }
0x3c: {  	p2 =	seq.s32 s10, $0x1;
	s10 =	sld [smem:$0x3FAB]  }
0x3d: {  	_ =	shalt  }
0x3e: {  	_ =	shalt  }
0x3f: {  	_ =	shalt  }
0x40: {  	_ =	shalt  }
0x41: {  	_ =	shalt  }
0x42: {  	_ =	shalt  }
0x43: {  	_ =	shalt  }
0x44: {  	_ =	shalt  }
0x45: {  	_ =	shalt  }
0x46: {  	_ =	shalt  }
0x47: {  	_ =	shalt  }
0x48: {  	_ =	shalt  }
0x49: {  	_ =	shalt  }
0x4a: {  	_ =	shalt  }
0x4b: {  	_ =	shalt  }
0x4c: {  	_ =	shalt  }
0x4d: {  	_ =	shalt  }
0x4e: {  	_ =	shalt  }
0x4f: {  	_ =	shalt  }
0x50: {  	_ =	shalt  }
0x51: {  	_ =	shalt  }
0x52: {  	_ =	shalt  }
0x53: {  	_ =	shalt  }
0x54: {  	_ =	shalt  }
0x55: {  	_ =	shalt  }
0x56: {  	_ =	shalt  }
0x57: {  	_ =	shalt  }
0x58: {  	_ =	shalt  }
0x59: {  	_ =	shalt  }
0x5a: {  	_ =	shalt  }
0x5b: {  	_ =	shalt  }
0x5c: {  	_ =	shalt  }
0x5d: {  	_ =	shalt  }
0x5e: {  	_ =	shalt  }
0x5f: {  	_ =	shalt  }
0x60: {  	_ =	shalt  }
0x61: {  	_ =	shalt  }
0x62: {  	_ =	shalt  }
0x63: {  	_ =	shalt  }
0x64: {  	_ =	shalt  }
0x65: {  	_ =	shalt  }
0x66: {  	_ =	shalt  }
0x67: {  	_ =	shalt  }
0x68: {  	_ =	shalt  }
0x69: {  	_ =	shalt  }
0x6a: {  	_ =	shalt  }
0x6b: {  	_ =	shalt  }
0x6c: {  	_ =	shalt  }
0x6d: {  	_ =	shalt  }
0x6e: {  	_ =	shalt  }
0x6f: {  	_ =	shalt  }
0x70: {  	_ =	shalt  }
0x71: {  	_ =	shalt  }
0x72: {  	_ =	shalt  }
0x73: {  	_ =	shalt  }
0x74: {  	_ =	shalt  }
0x75: {  	_ =	shalt  }
0x76: {  	_ =	shalt  }
0x77: {  	_ =	shalt  }
0x78: {  	_ =	shalt  }
0x79: {  	_ =	shalt  }
0x7a: {  	_ =	shalt  }
0x7b: {  	_ =	shalt  }
0x7c: {  	_ =	shalt  }
0x7d: {  	_ =	shalt  }
0x7e: {  	_ =	shalt  }
0x7f: {  	_ =	shalt  }
0x80: {  	_ =	shalt  }
0x81: {  	_ =	shalt  }
0x82: {  	_ =	shalt  }
0x83: {  	_ =	shalt  }
0x84: {  	_ =	shalt  }
0x85: {  	_ =	shalt  }
0x86: {  	_ =	shalt  }
0x87: {  	_ =	shalt  }
.Lfunc_end0:
.L_simem_size_0:
called_computation_lowered:
.L_overlay_start_0:
0x88: {  	s2 =	sld [smem:$0x3FD9]  }
0x89: {  	s3 =	sld [smem:$0x3FFE];
	_ =	sdelay $0x1  }
0x8a: {  	s1 =	srdreg.scid  }
0x8b: {  	s0 =	sand.u32 $0x1, s1  }
0x8c: {  	s17 =	sshll.u32 s0, $0xA;
	s2 =	sadd.s32 s3, s2  }
0x8d: {  	s2 =	sadd.s32 s2, s17  }
0x8e: {  	[smem:$0x3FB7] =	sst s2  }
0x8f: {  	_ = 	snop  }
0x90: {  	s2 =	sld [smem:$0x3FD0];
	(tm) =	ssettm $0x1  }
0x91: {  	s18 =	sld [smem:$0x3FFB];
	_ =	sdelay $0x3  }
0x92: {  	_ =	strace s18  }
0x93: {  	s3 =	sld [smem:$0x3FFC];
	_ =	sdelay $0x3  }
0x94: {  	_ =	strace s3  }
0x95: {  	s3 =	sld [smem:$0x3FFD];
	_ =	sdelay $0x3  }
0x96: {  	_ =	strace s3  }
0x97: {  	_ =	strace $0x8FFFFFFF  }
0x98: {  	s19 =	sld [smem:$0x3FDB];
	_ =	sdelay $0x1  }
0x99: {  	s4 =	simm.s32 $_scs_section_size  }
0x9a: {  	s5 =	simm.s32 $_size__tile_overlayer_lowered;
	s6 =	simm.s32 $_tile_overlayer_lowered  }
0x9b: {  	s22 =	simm.s32 $0x1BFF;
	s21 =	sshll.u32 s6, $0x1;
	s3 =	sadd.s32 s4, s19  }
0x9c: {  	s7 =	simm.s32 $0x0;
	s20 =	sshll.u32 s5, $0x1;
	s5 =	sadd.s32 s21, s3  }
0x9d: {  	[timem:s7], [sflag:s22] =	dma.local [hbm:s5], s20  }
0x9e: {  	_ =	swait.ge [sflag:s22], s20  }
0x9f: {  	s4 =	ssub.s32 $0x0, s20;
	[sflag:s22] =	ssyncset.done $0x0  }
0xa0: {  	[sflag:s22] =	ssyncadd.s32 s4;
	_ =	sdelay $0x1  }
0xa1: {  	s23 =	simm.s32 $0x1B8B  }
0xa2: {  	_ =	swait.ge [sflag:s23], $0x1  }
0xa3: {  	[sflag:s23] =	ssyncset.done $0x0  }
0xa4: {  	s25 =	simm.s32 $0x1B8E;
	s24 =	sld [smem:$0x3FFE];
	[sflag:s23] =	ssyncadd.s32 $0xFFFFFFFF  }
0xa5: {  	s26 =	simm.s32 $execute0_lowered;
	[smem:$0x3FD2] =	sst s25  }
0xa6: {  	s5 =	sshll.u32 s26, $0x1;
	_ =	strace $0x80000046;
	[dreg:$0x1] =	wrdreg $0xFFFFFFFF  }
0xa7: {  	s28 =	simm.s32 $_size_execute0_lowered;
	s3 =	sadd.s32 s3, s5;
	[dreg:$0x0] =	wrdreg $0x0  }
0xa8: {  	s5 =	sshll.u32 s28, $0x1;
	[dreg:$0x2] =	wrdreg s3  }
0xa9: {  	[dreg:$0x3] =	wrdreg s5  }
0xaa: {  	[dreg:$0x4] =	wrdreg $0xC0  }
0xab: {  	_ =	task [dreg:s7], $0x5FFFF  }
0xac: {  	[dreg:$0x1] =	wrdreg $0xFFFFFFFF  }
0xad: {  	[dreg:$0x0] =	wrdreg $0x60  }
0xae: {  	[dreg:$0x2] =	wrdreg s24  }
0xaf: {  	[dreg:$0x3] =	wrdreg s2  }
0xb0: {  	[dreg:$0x4] =	wrdreg $0x50000  }
0xb1: {  	[dreg:$0x5] =	wrdreg $0x9  }
0xb2: {  	_ =	task.clear_ibuf [dreg:s7], $0x6FFFF;
	_ =	strace $0x90000046  }
0xb3: {  	s29 =	simm.s32 $0x9;
	_ =	strace $0x80000048  }
0xb4: {  	_ =	swait.ge [sflag:s29], $0x1  }
0xb5: {  	[sflag:s29] =	ssyncadd.s32 $0xFFFFFFFF  }
0xb6: {  	_ =	strace $0x90000048  }
0xb7: {  	_ =	sfence  }
0xb8: {  	s30 =	sld [smem:$0x0];
	_ =	sdelay $0x2  }
0xb9: {  	s31 =	sshll.u32 s1, $0xD;
	s1 =	sshrl.u32 s1, $0x2  }
0xba: {  	s3 =	sand.u32 $0x4000, s31;
	s1 =	sadd.s32 s1, s30  }
0xbb: {  	s0 =	sor.u32 s3, s0;
	s1 =	sshll.u32 s1, $0x11  }
0xbc: {  	s0 =	sor.u32 s1, s0  }
0xbd: {  	s0 =	sadd.s32 $0x8F2B, s0  }
0xbe: {  	[sflag:s0] =	ssyncadd.remote.s32 $0x1  }
0xbf: {  	_ =	sfence.sel $0xFFFF  }
0xc0: {  	[dreg:$0x0] =	wrdreg $0xFFFFFFFF;
	(pc) =	sbr.abs _section_cstart, $3  }
0xc1: {  	[dreg:$0x1] =	wrdreg $0xFFFFFFFF  }
0xc2: {  	_ =	task.clear_ibuf [dreg:s7], $0x2FFFF;
	_ =	strace $0x9FFFFFFF  }
0xc3: {  	(tm) =	ssettm $0x7FFFFFFF  }
tec
execute0_lowered:
.L_overlay_start_1:
0x0: {  	(tag) =	ssettag $0x1  }
0x1: {  	s9 =	rddreg [dreg:$0x0]  }
0x2: {  	s2 =	rddreg [dreg:$0x1];
	s1 =	srdreg.scid  }
0x3: {  	s0 =	stileid.u32;
	s3 =	rddreg [dreg:$0x2]  }
0x4: {  	s4 =	simm.s32 $0x0;
	s11 =	sand.u32 $0x1, s1;
	s1 =	rddreg [dreg:$0x3]  }
0x5: {  	s5 =	smul.u32 $0x280, s0;
	[smem:$0x7FF] =	sst s4  }
0x6: {  	s30 =	sshll.u32 s0, $0x6;
	s6 =	sshll.u32 s11, $0x4;
	_ =	strace $0x80000047  }
0x7: {  	s6 =	sor.u32 s0, s6;
	s7 =	sshrl.u32 s5, $0x3;
	s29 =	sadd.s32 s5, s3  }
0x8: {  	s10 =	smul.u32 $0x500, s6;
	s12 =	sadd.s32 s7, s9;
	s6 =	sor.u32 $0x1C01, s30  }
0x9: {  	s8 =	sshrl.u32 s29, $0x3;
	s7 =	simm.s32 $0x1;
	s5 =	sadd.s32 $0xEA00, s12  }
0xa: {  	[spmem:s8], [sflag:s6] =	dma.local [hbm:s5], $0x50  }
0xb: {  	_ =	swait.ge [sflag:s7], $0x50  }
0xc: {  	s9 =	sadd.s32 s10, s9;
	[sflag:s7] =	ssyncset.done $0x0  }
0xd: {  	s9 =	sadd.s32 $0x4A00, s9;
	[sflag:s7] =	ssyncadd.s32 $0xFFFFFFB0  }
0xe: {  	[tilespmem:s4], [sflag:$0x1] =	stream.linear.gather [hbm4b:s9+s4], $0x2800, $0x38;
	[tilespmem:$0x5280] =	vst v63  }
0xf: {  	_ =	swait.ge [sflag:s7], $0x2800  }
0x10: {  	[sflag:s7] =	ssyncset.done $0x0  }
0x11: {  	s10 =	simm.s32 $0x2800;
	[sflag:s7] =	ssyncadd.s32 $0xFFFFD800  }
0x12: {  	[tilespmem:s10], [sflag:$0x1] =	stream.linear.gather [hbm4b:s2+s4], $0x2800, $0x38;
	[tilespmem:$0x5280] =	vst v63  }
0x13: {  	_ =	swait.ge [sflag:s7], $0x2800  }
0x14: {  	s13 =	ssub.s32 $0x2, s11;
	[sflag:s7] =	ssyncset.done $0x0  }
0x15: {  	s14 =	sshrl.u32 s13, $0x1;
	[sflag:s7] =	ssyncadd.s32 $0xFFFFD800  }
0x16: {  	p0 =	seq.s32 s11, $0x1;
	s13 =	ssub.s32 s13, s14;
	[bflag:$0x0] =	sbarrier.arrive $0xFFFF  }
0x17: {  	[spmem:s3] =	stream.indirect.scatter.add.f32 [tilespmem:s10], [sflag:$0x1], $0x1, s4, s10, $0xb8;
	[tilespmem:$0x5280] =	vst v63  }
0x18: {  	s11 =	simm.s32 $0xF600;
	s31 =	smax.u32 s13, $0x1;
	_ =	swait.ge [sflag:s7], $0x2800  }
0x19: {  	s11 =	simm.s32 @!p0 $0xF000;
	p0 =	sne.s32 s31, $0x1;
	[sflag:s7] =	ssyncset.done $0x0  }
.Ltmp0:
0x1a: {  	[sflag:s7] =	ssyncadd.s32 $0xFFFFD800;
	(pc) =	sbr.rel @!p0 .LBB2_2-.Ltmp0, $4  }
0x1b: {  	s11 =	sadd.s32 s11, s12;
	[bflag:$0x0] =	sbarrier.arrive $0xFFFF  }
0x1c: {  	[hbm:s11], [sflag:s6] =	dma.local [spmem:s8], $0x50  }
0x1d: {  	_ =	swait.ge [sflag:s7], $0x50  }
0x1e: {  	s12 =	sadd.s32 $0xFFFFFFFF, s31;
	[sflag:s7] =	ssyncset.done $0x0  }
.LBB2_1:
0x1f: {  	p0 =	sne.s32 s12, $0x1;
	s12 =	sadd.s32 $0xFFFFFFFF, s12;
	[sflag:s7] =	ssyncadd.s32 $0xFFFFFFB0  }
0x20: {  	[spmem:s8], [sflag:s6] =	dma.local [hbm:s5], $0x50  }
0x21: {  	_ =	swait.ge [sflag:s7], $0x50  }
0x22: {  	[sflag:s7] =	ssyncset.done $0x0  }
0x23: {  	[sflag:s7] =	ssyncadd.s32 $0xFFFFFFB0  }
0x24: {  	[tilespmem:s4], [sflag:$0x1] =	stream.linear.gather [hbm4b:s9+s4], $0x2800, $0x38;
	[tilespmem:$0x5280] =	vst v63  }
0x25: {  	_ =	swait.ge [sflag:s7], $0x2800  }
0x26: {  	[sflag:s7] =	ssyncset.done $0x0  }
0x27: {  	[sflag:s7] =	ssyncadd.s32 $0xFFFFD800  }
0x28: {  	[tilespmem:s10], [sflag:$0x1] =	stream.linear.gather [hbm4b:s2+s4], $0x2800, $0x38;
	[tilespmem:$0x5280] =	vst v63  }
0x29: {  	_ =	swait.ge [sflag:s7], $0x2800  }
0x2a: {  	[sflag:s7] =	ssyncset.done $0x0  }
0x2b: {  	[sflag:s7] =	ssyncadd.s32 $0xFFFFD800  }
0x2c: {  	[bflag:$0x0] =	sbarrier.arrive $0xFFFF  }
0x2d: {  	[spmem:s3] =	stream.indirect.scatter.add.f32 [tilespmem:s10], [sflag:$0x1], $0x1, s4, s10, $0xb8;
	[tilespmem:$0x5280] =	vst v63  }
0x2e: {  	_ =	swait.ge [sflag:s7], $0x2800  }
0x2f: {  	[sflag:s7] =	ssyncset.done $0x0  }
.Ltmp1:
0x30: {  	[sflag:s7] =	ssyncadd.s32 $0xFFFFD800;
	(pc) =	sbr.rel @p0 .LBB2_1-.Ltmp1, $4  }
0x31: {  	[bflag:$0x0] =	sbarrier.arrive $0xFFFF  }
0x32: {  	[hbm:s11], [sflag:s6] =	dma.local [spmem:s8], $0x50  }
0x33: {  	_ =	swait.ge [sflag:s7], $0x50  }
0x34: {  	[sflag:s7] =	ssyncset.done $0x0  }
.LBB2_2:
0x35: {  	[sflag:s7] =	ssyncadd.s32 $0xFFFFFFB0  }
0x36: {  	_ =	sfence.sel $0x180000  }
0x37: {  	[bflag:$0x0] =	sbarrier.arrive $0xFFFF  }
0x38: {  	p0 =	sne.s32 s0, $0x0;
	_ =	strace $0x90000047  }
0x39: {  	s0 =	sadd.s32 @!p0 $0x100000, s1;
	[bflag:$0x2] =	sbarrier.arrive $0xFFFF  }
0x3a: {  	[sflag:s0] =	ssyncadd.tile.s32 @!p0 $0x1;
	_ =	shalt  }
.Lfunc_end2:
_tile_overlayer_lowered:
.L_overlay_start_2:
0x3b: {  	(tag) =	ssettag $0x2  }
0x3c: {  	s0 =	rddreg [dreg:$0x0];
	s2 =	stileid.u32  }
0x3d: {  	s1 =	rddreg [dreg:$0x1];
	p0 =	sne.s32 s2, $0x0  }
0x3e: {  	s3 =	rddreg [dreg:$0x2];
	[bflag:$0x3] =	sbarrier.arrive $0xFFFF;
	s2 =	simm.s32 @!p0 $0x1C01  }
0x3f: {  	[timem:s3], [sflag:s2] =	dma.local @!p0 [hbm:s0], s1  }
0x40: {  	s0 =	simm.s32 @!p0 $0x1  }
0x41: {  	_ =	swait.ge @!p0 [sflag:s0], s1  }
0x42: {  	s1 =	ssub.s32 @!p0 $0x0, s1;
	[sflag:s0] =	ssyncset.done @!p0 $0x0  }
0x43: {  	[sflag:s0] =	ssyncadd.s32 @!p0 s1  }
0x44: {  	[bflag:$0x3] =	sbarrier.arrive $0xFFFF  }
0x45: {  	_ =	shalt  }

// kernel: kernel.13.cloned.1.call-start
scs
__scs_entry_jumppad:
0x0: {  	(pc) =	sbr.rel $0x88, $3  }
0x1: {  	(tag) =	ssettag $0x0;
	lr =	simm.s32 $0x1  }
0x2: {  	[smem:$0x3F90] =	sst lr;
	_ =	strace $0xD0000000  }
0x3: {  	_ = 	snop  }
0x4: {  	_ = 	snop  }
0x5: {  	_ = 	snop  }
0x6: {  	_ = 	snop  }
0x7: {  	_ = 	snop  }
__scs_overlays_trampoline_lowered:
0x8: {  	[smem:$0x3F9F] =	sst s0  }
0x9: {  	[smem:$0x3FA0] =	sst s1  }
0xa: {  	[smem:$0x3FA1] =	sst s2  }
0xb: {  	[smem:$0x3FA2] =	sst s3  }
0xc: {  	[smem:$0x3FA3] =	sst s4  }
0xd: {  	[smem:$0x3FA4] =	sst s5  }
0xe: {  	[smem:$0x3FA5] =	sst s6  }
0xf: {  	[smem:$0x3FA6] =	sst s7  }
0x10: {  	[smem:$0x3FA7] =	sst s8  }
0x11: {  	[smem:$0x3FA8] =	sst s9;
	s0 =	simm.s32 @!p0 $0x0  }
0x12: {  	s1 =	sld [smem:$0x3F8E];
	s0 =	simm.s32 @p0 $0x1  }
0x13: {  	[smem:$0x3FA9] =	sst s0;
	s0 =	simm.s32 @!p1 $0x0  }
0x14: {  	s2 =	sld [smem:$0x3F8D];
	s0 =	simm.s32 @p1 $0x1  }
0x15: {  	[smem:$0x3FAA] =	sst s0;
	s0 =	simm.s32 @!p2 $0x0  }
0x16: {  	s3 =	sld [smem:$0x3FDB];
	s0 =	simm.s32 @p2 $0x1  }
0x17: {  	s4 =	simm.s32 $0x1BF5;
	[smem:$0x3FAC] =	sst s0  }
0x18: {  	s0 =	sld [smem:$0x3F8F];
	_ =	swait.ge [sflag:s4], $0x0  }
0x19: {  	s7 =	sld [smem:$0x3F90]  }
0x1a: {  	s8 =	sadd.s32 $0xFFFFE003, lr  }
0x1b: {  	s9 =	sadd.s32 $0xFFFFFEF7, lr;
	s5 =	simm.s32 $0xFFFFFFFF;
	p2 =	slt.u32 s8, $0xFFFFF086  }
0x1c: {  	p1 =	slt.u32 s9, $0xF7A;
	s5 =	simm.s32 @!p2 $0x0  }
0x1d: {  	s5 =	simm.s32 @p1 $0x1;
	p0 =	seq.s32 s7, s2  }
0x1e: {  	s7 =	smul.u32 @!p0 $0xF7A, s2;
	p2 =	seq.s32 @!p0 s5, $0x0  }
0x1f: {  	s9 =	smul.u32 $0xF7A, s1;
	s8 =	simm.s32 @!p0 $0x1BF5;
	p2 =	por !p2, p0  }
0x20: {  	[sflag:s8] =	ssyncset.s32 @!p0 $0xFFFFF086;
	s6 =	sadd.s32 @!p0 s3, s7;
	s7 =	simm.s32 @!p0 $0x108  }
0x21: {  	s3 =	sadd.s32 s3, s9;
	s6 =	sadd.s32 @!p0 $0x88, s6;
	s7 =	simm.s32 @p2 $0x1082  }
0x22: {  	[simem:s7], [sflag:s8] =	dma.local @!p0 [hbm:s6], $0xF7A  }
0x23: {  	s9 =	sor.u32 $0xD0000000, s2;
	s6 =	simm.s32 $0x108;
	_ =	swait.ge @!p0 [sflag:s8], $0x0  }
0x24: {  	s3 =	sadd.s32 $0x88, s3;
	s6 =	simm.s32 @!p1 $0x1082;
	[sflag:s4] =	ssyncset.s32 $0xFFFFF086  }
0x25: {  	[simem:s6], [sflag:s4] =	dma.local [hbm:s3], $0xF7A  }
0x26: {  	[smem:$0x3F90] =	sst s1;
	(tag) =	ssettag s2;
	_ =	strace s9  }
0x27: {  	s1 =	sld [smem:$0x3FA0]  }
0x28: {  	s2 =	sld [smem:$0x3FA1]  }
0x29: {  	s4 =	sld [smem:$0x3FA3]  }
0x2a: {  	p0 =	seq.s32 s5, $0x0;
	s5 =	sld [smem:$0x3FA4]  }
0x2b: {  	s6 =	sld [smem:$0x3FA5]  }
0x2c: {  	s7 =	sld [smem:$0x3FA6]  }
0x2d: {  	s3 =	simm.s32 $0x108;
	s8 =	sld [smem:$0x3FA7]  }
0x2e: {  	s3 =	simm.s32 @!p0 $0x1082;
	s9 =	sld [smem:$0x3FA8]  }
0x2f: {  	lr =	sadd.s32 s0, s3;
	s0 =	sld [smem:$0x3F9F]  }
0x30: {  	s3 =	sld [smem:$0x3FA2]  }
0x31: {  	[smem:$0x3FAB] =	sst s10  }
0x32: {  	s10 =	sld [smem:$0x3FA9];
	_ =	sdelay $0x3  }
0x33: {  	p0 =	seq.s32 s10, $0x1;
	s10 =	sld [smem:$0x3FAB];
	_ =	sdelay $0x3  }
0x34: {  	[smem:$0x3FAB] =	sst s10  }
0x35: {  	s10 =	sld [smem:$0x3FAA];
	_ =	sdelay $0x3  }
0x36: {  	p1 =	seq.s32 s10, $0x1;
	s10 =	sld [smem:$0x3FAB];
	_ =	sdelay $0x3  }
0x37: {  	[smem:$0x3FAB] =	sst s10  }
0x38: {  	s10 =	sld [smem:$0x3FAC]  }
0x39: {  	_ = 	snop;
	(pc) =	sbr.ind lr, $3  }
0x3a: {  	_ = 	snop  }
0x3b: {  	_ = 	snop  }
0x3c: {  	p2 =	seq.s32 s10, $0x1;
	s10 =	sld [smem:$0x3FAB]  }
0x3d: {  	_ =	shalt  }
0x3e: {  	_ =	shalt  }
0x3f: {  	_ =	shalt  }
0x40: {  	_ =	shalt  }
0x41: {  	_ =	shalt  }
0x42: {  	_ =	shalt  }
0x43: {  	_ =	shalt  }
0x44: {  	_ =	shalt  }
0x45: {  	_ =	shalt  }
0x46: {  	_ =	shalt  }
0x47: {  	_ =	shalt  }
0x48: {  	_ =	shalt  }
0x49: {  	_ =	shalt  }
0x4a: {  	_ =	shalt  }
0x4b: {  	_ =	shalt  }
0x4c: {  	_ =	shalt  }
0x4d: {  	_ =	shalt  }
0x4e: {  	_ =	shalt  }
0x4f: {  	_ =	shalt  }
0x50: {  	_ =	shalt  }
0x51: {  	_ =	shalt  }
0x52: {  	_ =	shalt  }
0x53: {  	_ =	shalt  }
0x54: {  	_ =	shalt  }
0x55: {  	_ =	shalt  }
0x56: {  	_ =	shalt  }
0x57: {  	_ =	shalt  }
0x58: {  	_ =	shalt  }
0x59: {  	_ =	shalt  }
0x5a: {  	_ =	shalt  }
0x5b: {  	_ =	shalt  }
0x5c: {  	_ =	shalt  }
0x5d: {  	_ =	shalt  }
0x5e: {  	_ =	shalt  }
0x5f: {  	_ =	shalt  }
0x60: {  	_ =	shalt  }
0x61: {  	_ =	shalt  }
0x62: {  	_ =	shalt  }
0x63: {  	_ =	shalt  }
0x64: {  	_ =	shalt  }
0x65: {  	_ =	shalt  }
0x66: {  	_ =	shalt  }
0x67: {  	_ =	shalt  }
0x68: {  	_ =	shalt  }
0x69: {  	_ =	shalt  }
0x6a: {  	_ =	shalt  }
0x6b: {  	_ =	shalt  }
0x6c: {  	_ =	shalt  }
0x6d: {  	_ =	shalt  }
0x6e: {  	_ =	shalt  }
0x6f: {  	_ =	shalt  }
0x70: {  	_ =	shalt  }
0x71: {  	_ =	shalt  }
0x72: {  	_ =	shalt  }
0x73: {  	_ =	shalt  }
0x74: {  	_ =	shalt  }
0x75: {  	_ =	shalt  }
0x76: {  	_ =	shalt  }
0x77: {  	_ =	shalt  }
0x78: {  	_ =	shalt  }
0x79: {  	_ =	shalt  }
0x7a: {  	_ =	shalt  }
0x7b: {  	_ =	shalt  }
0x7c: {  	_ =	shalt  }
0x7d: {  	_ =	shalt  }
0x7e: {  	_ =	shalt  }
0x7f: {  	_ =	shalt  }
0x80: {  	_ =	shalt  }
0x81: {  	_ =	shalt  }
0x82: {  	_ =	shalt  }
0x83: {  	_ =	shalt  }
0x84: {  	_ =	shalt  }
0x85: {  	_ =	shalt  }
0x86: {  	_ =	shalt  }
0x87: {  	_ =	shalt  }
.Lfunc_end0:
.L_simem_size_0:
called_computation.1_lowered:
.L_overlay_start_0:
0x88: {  	s2 =	sld [smem:$0x3FD9]  }
0x89: {  	s3 =	sld [smem:$0x3FFE];
	_ =	sdelay $0x1  }
0x8a: {  	s1 =	srdreg.scid  }
0x8b: {  	s0 =	sand.u32 $0x1, s1  }
0x8c: {  	s16 =	sshll.u32 s0, $0xA;
	s2 =	sadd.s32 s3, s2  }
0x8d: {  	s2 =	sadd.s32 s2, s16  }
0x8e: {  	[smem:$0x3FB7] =	sst s2  }
0x8f: {  	_ = 	snop  }
0x90: {  	(tm) =	ssettm $0x1  }
0x91: {  	s17 =	sld [smem:$0x3FFB];
	_ =	sdelay $0x3  }
0x92: {  	_ =	strace s17  }
0x93: {  	s2 =	sld [smem:$0x3FFC];
	_ =	sdelay $0x3  }
0x94: {  	_ =	strace s2  }
0x95: {  	s2 =	sld [smem:$0x3FFD];
	_ =	sdelay $0x3  }
0x96: {  	_ =	strace s2  }
0x97: {  	_ =	strace $0x8FFFFFFF  }
0x98: {  	s18 =	sld [smem:$0x3FDB];
	_ =	sdelay $0x1  }
0x99: {  	s19 =	simm.s32 $_scs_section_size  }
0x9a: {  	s4 =	simm.s32 $_size__tile_overlayer_lowered;
	s5 =	simm.s32 $_tile_overlayer_lowered  }
0x9b: {  	s22 =	simm.s32 $0x1BFF;
	s21 =	sshll.u32 s5, $0x1;
	s2 =	sadd.s32 s19, s18  }
0x9c: {  	s6 =	simm.s32 $0x0;
	s20 =	sshll.u32 s4, $0x1;
	s4 =	sadd.s32 s21, s2  }
0x9d: {  	[timem:s6], [sflag:s22] =	dma.local [hbm:s4], s20  }
0x9e: {  	_ =	swait.ge [sflag:s22], s20  }
0x9f: {  	s3 =	ssub.s32 $0x0, s20;
	[sflag:s22] =	ssyncset.done $0x0  }
0xa0: {  	[sflag:s22] =	ssyncadd.s32 s3;
	_ =	sdelay $0x1  }
0xa1: {  	s23 =	simm.s32 $0x1B8B  }
0xa2: {  	_ =	swait.ge [sflag:s23], $0x1  }
0xa3: {  	[sflag:s23] =	ssyncset.done $0x0  }
0xa4: {  	s25 =	simm.s32 $0x1B8E;
	s24 =	sld [smem:$0x3FFE];
	[sflag:s23] =	ssyncadd.s32 $0xFFFFFFFF  }
0xa5: {  	s26 =	simm.s32 $execute0_lowered;
	[smem:$0x3FD2] =	sst s25  }
0xa6: {  	s4 =	sshll.u32 s26, $0x1;
	_ =	strace $0x80000049;
	[dreg:$0x1] =	wrdreg $0xFFFFFFFF  }
0xa7: {  	s28 =	simm.s32 $_size_execute0_lowered;
	s2 =	sadd.s32 s2, s4;
	[dreg:$0x0] =	wrdreg $0x0  }
0xa8: {  	s4 =	sshll.u32 s28, $0x1;
	[dreg:$0x2] =	wrdreg s2  }
0xa9: {  	[dreg:$0x3] =	wrdreg s4  }
0xaa: {  	[dreg:$0x4] =	wrdreg $0xC0  }
0xab: {  	_ =	task [dreg:s6], $0x5FFFF  }
0xac: {  	[dreg:$0x1] =	wrdreg $0xFFFFFFFF  }
0xad: {  	[dreg:$0x0] =	wrdreg $0x60  }
0xae: {  	[dreg:$0x2] =	wrdreg s24  }
0xaf: {  	[dreg:$0x3] =	wrdreg $0xD0000  }
0xb0: {  	[dreg:$0x4] =	wrdreg $0x9  }
0xb1: {  	_ =	task.clear_ibuf [dreg:s6], $0x5FFFF;
	_ =	strace $0x90000049  }
0xb2: {  	s29 =	simm.s32 $0x9;
	_ =	strace $0x8000004B  }
0xb3: {  	_ =	swait.ge [sflag:s29], $0x1  }
0xb4: {  	[sflag:s29] =	ssyncadd.s32 $0xFFFFFFFF  }
0xb5: {  	_ =	strace $0x9000004B  }
0xb6: {  	_ =	sfence  }
0xb7: {  	s30 =	sld [smem:$0x0];
	_ =	sdelay $0x2  }
0xb8: {  	s31 =	sshll.u32 s1, $0xD;
	s1 =	sshrl.u32 s1, $0x2  }
0xb9: {  	s3 =	sand.u32 $0x4000, s31;
	s1 =	sadd.s32 s1, s30  }
0xba: {  	s0 =	sor.u32 s3, s0;
	s1 =	sshll.u32 s1, $0x11  }
0xbb: {  	s0 =	sor.u32 s1, s0  }
0xbc: {  	s0 =	sadd.s32 $0x8F2B, s0  }
0xbd: {  	[sflag:s0] =	ssyncadd.remote.s32 $0x1  }
0xbe: {  	_ =	sfence.sel $0xFFFF  }
0xbf: {  	[dreg:$0x0] =	wrdreg $0xFFFFFFFF;
	(pc) =	sbr.abs _section_cstart, $3  }
0xc0: {  	[dreg:$0x1] =	wrdreg $0xFFFFFFFF  }
0xc1: {  	_ =	task.clear_ibuf [dreg:s6], $0x2FFFF;
	_ =	strace $0x9FFFFFFF  }
0xc2: {  	(tm) =	ssettm $0x7FFFFFFF  }
0xc3: {  	_ =	shalt  }
tec
execute0_lowered:
.L_overlay_start_1:
0x0: {  	(tag) =	ssettag $0x1  }
0x1: {  	s1 =	srdreg.scid  }
0x2: {  	s0 =	stileid.u32;
	s1 =	sand.u32 $0x1, s1  }
0x3: {  	s8 =	rddreg [dreg:$0x0];
	s5 =	smul.u32 $0x2800, s0;
	s4 =	sshll.u32 s1, $0x4  }
0x4: {  	s2 =	rddreg [dreg:$0x1];
	s4 =	sor.u32 s0, s4  }
0x5: {  	s3 =	simm.s32 $0x0;
	s6 =	sshrl.u32 s5, $0x3;
	s4 =	smul.u32 $0x500, s4  }
0x6: {  	[smem:$0x7FF] =	sst s3;
	s24 =	sshll.u32 s0, $0x6;
	s6 =	sadd.s32 s6, s8  }
0x7: {  	_ =	strace $0x8000004A;
	s7 =	sadd.s32 $0x6EC00, s6;
	s4 =	sadd.s32 s4, s8  }
0x8: {  	p0 =	seq.s32 s1, $0x1;
	[dreg:$0x3] =	wrdreg s7;
	s9 =	sadd.s32 $0xFC00, s4  }
0x9: {  	s5 =	sadd.s32 s5, s2;
	[dreg:$0x4] =	wrdreg s9;
	s9 =	simm.s32 $0x73C00  }
0xa: {  	s10 =	sadd.s32 $0x4A00, s4;
	s11 =	rddreg [dreg:$0x3];
	s9 =	simm.s32 @!p0 $0x78C00  }
0xb: {  	s4 =	sor.u32 $0x1C03, s24;
	[dreg:$0x5] =	wrdreg s10;
	s6 =	sadd.s32 s9, s6  }
0xc: {  	[dreg:$0x6] =	wrdreg s6;
	s6 =	sshrl.u32 s5, $0x3;
	s5 =	simm.s32 $0x3  }
0xd: {  	[spmem:s6], [sflag:s4] =	dma.local [hbm:s11], $0x500  }
0xe: {  	_ =	swait.ge [sflag:s5], $0x500  }
0xf: {  	[sflag:s5] =	ssyncset.done $0x0  }
0x10: {  	s25 =	rddreg [dreg:$0x4];
	[sflag:s5] =	ssyncadd.s32 $0xFFFFFB00  }
0x11: {  	[tilespmem:s3], [sflag:$0x3] =	stream.linear.gather [hbm4b:s25+s3], $0x2800, $0x38;
	[tilespmem:$0xF800] =	vst v63  }
0x12: {  	_ =	swait.ge [sflag:s5], $0x2800  }
0x13: {  	[sflag:s5] =	ssyncset.done $0x0  }
0x14: {  	s7 =	simm.s32 $0x2800;
	s26 =	rddreg [dreg:$0x5];
	[sflag:s5] =	ssyncadd.s32 $0xFFFFD800  }
0x15: {  	[tilespmem:s7], [sflag:$0x3] =	stream.linear.gather [hbm4b:s26+s3], $0x2800, $0x38;
	[tilespmem:$0xF800] =	vst v63  }
0x16: {  	_ =	swait.ge [sflag:s5], $0x2800  }
0x17: {  	[sflag:s5] =	ssyncset.done $0x0  }
0x18: {  	s8 =	sadd.s32 $0x69C00, s8;
	[sflag:s5] =	ssyncadd.s32 $0xFFFFD800  }
0x19: {  	s10 =	simm.s32 $0x5000;
	s9 =	simm.s32 $0x400;
	[bflag:$0x0] =	sbarrier.arrive $0xFFFF  }
0x1a: {  	[tilespmem:s10], [sflag:$0x1] =	stream.indirect.gather [hbm4b:s8+s9], $0x10, s3, s9, $0xb8;
	[tilespmem:$0xF800] =	vst v63  }
0x1b: {  	s12 =	simm.s32 $0x1;
	s11 =	simm.s32 $0x9000  }
0x1c: {  	[tilespmem:s11], [sflag:$0x2] =	stream.indirect.gather [hbm4b:s8+s9], $0x10, s9, s9, $0xb8;
	[tilespmem:$0xF800] =	vst v63  }
0x1d: {  	_ =	swait.ge [sflag:s12], $0x4000  }
0x1e: {  	[sflag:s12] =	ssyncset.done $0x0  }
0x1f: {  	[sflag:s12] =	ssyncadd.s32 $0xFFFFC000  }
0x20: {  	[spmem:s2] =	stream.indirect.scatter.add.f32 [tilespmem:s10], [sflag:$0x3], $0x10, s7, s9, $0xb8;
	[tilespmem:$0xF800] =	vst v63  }
0x21: {  	_ =	swait.ge [sflag:s5], $0x4000  }
0x22: {  	[sflag:s5] =	ssyncset.done $0x0  }
0x23: {  	s13 =	simm.s32 $0x800;
	s14 =	simm.s32 $0x2;
	[sflag:s5] =	ssyncadd.s32 $0xFFFFC000  }
0x24: {  	[tilespmem:s10], [sflag:$0x1] =	stream.indirect.gather [hbm4b:s8+s9], $0x10, s13, s9, $0xb8;
	[tilespmem:$0xF800] =	vst v63  }
0x25: {  	_ =	swait.ge [sflag:s14], $0x4000  }
0x26: {  	[sflag:s14] =	ssyncset.done $0x0  }
0x27: {  	s15 =	simm.s32 $0x2C00;
	[sflag:s14] =	ssyncadd.s32 $0xFFFFC000  }
0x28: {  	[spmem:s2] =	stream.indirect.scatter.add.f32 [tilespmem:s11], [sflag:$0x3], $0x10, s15, s9, $0xb8;
	[tilespmem:$0xF800] =	vst v63  }
0x29: {  	_ =	swait.ge [sflag:s5], $0x4000  }
0x2a: {  	[sflag:s5] =	ssyncset.done $0x0  }
0x2b: {  	s16 =	simm.s32 $0xC00;
	[sflag:s5] =	ssyncadd.s32 $0xFFFFC000  }
0x2c: {  	[tilespmem:s11], [sflag:$0x2] =	stream.indirect.gather [hbm4b:s8+s9], $0x10, s16, s9, $0xb8;
	[tilespmem:$0xF800] =	vst v63  }
0x2d: {  	_ =	swait.ge [sflag:s12], $0x4000  }
0x2e: {  	[sflag:s12] =	ssyncset.done $0x0  }
0x2f: {  	s17 =	simm.s32 $0x3000;
	[sflag:s12] =	ssyncadd.s32 $0xFFFFC000  }
0x30: {  	[spmem:s2] =	stream.indirect.scatter.add.f32 [tilespmem:s10], [sflag:$0x3], $0x10, s17, s9, $0xb8;
	[tilespmem:$0xF800] =	vst v63  }
0x31: {  	_ =	swait.ge [sflag:s5], $0x4000  }
0x32: {  	[sflag:s5] =	ssyncset.done $0x0  }
0x33: {  	s18 =	simm.s32 $0x1000;
	[sflag:s5] =	ssyncadd.s32 $0xFFFFC000  }
0x34: {  	[tilespmem:s10], [sflag:$0x1] =	stream.indirect.gather [hbm4b:s8+s9], $0x10, s18, s9, $0xb8;
	[tilespmem:$0xF800] =	vst v63  }
0x35: {  	_ =	swait.ge [sflag:s14], $0x4000  }
0x36: {  	[sflag:s14] =	ssyncset.done $0x0  }
0x37: {  	s19 =	simm.s32 $0x3400;
	[sflag:s14] =	ssyncadd.s32 $0xFFFFC000  }
0x38: {  	[spmem:s2] =	stream.indirect.scatter.add.f32 [tilespmem:s11], [sflag:$0x3], $0x10, s19, s9, $0xb8;
	[tilespmem:$0xF800] =	vst v63  }
0x39: {  	_ =	swait.ge [sflag:s5], $0x4000  }
0x3a: {  	[sflag:s5] =	ssyncset.done $0x0  }
0x3b: {  	s20 =	simm.s32 $0x1400;
	[sflag:s5] =	ssyncadd.s32 $0xFFFFC000  }
0x3c: {  	[tilespmem:s11], [sflag:$0x2] =	stream.indirect.gather [hbm4b:s8+s9], $0x10, s20, s9, $0xb8;
	[tilespmem:$0xF800] =	vst v63  }
0x3d: {  	_ =	swait.ge [sflag:s12], $0x4000  }
0x3e: {  	[sflag:s12] =	ssyncset.done $0x0  }
0x3f: {  	s21 =	simm.s32 $0x3800;
	[sflag:s12] =	ssyncadd.s32 $0xFFFFC000  }
0x40: {  	[spmem:s2] =	stream.indirect.scatter.add.f32 [tilespmem:s10], [sflag:$0x3], $0x10, s21, s9, $0xb8;
	[tilespmem:$0xF800] =	vst v63  }
0x41: {  	_ =	swait.ge [sflag:s5], $0x4000  }
0x42: {  	[sflag:s5] =	ssyncset.done $0x0  }
0x43: {  	s22 =	simm.s32 $0x1800;
	[sflag:s5] =	ssyncadd.s32 $0xFFFFC000  }
0x44: {  	[tilespmem:s10], [sflag:$0x1] =	stream.indirect.gather [hbm4b:s8+s9], $0x10, s22, s9, $0xb8;
	[tilespmem:$0xF800] =	vst v63  }
0x45: {  	_ =	swait.ge [sflag:s14], $0x4000  }
0x46: {  	[sflag:s14] =	ssyncset.done $0x0  }
0x47: {  	s23 =	simm.s32 $0x3C00;
	[sflag:s14] =	ssyncadd.s32 $0xFFFFC000  }
0x48: {  	[spmem:s2] =	stream.indirect.scatter.add.f32 [tilespmem:s11], [sflag:$0x3], $0x10, s23, s9, $0xb8;
	[tilespmem:$0xF800] =	vst v63  }
0x49: {  	_ =	swait.ge [sflag:s5], $0x4000  }
0x4a: {  	[sflag:s5] =	ssyncset.done $0x0  }
0x4b: {  	s24 =	simm.s32 $0x1C00;
	[sflag:s5] =	ssyncadd.s32 $0xFFFFC000  }
0x4c: {  	[tilespmem:s11], [sflag:$0x2] =	stream.indirect.gather [hbm4b:s8+s9], $0x10, s24, s9, $0xb8;
	[tilespmem:$0xF800] =	vst v63  }
0x4d: {  	_ =	swait.ge [sflag:s12], $0x4000  }
0x4e: {  	[sflag:s12] =	ssyncset.done $0x0  }
0x4f: {  	s25 =	simm.s32 $0x4000;
	[sflag:s12] =	ssyncadd.s32 $0xFFFFC000  }
0x50: {  	[spmem:s2] =	stream.indirect.scatter.add.f32 [tilespmem:s10], [sflag:$0x3], $0x10, s25, s9, $0xb8;
	[tilespmem:$0xF800] =	vst v63  }
0x51: {  	_ =	swait.ge [sflag:s5], $0x4000  }
0x52: {  	[sflag:s5] =	ssyncset.done $0x0  }
0x53: {  	s26 =	simm.s32 $0x2000;
	[sflag:s5] =	ssyncadd.s32 $0xFFFFC000  }
0x54: {  	[tilespmem:s10], [sflag:$0x1] =	stream.indirect.gather [hbm4b:s8+s9], $0x10, s26, s9, $0xb8;
	[tilespmem:$0xF800] =	vst v63  }
0x55: {  	_ =	swait.ge [sflag:s14], $0x4000  }
0x56: {  	[sflag:s14] =	ssyncset.done $0x0  }
0x57: {  	s28 =	simm.s32 $0x4400;
	[sflag:s14] =	ssyncadd.s32 $0xFFFFC000  }
0x58: {  	[spmem:s2] =	stream.indirect.scatter.add.f32 [tilespmem:s11], [sflag:$0x3], $0x10, s28, s9, $0xb8;
	[tilespmem:$0xF800] =	vst v63  }
0x59: {  	_ =	swait.ge [sflag:s5], $0x4000  }
0x5a: {  	[sflag:s5] =	ssyncset.done $0x0  }
0x5b: {  	s29 =	simm.s32 $0x2400;
	[sflag:s5] =	ssyncadd.s32 $0xFFFFC000  }
0x5c: {  	[tilespmem:s11], [sflag:$0x2] =	stream.indirect.gather [hbm4b:s8+s9], $0x10, s29, s9, $0xb8;
	[tilespmem:$0xF800] =	vst v63  }
0x5d: {  	_ =	swait.ge [sflag:s12], $0x4000  }
0x5e: {  	[sflag:s12] =	ssyncset.done $0x0  }
0x5f: {  	s30 =	simm.s32 $0x4800;
	[sflag:s12] =	ssyncadd.s32 $0xFFFFC000  }
0x60: {  	[spmem:s2] =	stream.indirect.scatter.add.f32 [tilespmem:s10], [sflag:$0x3], $0x10, s30, s9, $0xb8;
	[tilespmem:$0xF800] =	vst v63  }
0x61: {  	_ =	swait.ge [sflag:s5], $0x4000  }
0x62: {  	[sflag:s5] =	ssyncset.done $0x0  }
0x63: {  	[sflag:s5] =	ssyncadd.s32 $0xFFFFC000  }
0x64: {  	_ =	swait.ge [sflag:s14], $0x4000  }
0x65: {  	[sflag:s14] =	ssyncset.done $0x0  }
0x66: {  	s31 =	simm.s32 $0x4C00;
	[sflag:s14] =	ssyncadd.s32 $0xFFFFC000  }
0x67: {  	[spmem:s2] =	stream.indirect.scatter.add.f32 [tilespmem:s11], [sflag:$0x3], $0x10, s31, s9, $0xb8;
	[tilespmem:$0xF800] =	vst v63  }
0x68: {  	_ =	swait.ge [sflag:s5], $0x4000  }
0x69: {  	[sflag:s5] =	ssyncset.done $0x0  }
0x6a: {  	[sflag:s5] =	ssyncadd.s32 $0xFFFFC000  }
0x6b: {  	[bflag:$0x0] =	sbarrier.arrive $0xFFFF  }
0x6c: {  	s1 =	ssub.s32 $0x2, s1;
	s0 =	rddreg [dreg:$0x6]  }
0x6d: {  	[dreg:$0x7] =	wrdreg s0;
	s0 =	sshrl.u32 s1, $0x1  }
0x6e: {  	s0 =	ssub.s32 s1, s0  }
0x6f: {  	s0 =	smax.u32 s0, $0x1  }
0x70: {  	p0 =	sne.s32 s0, $0x1  }
.Ltmp0:
0x71: {  	_ = 	snop;
	(pc) =	sbr.rel @!p0 .LBB2_2-.Ltmp0, $4  }
0x72: {  	_ = 	snop  }
0x73: {  	s1 =	rddreg [dreg:$0x7]  }
0x74: {  	[hbm:s1], [sflag:s4] =	dma.local [spmem:s6], $0x500  }
0x75: {  	s1 =	sadd.s32 $0xFFFFFFFF, s0;
	_ =	swait.ge [sflag:s5], $0x500  }
.LBB2_1:
0x76: {  	[sflag:s5] =	ssyncset.done $0x0  }
0x77: {  	s0 =	rddreg [dreg:$0x3];
	[sflag:s5] =	ssyncadd.s32 $0xFFFFFB00  }
0x78: {  	[spmem:s6], [sflag:s4] =	dma.local [hbm:s0], $0x500  }
0x79: {  	_ =	swait.ge [sflag:s5], $0x500  }
0x7a: {  	[sflag:s5] =	ssyncset.done $0x0  }
0x7b: {  	s0 =	rddreg [dreg:$0x4];
	[sflag:s5] =	ssyncadd.s32 $0xFFFFFB00  }
0x7c: {  	[tilespmem:s3], [sflag:$0x3] =	stream.linear.gather [hbm4b:s0+s3], $0x2800, $0x38;
	[tilespmem:$0xF800] =	vst v63  }
0x7d: {  	_ =	swait.ge [sflag:s5], $0x2800  }
0x7e: {  	[sflag:s5] =	ssyncset.done $0x0  }
0x7f: {  	s0 =	rddreg [dreg:$0x5];
	[sflag:s5] =	ssyncadd.s32 $0xFFFFD800  }
0x80: {  	[tilespmem:s7], [sflag:$0x3] =	stream.linear.gather [hbm4b:s0+s3], $0x2800, $0x38;
	[tilespmem:$0xF800] =	vst v63  }
0x81: {  	_ =	swait.ge [sflag:s5], $0x2800  }
0x82: {  	[sflag:s5] =	ssyncset.done $0x0  }
0x83: {  	[sflag:s5] =	ssyncadd.s32 $0xFFFFD800  }
0x84: {  	[bflag:$0x0] =	sbarrier.arrive $0xFFFF  }
0x85: {  	[tilespmem:s10], [sflag:$0x1] =	stream.indirect.gather [hbm4b:s8+s9], $0x10, s3, s9, $0xb8;
	[tilespmem:$0xF800] =	vst v63  }
0x86: {  	_ = 	snop  }
0x87: {  	[tilespmem:s11], [sflag:$0x2] =	stream.indirect.gather [hbm4b:s8+s9], $0x10, s9, s9, $0xb8;
	[tilespmem:$0xF800] =	vst v63  }
0x88: {  	_ =	swait.ge [sflag:s12], $0x4000  }
0x89: {  	[sflag:s12] =	ssyncset.done $0x0  }
0x8a: {  	[sflag:s12] =	ssyncadd.s32 $0xFFFFC000  }
0x8b: {  	[spmem:s2] =	stream.indirect.scatter.add.f32 [tilespmem:s10], [sflag:$0x3], $0x10, s7, s9, $0xb8;
	[tilespmem:$0xF800] =	vst v63  }
0x8c: {  	_ =	swait.ge [sflag:s5], $0x4000  }
0x8d: {  	[sflag:s5] =	ssyncset.done $0x0  }
0x8e: {  	[sflag:s5] =	ssyncadd.s32 $0xFFFFC000  }
0x8f: {  	[tilespmem:s10], [sflag:$0x1] =	stream.indirect.gather [hbm4b:s8+s9], $0x10, s13, s9, $0xb8;
	[tilespmem:$0xF800] =	vst v63  }
0x90: {  	_ =	swait.ge [sflag:s14], $0x4000  }
0x91: {  	[sflag:s14] =	ssyncset.done $0x0  }
0x92: {  	[sflag:s14] =	ssyncadd.s32 $0xFFFFC000  }
0x93: {  	[spmem:s2] =	stream.indirect.scatter.add.f32 [tilespmem:s11], [sflag:$0x3], $0x10, s15, s9, $0xb8;
	[tilespmem:$0xF800] =	vst v63  }
0x94: {  	_ =	swait.ge [sflag:s5], $0x4000  }
0x95: {  	[sflag:s5] =	ssyncset.done $0x0  }
0x96: {  	[sflag:s5] =	ssyncadd.s32 $0xFFFFC000  }
0x97: {  	[tilespmem:s11], [sflag:$0x2] =	stream.indirect.gather [hbm4b:s8+s9], $0x10, s16, s9, $0xb8;
	[tilespmem:$0xF800] =	vst v63  }
0x98: {  	_ =	swait.ge [sflag:s12], $0x4000  }
0x99: {  	[sflag:s12] =	ssyncset.done $0x0  }
0x9a: {  	[sflag:s12] =	ssyncadd.s32 $0xFFFFC000  }
0x9b: {  	[spmem:s2] =	stream.indirect.scatter.add.f32 [tilespmem:s10], [sflag:$0x3], $0x10, s17, s9, $0xb8;
	[tilespmem:$0xF800] =	vst v63  }
0x9c: {  	_ =	swait.ge [sflag:s5], $0x4000  }
0x9d: {  	[sflag:s5] =	ssyncset.done $0x0  }
0x9e: {  	[sflag:s5] =	ssyncadd.s32 $0xFFFFC000  }
0x9f: {  	[tilespmem:s10], [sflag:$0x1] =	stream.indirect.gather [hbm4b:s8+s9], $0x10, s18, s9, $0xb8;
	[tilespmem:$0xF800] =	vst v63  }
0xa0: {  	_ =	swait.ge [sflag:s14], $0x4000  }
0xa1: {  	[sflag:s14] =	ssyncset.done $0x0  }
0xa2: {  	[sflag:s14] =	ssyncadd.s32 $0xFFFFC000  }
0xa3: {  	[spmem:s2] =	stream.indirect.scatter.add.f32 [tilespmem:s11], [sflag:$0x3], $0x10, s19, s9, $0xb8;
	[tilespmem:$0xF800] =	vst v63  }
0xa4: {  	_ =	swait.ge [sflag:s5], $0x4000  }
0xa5: {  	[sflag:s5] =	ssyncset.done $0x0  }
0xa6: {  	[sflag:s5] =	ssyncadd.s32 $0xFFFFC000  }
0xa7: {  	[tilespmem:s11], [sflag:$0x2] =	stream.indirect.gather [hbm4b:s8+s9], $0x10, s20, s9, $0xb8;
	[tilespmem:$0xF800] =	vst v63  }
0xa8: {  	_ =	swait.ge [sflag:s12], $0x4000  }
0xa9: {  	[sflag:s12] =	ssyncset.done $0x0  }
0xaa: {  	[sflag:s12] =	ssyncadd.s32 $0xFFFFC000  }
0xab: {  	[spmem:s2] =	stream.indirect.scatter.add.f32 [tilespmem:s10], [sflag:$0x3], $0x10, s21, s9, $0xb8;
	[tilespmem:$0xF800] =	vst v63  }
0xac: {  	_ =	swait.ge [sflag:s5], $0x4000  }
0xad: {  	[sflag:s5] =	ssyncset.done $0x0  }
0xae: {  	[sflag:s5] =	ssyncadd.s32 $0xFFFFC000  }
0xaf: {  	[tilespmem:s10], [sflag:$0x1] =	stream.indirect.gather [hbm4b:s8+s9], $0x10, s22, s9, $0xb8;
	[tilespmem:$0xF800] =	vst v63  }
0xb0: {  	_ =	swait.ge [sflag:s14], $0x4000  }
0xb1: {  	[sflag:s14] =	ssyncset.done $0x0  }
0xb2: {  	[sflag:s14] =	ssyncadd.s32 $0xFFFFC000  }
0xb3: {  	[spmem:s2] =	stream.indirect.scatter.add.f32 [tilespmem:s11], [sflag:$0x3], $0x10, s23, s9, $0xb8;
	[tilespmem:$0xF800] =	vst v63  }
0xb4: {  	_ =	swait.ge [sflag:s5], $0x4000  }
0xb5: {  	[sflag:s5] =	ssyncset.done $0x0  }
0xb6: {  	[sflag:s5] =	ssyncadd.s32 $0xFFFFC000  }
0xb7: {  	[tilespmem:s11], [sflag:$0x2] =	stream.indirect.gather [hbm4b:s8+s9], $0x10, s24, s9, $0xb8;
	[tilespmem:$0xF800] =	vst v63  }
0xb8: {  	_ =	swait.ge [sflag:s12], $0x4000  }
0xb9: {  	[sflag:s12] =	ssyncset.done $0x0  }
0xba: {  	[sflag:s12] =	ssyncadd.s32 $0xFFFFC000  }
0xbb: {  	[spmem:s2] =	stream.indirect.scatter.add.f32 [tilespmem:s10], [sflag:$0x3], $0x10, s25, s9, $0xb8;
	[tilespmem:$0xF800] =	vst v63  }
0xbc: {  	_ =	swait.ge [sflag:s5], $0x4000  }
0xbd: {  	[sflag:s5] =	ssyncset.done $0x0  }
0xbe: {  	[sflag:s5] =	ssyncadd.s32 $0xFFFFC000  }
0xbf: {  	[tilespmem:s10], [sflag:$0x1] =	stream.indirect.gather [hbm4b:s8+s9], $0x10, s26, s9, $0xb8;
	[tilespmem:$0xF800] =	vst v63  }
0xc0: {  	_ =	swait.ge [sflag:s14], $0x4000  }
0xc1: {  	[sflag:s14] =	ssyncset.done $0x0  }
0xc2: {  	[sflag:s14] =	ssyncadd.s32 $0xFFFFC000  }
0xc3: {  	[spmem:s2] =	stream.indirect.scatter.add.f32 [tilespmem:s11], [sflag:$0x3], $0x10, s28, s9, $0xb8;
	[tilespmem:$0xF800] =	vst v63  }
0xc4: {  	_ =	swait.ge [sflag:s5], $0x4000  }
0xc5: {  	[sflag:s5] =	ssyncset.done $0x0  }
0xc6: {  	[sflag:s5] =	ssyncadd.s32 $0xFFFFC000  }
0xc7: {  	[tilespmem:s11], [sflag:$0x2] =	stream.indirect.gather [hbm4b:s8+s9], $0x10, s29, s9, $0xb8;
	[tilespmem:$0xF800] =	vst v63  }
0xc8: {  	_ =	swait.ge [sflag:s12], $0x4000  }
0xc9: {  	[sflag:s12] =	ssyncset.done $0x0  }
0xca: {  	[sflag:s12] =	ssyncadd.s32 $0xFFFFC000  }
0xcb: {  	[spmem:s2] =	stream.indirect.scatter.add.f32 [tilespmem:s10], [sflag:$0x3], $0x10, s30, s9, $0xb8;
	[tilespmem:$0xF800] =	vst v63  }
0xcc: {  	_ =	swait.ge [sflag:s5], $0x4000  }
0xcd: {  	[sflag:s5] =	ssyncset.done $0x0  }
0xce: {  	[sflag:s5] =	ssyncadd.s32 $0xFFFFC000  }
0xcf: {  	_ =	swait.ge [sflag:s14], $0x4000  }
0xd0: {  	[sflag:s14] =	ssyncset.done $0x0  }
0xd1: {  	[sflag:s14] =	ssyncadd.s32 $0xFFFFC000  }
0xd2: {  	[spmem:s2] =	stream.indirect.scatter.add.f32 [tilespmem:s11], [sflag:$0x3], $0x10, s31, s9, $0xb8;
	[tilespmem:$0xF800] =	vst v63  }
0xd3: {  	_ =	swait.ge [sflag:s5], $0x4000  }
0xd4: {  	p0 =	sne.s32 s1, $0x1;
	[sflag:s5] =	ssyncset.done $0x0  }
.Ltmp1:
0xd5: {  	[sflag:s5] =	ssyncadd.s32 $0xFFFFC000;
	(pc) =	sbr.rel @p0 .LBB2_1-.Ltmp1, $4  }
0xd6: {  	[bflag:$0x0] =	sbarrier.arrive $0xFFFF  }
0xd7: {  	s0 =	rddreg [dreg:$0x6]  }
0xd8: {  	[hbm:s0], [sflag:s4] =	dma.local [spmem:s6], $0x500  }
0xd9: {  	s1 =	sadd.s32 $0xFFFFFFFF, s1;
	_ =	swait.ge [sflag:s5], $0x500  }
.LBB2_2:
0xda: {  	[sflag:s5] =	ssyncset.done $0x0  }
0xdb: {  	[sflag:s5] =	ssyncadd.s32 $0xFFFFFB00  }
0xdc: {  	_ =	sfence.sel $0x180000  }
0xdd: {  	[bflag:$0x0] =	sbarrier.arrive $0xFFFF  }
0xde: {  	_ =	strace $0x9000004A  }
0xdf: {  	s0 =	stileid.u32;
	[bflag:$0x2] =	sbarrier.arrive $0xFFFF  }
0xe0: {  	p0 =	sne.s32 s0, $0x0;
	s0 =	rddreg [dreg:$0x2]  }
0xe1: {  	s0 =	sadd.s32 @!p0 $0x100000, s0  }
0xe2: {  	[sflag:s0] =	ssyncadd.tile.s32 @!p0 $0x1;
	_ =	shalt  }
.Lfunc_end2:
_tile_overlayer_lowered:
.L_overlay_start_2:
0xe3: {  	(tag) =	ssettag $0x2  }
0xe4: {  	s0 =	rddreg [dreg:$0x0];
	s2 =	stileid.u32  }
0xe5: {  	s1 =	rddreg [dreg:$0x1];
	p0 =	sne.s32 s2, $0x0  }
0xe6: {  	s3 =	rddreg [dreg:$0x2];
	[bflag:$0x3] =	sbarrier.arrive $0xFFFF;
	s2 =	simm.s32 @!p0 $0x1C03  }
0xe7: {  	[timem:s3], [sflag:s2] =	dma.local @!p0 [hbm:s0], s1  }
0xe8: {  	s0 =	simm.s32 @!p0 $0x3  }
0xe9: {  	_ =	swait.ge @!p0 [sflag:s0], s1  }
0xea: {  	s1 =	ssub.s32 @!p0 $0x0, s1;
	[sflag:s0] =	ssyncset.done @!p0 $0x0  }
0xeb: {  	[sflag:s0] =	ssyncadd.s32 @!p0 s1  }
0xec: {  	[bflag:$0x3] =	sbarrier.arrive $0xFFFF  }
0xed: {  	_ =	shalt  }

// kernel: kernel.16.cloned.1.call-start
scs
__scs_entry_jumppad:
0x0: {  	(pc) =	sbr.rel $0x88, $3  }
0x1: {  	(tag) =	ssettag $0x0;
	lr =	simm.s32 $0x1  }
0x2: {  	[smem:$0x3F90] =	sst lr;
	_ =	strace $0xD0000000  }
0x3: {  	_ = 	snop  }
0x4: {  	_ = 	snop  }
0x5: {  	_ = 	snop  }
0x6: {  	_ = 	snop  }
0x7: {  	_ = 	snop  }
__scs_overlays_trampoline_lowered:
0x8: {  	[smem:$0x3F9F] =	sst s0  }
0x9: {  	[smem:$0x3FA0] =	sst s1  }
0xa: {  	[smem:$0x3FA1] =	sst s2  }
0xb: {  	[smem:$0x3FA2] =	sst s3  }
0xc: {  	[smem:$0x3FA3] =	sst s4  }
0xd: {  	[smem:$0x3FA4] =	sst s5  }
0xe: {  	[smem:$0x3FA5] =	sst s6  }
0xf: {  	[smem:$0x3FA6] =	sst s7  }
0x10: {  	[smem:$0x3FA7] =	sst s8  }
0x11: {  	[smem:$0x3FA8] =	sst s9;
	s0 =	simm.s32 @!p0 $0x0  }
0x12: {  	s1 =	sld [smem:$0x3F8E];
	s0 =	simm.s32 @p0 $0x1  }
0x13: {  	[smem:$0x3FA9] =	sst s0;
	s0 =	simm.s32 @!p1 $0x0  }
0x14: {  	s2 =	sld [smem:$0x3F8D];
	s0 =	simm.s32 @p1 $0x1  }
0x15: {  	[smem:$0x3FAA] =	sst s0;
	s0 =	simm.s32 @!p2 $0x0  }
0x16: {  	s3 =	sld [smem:$0x3FDB];
	s0 =	simm.s32 @p2 $0x1  }
0x17: {  	s4 =	simm.s32 $0x1BF5;
	[smem:$0x3FAC] =	sst s0  }
0x18: {  	s0 =	sld [smem:$0x3F8F];
	_ =	swait.ge [sflag:s4], $0x0  }
0x19: {  	s7 =	sld [smem:$0x3F90]  }
0x1a: {  	s8 =	sadd.s32 $0xFFFFE003, lr  }
0x1b: {  	s9 =	sadd.s32 $0xFFFFFEF7, lr;
	s5 =	simm.s32 $0xFFFFFFFF;
	p2 =	slt.u32 s8, $0xFFFFF086  }
0x1c: {  	p1 =	slt.u32 s9, $0xF7A;
	s5 =	simm.s32 @!p2 $0x0  }
0x1d: {  	s5 =	simm.s32 @p1 $0x1;
	p0 =	seq.s32 s7, s2  }
0x1e: {  	s7 =	smul.u32 @!p0 $0xF7A, s2;
	p2 =	seq.s32 @!p0 s5, $0x0  }
0x1f: {  	s9 =	smul.u32 $0xF7A, s1;
	s8 =	simm.s32 @!p0 $0x1BF5;
	p2 =	por !p2, p0  }
0x20: {  	[sflag:s8] =	ssyncset.s32 @!p0 $0xFFFFF086;
	s6 =	sadd.s32 @!p0 s3, s7;
	s7 =	simm.s32 @!p0 $0x108  }
0x21: {  	s3 =	sadd.s32 s3, s9;
	s6 =	sadd.s32 @!p0 $0x88, s6;
	s7 =	simm.s32 @p2 $0x1082  }
0x22: {  	[simem:s7], [sflag:s8] =	dma.local @!p0 [hbm:s6], $0xF7A  }
0x23: {  	s9 =	sor.u32 $0xD0000000, s2;
	s6 =	simm.s32 $0x108;
	_ =	swait.ge @!p0 [sflag:s8], $0x0  }
0x24: {  	s3 =	sadd.s32 $0x88, s3;
	s6 =	simm.s32 @!p1 $0x1082;
	[sflag:s4] =	ssyncset.s32 $0xFFFFF086  }
0x25: {  	[simem:s6], [sflag:s4] =	dma.local [hbm:s3], $0xF7A  }
0x26: {  	[smem:$0x3F90] =	sst s1;
	(tag) =	ssettag s2;
	_ =	strace s9  }
0x27: {  	s1 =	sld [smem:$0x3FA0]  }
0x28: {  	s2 =	sld [smem:$0x3FA1]  }
0x29: {  	s4 =	sld [smem:$0x3FA3]  }
0x2a: {  	p0 =	seq.s32 s5, $0x0;
	s5 =	sld [smem:$0x3FA4]  }
0x2b: {  	s6 =	sld [smem:$0x3FA5]  }
0x2c: {  	s7 =	sld [smem:$0x3FA6]  }
0x2d: {  	s3 =	simm.s32 $0x108;
	s8 =	sld [smem:$0x3FA7]  }
0x2e: {  	s3 =	simm.s32 @!p0 $0x1082;
	s9 =	sld [smem:$0x3FA8]  }
0x2f: {  	lr =	sadd.s32 s0, s3;
	s0 =	sld [smem:$0x3F9F]  }
0x30: {  	s3 =	sld [smem:$0x3FA2]  }
0x31: {  	[smem:$0x3FAB] =	sst s10  }
0x32: {  	s10 =	sld [smem:$0x3FA9];
	_ =	sdelay $0x3  }
0x33: {  	p0 =	seq.s32 s10, $0x1;
	s10 =	sld [smem:$0x3FAB];
	_ =	sdelay $0x3  }
0x34: {  	[smem:$0x3FAB] =	sst s10  }
0x35: {  	s10 =	sld [smem:$0x3FAA];
	_ =	sdelay $0x3  }
0x36: {  	p1 =	seq.s32 s10, $0x1;
	s10 =	sld [smem:$0x3FAB];
	_ =	sdelay $0x3  }
0x37: {  	[smem:$0x3FAB] =	sst s10  }
0x38: {  	s10 =	sld [smem:$0x3FAC]  }
0x39: {  	_ = 	snop;
	(pc) =	sbr.ind lr, $3  }
0x3a: {  	_ = 	snop  }
0x3b: {  	_ = 	snop  }
0x3c: {  	p2 =	seq.s32 s10, $0x1;
	s10 =	sld [smem:$0x3FAB]  }
0x3d: {  	_ =	shalt  }
0x3e: {  	_ =	shalt  }
0x3f: {  	_ =	shalt  }
0x40: {  	_ =	shalt  }
0x41: {  	_ =	shalt  }
0x42: {  	_ =	shalt  }
0x43: {  	_ =	shalt  }
0x44: {  	_ =	shalt  }
0x45: {  	_ =	shalt  }
0x46: {  	_ =	shalt  }
0x47: {  	_ =	shalt  }
0x48: {  	_ =	shalt  }
0x49: {  	_ =	shalt  }
0x4a: {  	_ =	shalt  }
0x4b: {  	_ =	shalt  }
0x4c: {  	_ =	shalt  }
0x4d: {  	_ =	shalt  }
0x4e: {  	_ =	shalt  }
0x4f: {  	_ =	shalt  }
0x50: {  	_ =	shalt  }
0x51: {  	_ =	shalt  }
0x52: {  	_ =	shalt  }
0x53: {  	_ =	shalt  }
0x54: {  	_ =	shalt  }
0x55: {  	_ =	shalt  }
0x56: {  	_ =	shalt  }
0x57: {  	_ =	shalt  }
0x58: {  	_ =	shalt  }
0x59: {  	_ =	shalt  }
0x5a: {  	_ =	shalt  }
0x5b: {  	_ =	shalt  }
0x5c: {  	_ =	shalt  }
0x5d: {  	_ =	shalt  }
0x5e: {  	_ =	shalt  }
0x5f: {  	_ =	shalt  }
0x60: {  	_ =	shalt  }
0x61: {  	_ =	shalt  }
0x62: {  	_ =	shalt  }
0x63: {  	_ =	shalt  }
0x64: {  	_ =	shalt  }
0x65: {  	_ =	shalt  }
0x66: {  	_ =	shalt  }
0x67: {  	_ =	shalt  }
0x68: {  	_ =	shalt  }
0x69: {  	_ =	shalt  }
0x6a: {  	_ =	shalt  }
0x6b: {  	_ =	shalt  }
0x6c: {  	_ =	shalt  }
0x6d: {  	_ =	shalt  }
0x6e: {  	_ =	shalt  }
0x6f: {  	_ =	shalt  }
0x70: {  	_ =	shalt  }
0x71: {  	_ =	shalt  }
0x72: {  	_ =	shalt  }
0x73: {  	_ =	shalt  }
0x74: {  	_ =	shalt  }
0x75: {  	_ =	shalt  }
0x76: {  	_ =	shalt  }
0x77: {  	_ =	shalt  }
0x78: {  	_ =	shalt  }
0x79: {  	_ =	shalt  }
0x7a: {  	_ =	shalt  }
0x7b: {  	_ =	shalt  }
0x7c: {  	_ =	shalt  }
0x7d: {  	_ =	shalt  }
0x7e: {  	_ =	shalt  }
0x7f: {  	_ =	shalt  }
0x80: {  	_ =	shalt  }
0x81: {  	_ =	shalt  }
0x82: {  	_ =	shalt  }
0x83: {  	_ =	shalt  }
0x84: {  	_ =	shalt  }
0x85: {  	_ =	shalt  }
0x86: {  	_ =	shalt  }
0x87: {  	_ =	shalt  }
.Lfunc_end0:
.L_simem_size_0:
called_computation.2_lowered:
.L_overlay_start_0:
0x88: {  	s2 =	sld [smem:$0x3FD9]  }
0x89: {  	s3 =	sld [smem:$0x3FFE];
	_ =	sdelay $0x1  }
0x8a: {  	s1 =	srdreg.scid  }
0x8b: {  	s0 =	sand.u32 $0x1, s1  }
0x8c: {  	s16 =	sshll.u32 s0, $0xA;
	s2 =	sadd.s32 s3, s2  }
0x8d: {  	s2 =	sadd.s32 s2, s16  }
0x8e: {  	[smem:$0x3FB7] =	sst s2  }
0x8f: {  	_ = 	snop  }
0x90: {  	(tm) =	ssettm $0x1  }
0x91: {  	s17 =	sld [smem:$0x3FFB];
	_ =	sdelay $0x3  }
0x92: {  	_ =	strace s17  }
0x93: {  	s2 =	sld [smem:$0x3FFC];
	_ =	sdelay $0x3  }
0x94: {  	_ =	strace s2  }
0x95: {  	s2 =	sld [smem:$0x3FFD];
	_ =	sdelay $0x3  }
0x96: {  	_ =	strace s2  }
0x97: {  	_ =	strace $0x8FFFFFFF  }
0x98: {  	s18 =	sld [smem:$0x3FDB];
	_ =	sdelay $0x1  }
0x99: {  	s19 =	simm.s32 $_scs_section_size  }
0x9a: {  	s4 =	simm.s32 $_size__tile_overlayer_lowered;
	s5 =	simm.s32 $_tile_overlayer_lowered  }
0x9b: {  	s22 =	simm.s32 $0x1BFF;
	s21 =	sshll.u32 s5, $0x1;
	s2 =	sadd.s32 s19, s18  }
0x9c: {  	s6 =	simm.s32 $0x0;
	s20 =	sshll.u32 s4, $0x1;
	s4 =	sadd.s32 s21, s2  }
0x9d: {  	[timem:s6], [sflag:s22] =	dma.local [hbm:s4], s20  }
0x9e: {  	_ =	swait.ge [sflag:s22], s20  }
0x9f: {  	s3 =	ssub.s32 $0x0, s20;
	[sflag:s22] =	ssyncset.done $0x0  }
0xa0: {  	[sflag:s22] =	ssyncadd.s32 s3;
	_ =	sdelay $0x1  }
0xa1: {  	s23 =	simm.s32 $0x1B8B  }
0xa2: {  	_ =	swait.ge [sflag:s23], $0x1  }
0xa3: {  	[sflag:s23] =	ssyncset.done $0x0  }
0xa4: {  	s25 =	simm.s32 $0x1B8E;
	s24 =	sld [smem:$0x3FFE];
	[sflag:s23] =	ssyncadd.s32 $0xFFFFFFFF  }
0xa5: {  	s26 =	simm.s32 $execute0_lowered;
	[smem:$0x3FD2] =	sst s25  }
0xa6: {  	s4 =	sshll.u32 s26, $0x1;
	_ =	strace $0x8000004C;
	[dreg:$0x1] =	wrdreg $0xFFFFFFFF  }
0xa7: {  	s28 =	simm.s32 $_size_execute0_lowered;
	s2 =	sadd.s32 s2, s4;
	[dreg:$0x0] =	wrdreg $0x0  }
0xa8: {  	s4 =	sshll.u32 s28, $0x1;
	[dreg:$0x2] =	wrdreg s2  }
0xa9: {  	[dreg:$0x3] =	wrdreg s4  }
0xaa: {  	[dreg:$0x4] =	wrdreg $0xC0  }
0xab: {  	_ =	task [dreg:s6], $0x5FFFF  }
0xac: {  	[dreg:$0x1] =	wrdreg $0xFFFFFFFF  }
0xad: {  	[dreg:$0x0] =	wrdreg $0x60  }
0xae: {  	[dreg:$0x2] =	wrdreg s24  }
0xaf: {  	[dreg:$0x3] =	wrdreg $0xD0000  }
0xb0: {  	[dreg:$0x4] =	wrdreg $0x9  }
0xb1: {  	_ =	task.clear_ibuf [dreg:s6], $0x5FFFF;
	_ =	strace $0x9000004C  }
0xb2: {  	s29 =	simm.s32 $0x9;
	_ =	strace $0x8000004E  }
0xb3: {  	_ =	swait.ge [sflag:s29], $0x1  }
0xb4: {  	[sflag:s29] =	ssyncadd.s32 $0xFFFFFFFF  }
0xb5: {  	_ =	strace $0x9000004E  }
0xb6: {  	_ =	sfence  }
0xb7: {  	s30 =	sld [smem:$0x0];
	_ =	sdelay $0x2  }
0xb8: {  	s31 =	sshll.u32 s1, $0xD;
	s1 =	sshrl.u32 s1, $0x2  }
0xb9: {  	s3 =	sand.u32 $0x4000, s31;
	s1 =	sadd.s32 s1, s30  }
0xba: {  	s0 =	sor.u32 s3, s0;
	s1 =	sshll.u32 s1, $0x11  }
0xbb: {  	s0 =	sor.u32 s1, s0  }
0xbc: {  	s0 =	sadd.s32 $0x8F2B, s0  }
0xbd: {  	[sflag:s0] =	ssyncadd.remote.s32 $0x1  }
0xbe: {  	_ =	sfence.sel $0xFFFF  }
0xbf: {  	[dreg:$0x0] =	wrdreg $0xFFFFFFFF;
	(pc) =	sbr.abs _section_cstart, $3  }
0xc0: {  	[dreg:$0x1] =	wrdreg $0xFFFFFFFF  }
0xc1: {  	_ =	task.clear_ibuf [dreg:s6], $0x2FFFF;
	_ =	strace $0x9FFFFFFF  }
0xc2: {  	(tm) =	ssettm $0x7FFFFFFF  }
0xc3: {  	_ =	shalt  }
tec
execute0_lowered:
.L_overlay_start_1:
0x0: {  	(tag) =	ssettag $0x1  }
0x1: {  	s1 =	srdreg.scid  }
0x2: {  	s0 =	stileid.u32;
	s1 =	sand.u32 $0x1, s1  }
0x3: {  	s8 =	rddreg [dreg:$0x0];
	s5 =	smul.u32 $0x2800, s0;
	s4 =	sshll.u32 s1, $0x4  }
0x4: {  	s2 =	rddreg [dreg:$0x1];
	s4 =	sor.u32 s0, s4  }
0x5: {  	s3 =	simm.s32 $0x0;
	s6 =	sshrl.u32 s5, $0x3;
	s4 =	smul.u32 $0x500, s4  }
0x6: {  	[smem:$0x7FF] =	sst s3;
	s24 =	sshll.u32 s0, $0x6;
	s6 =	sadd.s32 s6, s8  }
0x7: {  	_ =	strace $0x8000004D;
	s7 =	sadd.s32 $0x6EC00, s6;
	s4 =	sadd.s32 s4, s8  }
0x8: {  	p0 =	seq.s32 s1, $0x1;
	[dreg:$0x3] =	wrdreg s7;
	s9 =	sadd.s32 $0xFC00, s4  }
0x9: {  	s5 =	sadd.s32 s5, s2;
	[dreg:$0x4] =	wrdreg s9;
	s9 =	simm.s32 $0x73C00  }
0xa: {  	s10 =	sadd.s32 $0x4A00, s4;
	s11 =	rddreg [dreg:$0x3];
	s9 =	simm.s32 @!p0 $0x78C00  }
0xb: {  	s4 =	sor.u32 $0x1C03, s24;
	[dreg:$0x5] =	wrdreg s10;
	s6 =	sadd.s32 s9, s6  }
0xc: {  	[dreg:$0x6] =	wrdreg s6;
	s6 =	sshrl.u32 s5, $0x3;
	s5 =	simm.s32 $0x3  }
0xd: {  	[spmem:s6], [sflag:s4] =	dma.local [hbm:s11], $0x500  }
0xe: {  	_ =	swait.ge [sflag:s5], $0x500  }
0xf: {  	[sflag:s5] =	ssyncset.done $0x0  }
0x10: {  	s25 =	rddreg [dreg:$0x4];
	[sflag:s5] =	ssyncadd.s32 $0xFFFFFB00  }
0x11: {  	[tilespmem:s3], [sflag:$0x3] =	stream.linear.gather [hbm4b:s25+s3], $0x2800, $0x38;
	[tilespmem:$0xF800] =	vst v63  }
0x12: {  	_ =	swait.ge [sflag:s5], $0x2800  }
0x13: {  	[sflag:s5] =	ssyncset.done $0x0  }
0x14: {  	s7 =	simm.s32 $0x2800;
	s26 =	rddreg [dreg:$0x5];
	[sflag:s5] =	ssyncadd.s32 $0xFFFFD800  }
0x15: {  	[tilespmem:s7], [sflag:$0x3] =	stream.linear.gather [hbm4b:s26+s3], $0x2800, $0x38;
	[tilespmem:$0xF800] =	vst v63  }
0x16: {  	_ =	swait.ge [sflag:s5], $0x2800  }
0x17: {  	[sflag:s5] =	ssyncset.done $0x0  }
0x18: {  	s8 =	sadd.s32 $0x69C00, s8;
	[sflag:s5] =	ssyncadd.s32 $0xFFFFD800  }
0x19: {  	s10 =	simm.s32 $0x5000;
	s9 =	simm.s32 $0x400;
	[bflag:$0x0] =	sbarrier.arrive $0xFFFF  }
0x1a: {  	[tilespmem:s10], [sflag:$0x1] =	stream.indirect.gather [hbm4b:s8+s9], $0x10, s3, s9, $0xb8;
	[tilespmem:$0xF800] =	vst v63  }
0x1b: {  	s12 =	simm.s32 $0x1;
	s11 =	simm.s32 $0x9000  }
0x1c: {  	[tilespmem:s11], [sflag:$0x2] =	stream.indirect.gather [hbm4b:s8+s9], $0x10, s9, s9, $0xb8;
	[tilespmem:$0xF800] =	vst v63  }
0x1d: {  	_ =	swait.ge [sflag:s12], $0x4000  }
0x1e: {  	[sflag:s12] =	ssyncset.done $0x0  }
0x1f: {  	[sflag:s12] =	ssyncadd.s32 $0xFFFFC000  }
0x20: {  	[spmem:s2] =	stream.indirect.scatter.add.f32 [tilespmem:s10], [sflag:$0x3], $0x10, s7, s9, $0xb8;
	[tilespmem:$0xF800] =	vst v63  }
0x21: {  	_ =	swait.ge [sflag:s5], $0x4000  }
0x22: {  	[sflag:s5] =	ssyncset.done $0x0  }
0x23: {  	s13 =	simm.s32 $0x800;
	s14 =	simm.s32 $0x2;
	[sflag:s5] =	ssyncadd.s32 $0xFFFFC000  }
0x24: {  	[tilespmem:s10], [sflag:$0x1] =	stream.indirect.gather [hbm4b:s8+s9], $0x10, s13, s9, $0xb8;
	[tilespmem:$0xF800] =	vst v63  }
0x25: {  	_ =	swait.ge [sflag:s14], $0x4000  }
0x26: {  	[sflag:s14] =	ssyncset.done $0x0  }
0x27: {  	s15 =	simm.s32 $0x2C00;
	[sflag:s14] =	ssyncadd.s32 $0xFFFFC000  }
0x28: {  	[spmem:s2] =	stream.indirect.scatter.add.f32 [tilespmem:s11], [sflag:$0x3], $0x10, s15, s9, $0xb8;
	[tilespmem:$0xF800] =	vst v63  }
0x29: {  	_ =	swait.ge [sflag:s5], $0x4000  }
0x2a: {  	[sflag:s5] =	ssyncset.done $0x0  }
0x2b: {  	s16 =	simm.s32 $0xC00;
	[sflag:s5] =	ssyncadd.s32 $0xFFFFC000  }
0x2c: {  	[tilespmem:s11], [sflag:$0x2] =	stream.indirect.gather [hbm4b:s8+s9], $0x10, s16, s9, $0xb8;
	[tilespmem:$0xF800] =	vst v63  }
0x2d: {  	_ =	swait.ge [sflag:s12], $0x4000  }
0x2e: {  	[sflag:s12] =	ssyncset.done $0x0  }
0x2f: {  	s17 =	simm.s32 $0x3000;
	[sflag:s12] =	ssyncadd.s32 $0xFFFFC000  }
0x30: {  	[spmem:s2] =	stream.indirect.scatter.add.f32 [tilespmem:s10], [sflag:$0x3], $0x10, s17, s9, $0xb8;
	[tilespmem:$0xF800] =	vst v63  }
0x31: {  	_ =	swait.ge [sflag:s5], $0x4000  }
0x32: {  	[sflag:s5] =	ssyncset.done $0x0  }
0x33: {  	s18 =	simm.s32 $0x1000;
	[sflag:s5] =	ssyncadd.s32 $0xFFFFC000  }
0x34: {  	[tilespmem:s10], [sflag:$0x1] =	stream.indirect.gather [hbm4b:s8+s9], $0x10, s18, s9, $0xb8;
	[tilespmem:$0xF800] =	vst v63  }
0x35: {  	_ =	swait.ge [sflag:s14], $0x4000  }
0x36: {  	[sflag:s14] =	ssyncset.done $0x0  }
0x37: {  	s19 =	simm.s32 $0x3400;
	[sflag:s14] =	ssyncadd.s32 $0xFFFFC000  }
0x38: {  	[spmem:s2] =	stream.indirect.scatter.add.f32 [tilespmem:s11], [sflag:$0x3], $0x10, s19, s9, $0xb8;
	[tilespmem:$0xF800] =	vst v63  }
0x39: {  	_ =	swait.ge [sflag:s5], $0x4000  }
0x3a: {  	[sflag:s5] =	ssyncset.done $0x0  }
0x3b: {  	s20 =	simm.s32 $0x1400;
	[sflag:s5] =	ssyncadd.s32 $0xFFFFC000  }
0x3c: {  	[tilespmem:s11], [sflag:$0x2] =	stream.indirect.gather [hbm4b:s8+s9], $0x10, s20, s9, $0xb8;
	[tilespmem:$0xF800] =	vst v63  }
0x3d: {  	_ =	swait.ge [sflag:s12], $0x4000  }
0x3e: {  	[sflag:s12] =	ssyncset.done $0x0  }
0x3f: {  	s21 =	simm.s32 $0x3800;
	[sflag:s12] =	ssyncadd.s32 $0xFFFFC000  }
0x40: {  	[spmem:s2] =	stream.indirect.scatter.add.f32 [tilespmem:s10], [sflag:$0x3], $0x10, s21, s9, $0xb8;
	[tilespmem:$0xF800] =	vst v63  }
0x41: {  	_ =	swait.ge [sflag:s5], $0x4000  }
0x42: {  	[sflag:s5] =	ssyncset.done $0x0  }
0x43: {  	s22 =	simm.s32 $0x1800;
	[sflag:s5] =	ssyncadd.s32 $0xFFFFC000  }
0x44: {  	[tilespmem:s10], [sflag:$0x1] =	stream.indirect.gather [hbm4b:s8+s9], $0x10, s22, s9, $0xb8;
	[tilespmem:$0xF800] =	vst v63  }
0x45: {  	_ =	swait.ge [sflag:s14], $0x4000  }
0x46: {  	[sflag:s14] =	ssyncset.done $0x0  }
0x47: {  	s23 =	simm.s32 $0x3C00;
	[sflag:s14] =	ssyncadd.s32 $0xFFFFC000  }
0x48: {  	[spmem:s2] =	stream.indirect.scatter.add.f32 [tilespmem:s11], [sflag:$0x3], $0x10, s23, s9, $0xb8;
	[tilespmem:$0xF800] =	vst v63  }
0x49: {  	_ =	swait.ge [sflag:s5], $0x4000  }
0x4a: {  	[sflag:s5] =	ssyncset.done $0x0  }
0x4b: {  	s24 =	simm.s32 $0x1C00;
	[sflag:s5] =	ssyncadd.s32 $0xFFFFC000  }
0x4c: {  	[tilespmem:s11], [sflag:$0x2] =	stream.indirect.gather [hbm4b:s8+s9], $0x10, s24, s9, $0xb8;
	[tilespmem:$0xF800] =	vst v63  }
0x4d: {  	_ =	swait.ge [sflag:s12], $0x4000  }
0x4e: {  	[sflag:s12] =	ssyncset.done $0x0  }
0x4f: {  	s25 =	simm.s32 $0x4000;
	[sflag:s12] =	ssyncadd.s32 $0xFFFFC000  }
0x50: {  	[spmem:s2] =	stream.indirect.scatter.add.f32 [tilespmem:s10], [sflag:$0x3], $0x10, s25, s9, $0xb8;
	[tilespmem:$0xF800] =	vst v63  }
0x51: {  	_ =	swait.ge [sflag:s5], $0x4000  }
0x52: {  	[sflag:s5] =	ssyncset.done $0x0  }
0x53: {  	s26 =	simm.s32 $0x2000;
	[sflag:s5] =	ssyncadd.s32 $0xFFFFC000  }
0x54: {  	[tilespmem:s10], [sflag:$0x1] =	stream.indirect.gather [hbm4b:s8+s9], $0x10, s26, s9, $0xb8;
	[tilespmem:$0xF800] =	vst v63  }
0x55: {  	_ =	swait.ge [sflag:s14], $0x4000  }
0x56: {  	[sflag:s14] =	ssyncset.done $0x0  }
0x57: {  	s28 =	simm.s32 $0x4400;
	[sflag:s14] =	ssyncadd.s32 $0xFFFFC000  }
0x58: {  	[spmem:s2] =	stream.indirect.scatter.add.f32 [tilespmem:s11], [sflag:$0x3], $0x10, s28, s9, $0xb8;
	[tilespmem:$0xF800] =	vst v63  }
0x59: {  	_ =	swait.ge [sflag:s5], $0x4000  }
0x5a: {  	[sflag:s5] =	ssyncset.done $0x0  }
0x5b: {  	s29 =	simm.s32 $0x2400;
	[sflag:s5] =	ssyncadd.s32 $0xFFFFC000  }
0x5c: {  	[tilespmem:s11], [sflag:$0x2] =	stream.indirect.gather [hbm4b:s8+s9], $0x10, s29, s9, $0xb8;
	[tilespmem:$0xF800] =	vst v63  }
0x5d: {  	_ =	swait.ge [sflag:s12], $0x4000  }
0x5e: {  	[sflag:s12] =	ssyncset.done $0x0  }
0x5f: {  	s30 =	simm.s32 $0x4800;
	[sflag:s12] =	ssyncadd.s32 $0xFFFFC000  }
0x60: {  	[spmem:s2] =	stream.indirect.scatter.add.f32 [tilespmem:s10], [sflag:$0x3], $0x10, s30, s9, $0xb8;
	[tilespmem:$0xF800] =	vst v63  }
0x61: {  	_ =	swait.ge [sflag:s5], $0x4000  }
0x62: {  	[sflag:s5] =	ssyncset.done $0x0  }
0x63: {  	[sflag:s5] =	ssyncadd.s32 $0xFFFFC000  }
0x64: {  	_ =	swait.ge [sflag:s14], $0x4000  }
0x65: {  	[sflag:s14] =	ssyncset.done $0x0  }
0x66: {  	s31 =	simm.s32 $0x4C00;
	[sflag:s14] =	ssyncadd.s32 $0xFFFFC000  }
0x67: {  	[spmem:s2] =	stream.indirect.scatter.add.f32 [tilespmem:s11], [sflag:$0x3], $0x10, s31, s9, $0xb8;
	[tilespmem:$0xF800] =	vst v63  }
0x68: {  	_ =	swait.ge [sflag:s5], $0x4000  }
0x69: {  	[sflag:s5] =	ssyncset.done $0x0  }
0x6a: {  	[sflag:s5] =	ssyncadd.s32 $0xFFFFC000  }
0x6b: {  	[bflag:$0x0] =	sbarrier.arrive $0xFFFF  }
0x6c: {  	s1 =	ssub.s32 $0x2, s1;
	s0 =	rddreg [dreg:$0x6]  }
0x6d: {  	[dreg:$0x7] =	wrdreg s0;
	s0 =	sshrl.u32 s1, $0x1  }
0x6e: {  	s0 =	ssub.s32 s1, s0  }
0x6f: {  	s0 =	smax.u32 s0, $0x1  }
0x70: {  	p0 =	sne.s32 s0, $0x1  }
.Ltmp0:
0x71: {  	_ = 	snop;
	(pc) =	sbr.rel @!p0 .LBB2_2-.Ltmp0, $4  }
0x72: {  	_ = 	snop  }
0x73: {  	s1 =	rddreg [dreg:$0x7]  }
0x74: {  	[hbm:s1], [sflag:s4] =	dma.local [spmem:s6], $0x500  }
0x75: {  	s1 =	sadd.s32 $0xFFFFFFFF, s0;
	_ =	swait.ge [sflag:s5], $0x500  }
.LBB2_1:
0x76: {  	[sflag:s5] =	ssyncset.done $0x0  }
0x77: {  	s0 =	rddreg [dreg:$0x3];
	[sflag:s5] =	ssyncadd.s32 $0xFFFFFB00  }
0x78: {  	[spmem:s6], [sflag:s4] =	dma.local [hbm:s0], $0x500  }
0x79: {  	_ =	swait.ge [sflag:s5], $0x500  }
0x7a: {  	[sflag:s5] =	ssyncset.done $0x0  }
0x7b: {  	s0 =	rddreg [dreg:$0x4];
	[sflag:s5] =	ssyncadd.s32 $0xFFFFFB00  }
0x7c: {  	[tilespmem:s3], [sflag:$0x3] =	stream.linear.gather [hbm4b:s0+s3], $0x2800, $0x38;
	[tilespmem:$0xF800] =	vst v63  }
0x7d: {  	_ =	swait.ge [sflag:s5], $0x2800  }
0x7e: {  	[sflag:s5] =	ssyncset.done $0x0  }
0x7f: {  	s0 =	rddreg [dreg:$0x5];
	[sflag:s5] =	ssyncadd.s32 $0xFFFFD800  }
0x80: {  	[tilespmem:s7], [sflag:$0x3] =	stream.linear.gather [hbm4b:s0+s3], $0x2800, $0x38;
	[tilespmem:$0xF800] =	vst v63  }
0x81: {  	_ =	swait.ge [sflag:s5], $0x2800  }
0x82: {  	[sflag:s5] =	ssyncset.done $0x0  }
0x83: {  	[sflag:s5] =	ssyncadd.s32 $0xFFFFD800  }
0x84: {  	[bflag:$0x0] =	sbarrier.arrive $0xFFFF  }
0x85: {  	[tilespmem:s10], [sflag:$0x1] =	stream.indirect.gather [hbm4b:s8+s9], $0x10, s3, s9, $0xb8;
	[tilespmem:$0xF800] =	vst v63  }
0x86: {  	_ = 	snop  }
0x87: {  	[tilespmem:s11], [sflag:$0x2] =	stream.indirect.gather [hbm4b:s8+s9], $0x10, s9, s9, $0xb8;
	[tilespmem:$0xF800] =	vst v63  }
0x88: {  	_ =	swait.ge [sflag:s12], $0x4000  }
0x89: {  	[sflag:s12] =	ssyncset.done $0x0  }
0x8a: {  	[sflag:s12] =	ssyncadd.s32 $0xFFFFC000  }
0x8b: {  	[spmem:s2] =	stream.indirect.scatter.add.f32 [tilespmem:s10], [sflag:$0x3], $0x10, s7, s9, $0xb8;
	[tilespmem:$0xF800] =	vst v63  }
0x8c: {  	_ =	swait.ge [sflag:s5], $0x4000  }
0x8d: {  	[sflag:s5] =	ssyncset.done $0x0  }
0x8e: {  	[sflag:s5] =	ssyncadd.s32 $0xFFFFC000  }
0x8f: {  	[tilespmem:s10], [sflag:$0x1] =	stream.indirect.gather [hbm4b:s8+s9], $0x10, s13, s9, $0xb8;
	[tilespmem:$0xF800] =	vst v63  }
0x90: {  	_ =	swait.ge [sflag:s14], $0x4000  }
0x91: {  	[sflag:s14] =	ssyncset.done $0x0  }
0x92: {  	[sflag:s14] =	ssyncadd.s32 $0xFFFFC000  }
0x93: {  	[spmem:s2] =	stream.indirect.scatter.add.f32 [tilespmem:s11], [sflag:$0x3], $0x10, s15, s9, $0xb8;
	[tilespmem:$0xF800] =	vst v63  }
0x94: {  	_ =	swait.ge [sflag:s5], $0x4000  }
0x95: {  	[sflag:s5] =	ssyncset.done $0x0  }
0x96: {  	[sflag:s5] =	ssyncadd.s32 $0xFFFFC000  }
0x97: {  	[tilespmem:s11], [sflag:$0x2] =	stream.indirect.gather [hbm4b:s8+s9], $0x10, s16, s9, $0xb8;
	[tilespmem:$0xF800] =	vst v63  }
0x98: {  	_ =	swait.ge [sflag:s12], $0x4000  }
0x99: {  	[sflag:s12] =	ssyncset.done $0x0  }
0x9a: {  	[sflag:s12] =	ssyncadd.s32 $0xFFFFC000  }
0x9b: {  	[spmem:s2] =	stream.indirect.scatter.add.f32 [tilespmem:s10], [sflag:$0x3], $0x10, s17, s9, $0xb8;
	[tilespmem:$0xF800] =	vst v63  }
0x9c: {  	_ =	swait.ge [sflag:s5], $0x4000  }
0x9d: {  	[sflag:s5] =	ssyncset.done $0x0  }
0x9e: {  	[sflag:s5] =	ssyncadd.s32 $0xFFFFC000  }
0x9f: {  	[tilespmem:s10], [sflag:$0x1] =	stream.indirect.gather [hbm4b:s8+s9], $0x10, s18, s9, $0xb8;
	[tilespmem:$0xF800] =	vst v63  }
0xa0: {  	_ =	swait.ge [sflag:s14], $0x4000  }
0xa1: {  	[sflag:s14] =	ssyncset.done $0x0  }
0xa2: {  	[sflag:s14] =	ssyncadd.s32 $0xFFFFC000  }
0xa3: {  	[spmem:s2] =	stream.indirect.scatter.add.f32 [tilespmem:s11], [sflag:$0x3], $0x10, s19, s9, $0xb8;
	[tilespmem:$0xF800] =	vst v63  }
0xa4: {  	_ =	swait.ge [sflag:s5], $0x4000  }
0xa5: {  	[sflag:s5] =	ssyncset.done $0x0  }
0xa6: {  	[sflag:s5] =	ssyncadd.s32 $0xFFFFC000  }
0xa7: {  	[tilespmem:s11], [sflag:$0x2] =	stream.indirect.gather [hbm4b:s8+s9], $0x10, s20, s9, $0xb8;
	[tilespmem:$0xF800] =	vst v63  }
0xa8: {  	_ =	swait.ge [sflag:s12], $0x4000  }
0xa9: {  	[sflag:s12] =	ssyncset.done $0x0  }
0xaa: {  	[sflag:s12] =	ssyncadd.s32 $0xFFFFC000  }
0xab: {  	[spmem:s2] =	stream.indirect.scatter.add.f32 [tilespmem:s10], [sflag:$0x3], $0x10, s21, s9, $0xb8;
	[tilespmem:$0xF800] =	vst v63  }
0xac: {  	_ =	swait.ge [sflag:s5], $0x4000  }
0xad: {  	[sflag:s5] =	ssyncset.done $0x0  }
0xae: {  	[sflag:s5] =	ssyncadd.s32 $0xFFFFC000  }
0xaf: {  	[tilespmem:s10], [sflag:$0x1] =	stream.indirect.gather [hbm4b:s8+s9], $0x10, s22, s9, $0xb8;
	[tilespmem:$0xF800] =	vst v63  }
0xb0: {  	_ =	swait.ge [sflag:s14], $0x4000  }
0xb1: {  	[sflag:s14] =	ssyncset.done $0x0  }
0xb2: {  	[sflag:s14] =	ssyncadd.s32 $0xFFFFC000  }
0xb3: {  	[spmem:s2] =	stream.indirect.scatter.add.f32 [tilespmem:s11], [sflag:$0x3], $0x10, s23, s9, $0xb8;
	[tilespmem:$0xF800] =	vst v63  }
0xb4: {  	_ =	swait.ge [sflag:s5], $0x4000  }
0xb5: {  	[sflag:s5] =	ssyncset.done $0x0  }
0xb6: {  	[sflag:s5] =	ssyncadd.s32 $0xFFFFC000  }
0xb7: {  	[tilespmem:s11], [sflag:$0x2] =	stream.indirect.gather [hbm4b:s8+s9], $0x10, s24, s9, $0xb8;
	[tilespmem:$0xF800] =	vst v63  }
0xb8: {  	_ =	swait.ge [sflag:s12], $0x4000  }
0xb9: {  	[sflag:s12] =	ssyncset.done $0x0  }
0xba: {  	[sflag:s12] =	ssyncadd.s32 $0xFFFFC000  }
0xbb: {  	[spmem:s2] =	stream.indirect.scatter.add.f32 [tilespmem:s10], [sflag:$0x3], $0x10, s25, s9, $0xb8;
	[tilespmem:$0xF800] =	vst v63  }
0xbc: {  	_ =	swait.ge [sflag:s5], $0x4000  }
0xbd: {  	[sflag:s5] =	ssyncset.done $0x0  }
0xbe: {  	[sflag:s5] =	ssyncadd.s32 $0xFFFFC000  }
0xbf: {  	[tilespmem:s10], [sflag:$0x1] =	stream.indirect.gather [hbm4b:s8+s9], $0x10, s26, s9, $0xb8;
	[tilespmem:$0xF800] =	vst v63  }
0xc0: {  	_ =	swait.ge [sflag:s14], $0x4000  }
0xc1: {  	[sflag:s14] =	ssyncset.done $0x0  }
0xc2: {  	[sflag:s14] =	ssyncadd.s32 $0xFFFFC000  }
0xc3: {  	[spmem:s2] =	stream.indirect.scatter.add.f32 [tilespmem:s11], [sflag:$0x3], $0x10, s28, s9, $0xb8;
	[tilespmem:$0xF800] =	vst v63  }
0xc4: {  	_ =	swait.ge [sflag:s5], $0x4000  }
0xc5: {  	[sflag:s5] =	ssyncset.done $0x0  }
0xc6: {  	[sflag:s5] =	ssyncadd.s32 $0xFFFFC000  }
0xc7: {  	[tilespmem:s11], [sflag:$0x2] =	stream.indirect.gather [hbm4b:s8+s9], $0x10, s29, s9, $0xb8;
	[tilespmem:$0xF800] =	vst v63  }
0xc8: {  	_ =	swait.ge [sflag:s12], $0x4000  }
0xc9: {  	[sflag:s12] =	ssyncset.done $0x0  }
0xca: {  	[sflag:s12] =	ssyncadd.s32 $0xFFFFC000  }
0xcb: {  	[spmem:s2] =	stream.indirect.scatter.add.f32 [tilespmem:s10], [sflag:$0x3], $0x10, s30, s9, $0xb8;
	[tilespmem:$0xF800] =	vst v63  }
0xcc: {  	_ =	swait.ge [sflag:s5], $0x4000  }
0xcd: {  	[sflag:s5] =	ssyncset.done $0x0  }
0xce: {  	[sflag:s5] =	ssyncadd.s32 $0xFFFFC000  }
0xcf: {  	_ =	swait.ge [sflag:s14], $0x4000  }
0xd0: {  	[sflag:s14] =	ssyncset.done $0x0  }
0xd1: {  	[sflag:s14] =	ssyncadd.s32 $0xFFFFC000  }
0xd2: {  	[spmem:s2] =	stream.indirect.scatter.add.f32 [tilespmem:s11], [sflag:$0x3], $0x10, s31, s9, $0xb8;
	[tilespmem:$0xF800] =	vst v63  }
0xd3: {  	_ =	swait.ge [sflag:s5], $0x4000  }
0xd4: {  	p0 =	sne.s32 s1, $0x1;
	[sflag:s5] =	ssyncset.done $0x0  }
.Ltmp1:
0xd5: {  	[sflag:s5] =	ssyncadd.s32 $0xFFFFC000;
	(pc) =	sbr.rel @p0 .LBB2_1-.Ltmp1, $4  }
0xd6: {  	[bflag:$0x0] =	sbarrier.arrive $0xFFFF  }
0xd7: {  	s0 =	rddreg [dreg:$0x6]  }
0xd8: {  	[hbm:s0], [sflag:s4] =	dma.local [spmem:s6], $0x500  }
0xd9: {  	s1 =	sadd.s32 $0xFFFFFFFF, s1;
	_ =	swait.ge [sflag:s5], $0x500  }
.LBB2_2:
0xda: {  	[sflag:s5] =	ssyncset.done $0x0  }
0xdb: {  	[sflag:s5] =	ssyncadd.s32 $0xFFFFFB00  }
0xdc: {  	_ =	sfence.sel $0x180000  }
0xdd: {  	[bflag:$0x0] =	sbarrier.arrive $0xFFFF  }
0xde: {  	_ =	strace $0x9000004D  }
0xdf: {  	s0 =	stileid.u32;
	[bflag:$0x2] =	sbarrier.arrive $0xFFFF  }
0xe0: {  	p0 =	sne.s32 s0, $0x0;
	s0 =	rddreg [dreg:$0x2]  }
0xe1: {  	s0 =	sadd.s32 @!p0 $0x100000, s0  }
0xe2: {  	[sflag:s0] =	ssyncadd.tile.s32 @!p0 $0x1;
	_ =	shalt  }
.Lfunc_end2:
_tile_overlayer_lowered:
.L_overlay_start_2:
0xe3: {  	(tag) =	ssettag $0x2  }
0xe4: {  	s0 =	rddreg [dreg:$0x0];
	s2 =	stileid.u32  }
0xe5: {  	s1 =	rddreg [dreg:$0x1];
	p0 =	sne.s32 s2, $0x0  }
0xe6: {  	s3 =	rddreg [dreg:$0x2];
	[bflag:$0x3] =	sbarrier.arrive $0xFFFF;
	s2 =	simm.s32 @!p0 $0x1C03  }
0xe7: {  	[timem:s3], [sflag:s2] =	dma.local @!p0 [hbm:s0], s1  }
0xe8: {  	s0 =	simm.s32 @!p0 $0x3  }
0xe9: {  	_ =	swait.ge @!p0 [sflag:s0], s1  }
0xea: {  	s1 =	ssub.s32 @!p0 $0x0, s1;
	[sflag:s0] =	ssyncset.done @!p0 $0x0  }
0xeb: {  	[sflag:s0] =	ssyncadd.s32 @!p0 s1  }
0xec: {  	[bflag:$0x3] =	sbarrier.arrive $0xFFFF  }
0xed: {  	_ =	shalt  }

// kernel: kernel.19.cloned.1.call-start
scs
__scs_entry_jumppad:
0x0: {  	(pc) =	sbr.rel $0x88, $3  }
0x1: {  	(tag) =	ssettag $0x0;
	lr =	simm.s32 $0x1  }
0x2: {  	[smem:$0x3F90] =	sst lr;
	_ =	strace $0xD0000000  }
0x3: {  	_ = 	snop  }
0x4: {  	_ = 	snop  }
0x5: {  	_ = 	snop  }
0x6: {  	_ = 	snop  }
0x7: {  	_ = 	snop  }
__scs_overlays_trampoline_lowered:
0x8: {  	[smem:$0x3F9F] =	sst s0  }
0x9: {  	[smem:$0x3FA0] =	sst s1  }
0xa: {  	[smem:$0x3FA1] =	sst s2  }
0xb: {  	[smem:$0x3FA2] =	sst s3  }
0xc: {  	[smem:$0x3FA3] =	sst s4  }
0xd: {  	[smem:$0x3FA4] =	sst s5  }
0xe: {  	[smem:$0x3FA5] =	sst s6  }
0xf: {  	[smem:$0x3FA6] =	sst s7  }
0x10: {  	[smem:$0x3FA7] =	sst s8  }
0x11: {  	[smem:$0x3FA8] =	sst s9;
	s0 =	simm.s32 @!p0 $0x0  }
0x12: {  	s1 =	sld [smem:$0x3F8E];
	s0 =	simm.s32 @p0 $0x1  }
0x13: {  	[smem:$0x3FA9] =	sst s0;
	s0 =	simm.s32 @!p1 $0x0  }
0x14: {  	s2 =	sld [smem:$0x3F8D];
	s0 =	simm.s32 @p1 $0x1  }
0x15: {  	[smem:$0x3FAA] =	sst s0;
	s0 =	simm.s32 @!p2 $0x0  }
0x16: {  	s3 =	sld [smem:$0x3FDB];
	s0 =	simm.s32 @p2 $0x1  }
0x17: {  	s4 =	simm.s32 $0x1BF5;
	[smem:$0x3FAC] =	sst s0  }
0x18: {  	s0 =	sld [smem:$0x3F8F];
	_ =	swait.ge [sflag:s4], $0x0  }
0x19: {  	s7 =	sld [smem:$0x3F90]  }
0x1a: {  	s8 =	sadd.s32 $0xFFFFE003, lr  }
0x1b: {  	s9 =	sadd.s32 $0xFFFFFEF7, lr;
	s5 =	simm.s32 $0xFFFFFFFF;
	p2 =	slt.u32 s8, $0xFFFFF086  }
0x1c: {  	p1 =	slt.u32 s9, $0xF7A;
	s5 =	simm.s32 @!p2 $0x0  }
0x1d: {  	s5 =	simm.s32 @p1 $0x1;
	p0 =	seq.s32 s7, s2  }
0x1e: {  	s7 =	smul.u32 @!p0 $0xF7A, s2;
	p2 =	seq.s32 @!p0 s5, $0x0  }
0x1f: {  	s9 =	smul.u32 $0xF7A, s1;
	s8 =	simm.s32 @!p0 $0x1BF5;
	p2 =	por !p2, p0  }
0x20: {  	[sflag:s8] =	ssyncset.s32 @!p0 $0xFFFFF086;
	s6 =	sadd.s32 @!p0 s3, s7;
	s7 =	simm.s32 @!p0 $0x108  }
0x21: {  	s3 =	sadd.s32 s3, s9;
	s6 =	sadd.s32 @!p0 $0x88, s6;
	s7 =	simm.s32 @p2 $0x1082  }
0x22: {  	[simem:s7], [sflag:s8] =	dma.local @!p0 [hbm:s6], $0xF7A  }
0x23: {  	s9 =	sor.u32 $0xD0000000, s2;
	s6 =	simm.s32 $0x108;
	_ =	swait.ge @!p0 [sflag:s8], $0x0  }
0x24: {  	s3 =	sadd.s32 $0x88, s3;
	s6 =	simm.s32 @!p1 $0x1082;
	[sflag:s4] =	ssyncset.s32 $0xFFFFF086  }
0x25: {  	[simem:s6], [sflag:s4] =	dma.local [hbm:s3], $0xF7A  }
0x26: {  	[smem:$0x3F90] =	sst s1;
	(tag) =	ssettag s2;
	_ =	strace s9  }
0x27: {  	s1 =	sld [smem:$0x3FA0]  }
0x28: {  	s2 =	sld [smem:$0x3FA1]  }
0x29: {  	s4 =	sld [smem:$0x3FA3]  }
0x2a: {  	p0 =	seq.s32 s5, $0x0;
	s5 =	sld [smem:$0x3FA4]  }
0x2b: {  	s6 =	sld [smem:$0x3FA5]  }
0x2c: {  	s7 =	sld [smem:$0x3FA6]  }
0x2d: {  	s3 =	simm.s32 $0x108;
	s8 =	sld [smem:$0x3FA7]  }
0x2e: {  	s3 =	simm.s32 @!p0 $0x1082;
	s9 =	sld [smem:$0x3FA8]  }
0x2f: {  	lr =	sadd.s32 s0, s3;
	s0 =	sld [smem:$0x3F9F]  }
0x30: {  	s3 =	sld [smem:$0x3FA2]  }
0x31: {  	[smem:$0x3FAB] =	sst s10  }
0x32: {  	s10 =	sld [smem:$0x3FA9];
	_ =	sdelay $0x3  }
0x33: {  	p0 =	seq.s32 s10, $0x1;
	s10 =	sld [smem:$0x3FAB];
	_ =	sdelay $0x3  }
0x34: {  	[smem:$0x3FAB] =	sst s10  }
0x35: {  	s10 =	sld [smem:$0x3FAA];
	_ =	sdelay $0x3  }
0x36: {  	p1 =	seq.s32 s10, $0x1;
	s10 =	sld [smem:$0x3FAB];
	_ =	sdelay $0x3  }
0x37: {  	[smem:$0x3FAB] =	sst s10  }
0x38: {  	s10 =	sld [smem:$0x3FAC]  }
0x39: {  	_ = 	snop;
	(pc) =	sbr.ind lr, $3  }
0x3a: {  	_ = 	snop  }
0x3b: {  	_ = 	snop  }
0x3c: {  	p2 =	seq.s32 s10, $0x1;
	s10 =	sld [smem:$0x3FAB]  }
0x3d: {  	_ =	shalt  }
0x3e: {  	_ =	shalt  }
0x3f: {  	_ =	shalt  }
0x40: {  	_ =	shalt  }
0x41: {  	_ =	shalt  }
0x42: {  	_ =	shalt  }
0x43: {  	_ =	shalt  }
0x44: {  	_ =	shalt  }
0x45: {  	_ =	shalt  }
0x46: {  	_ =	shalt  }
0x47: {  	_ =	shalt  }
0x48: {  	_ =	shalt  }
0x49: {  	_ =	shalt  }
0x4a: {  	_ =	shalt  }
0x4b: {  	_ =	shalt  }
0x4c: {  	_ =	shalt  }
0x4d: {  	_ =	shalt  }
0x4e: {  	_ =	shalt  }
0x4f: {  	_ =	shalt  }
0x50: {  	_ =	shalt  }
0x51: {  	_ =	shalt  }
0x52: {  	_ =	shalt  }
0x53: {  	_ =	shalt  }
0x54: {  	_ =	shalt  }
0x55: {  	_ =	shalt  }
0x56: {  	_ =	shalt  }
0x57: {  	_ =	shalt  }
0x58: {  	_ =	shalt  }
0x59: {  	_ =	shalt  }
0x5a: {  	_ =	shalt  }
0x5b: {  	_ =	shalt  }
0x5c: {  	_ =	shalt  }
0x5d: {  	_ =	shalt  }
0x5e: {  	_ =	shalt  }
0x5f: {  	_ =	shalt  }
0x60: {  	_ =	shalt  }
0x61: {  	_ =	shalt  }
0x62: {  	_ =	shalt  }
0x63: {  	_ =	shalt  }
0x64: {  	_ =	shalt  }
0x65: {  	_ =	shalt  }
0x66: {  	_ =	shalt  }
0x67: {  	_ =	shalt  }
0x68: {  	_ =	shalt  }
0x69: {  	_ =	shalt  }
0x6a: {  	_ =	shalt  }
0x6b: {  	_ =	shalt  }
0x6c: {  	_ =	shalt  }
0x6d: {  	_ =	shalt  }
0x6e: {  	_ =	shalt  }
0x6f: {  	_ =	shalt  }
0x70: {  	_ =	shalt  }
0x71: {  	_ =	shalt  }
0x72: {  	_ =	shalt  }
0x73: {  	_ =	shalt  }
0x74: {  	_ =	shalt  }
0x75: {  	_ =	shalt  }
0x76: {  	_ =	shalt  }
0x77: {  	_ =	shalt  }
0x78: {  	_ =	shalt  }
0x79: {  	_ =	shalt  }
0x7a: {  	_ =	shalt  }
0x7b: {  	_ =	shalt  }
0x7c: {  	_ =	shalt  }
0x7d: {  	_ =	shalt  }
0x7e: {  	_ =	shalt  }
0x7f: {  	_ =	shalt  }
0x80: {  	_ =	shalt  }
0x81: {  	_ =	shalt  }
0x82: {  	_ =	shalt  }
0x83: {  	_ =	shalt  }
0x84: {  	_ =	shalt  }
0x85: {  	_ =	shalt  }
0x86: {  	_ =	shalt  }
0x87: {  	_ =	shalt  }
.Lfunc_end0:
.L_simem_size_0:
called_computation.3_lowered:
.L_overlay_start_0:
0x88: {  	s2 =	sld [smem:$0x3FD9]  }
0x89: {  	s3 =	sld [smem:$0x3FFE];
	_ =	sdelay $0x1  }
0x8a: {  	s1 =	srdreg.scid  }
0x8b: {  	s0 =	sand.u32 $0x1, s1  }
0x8c: {  	s16 =	sshll.u32 s0, $0xA;
	s2 =	sadd.s32 s3, s2  }
0x8d: {  	s2 =	sadd.s32 s2, s16  }
0x8e: {  	[smem:$0x3FB7] =	sst s2  }
0x8f: {  	_ = 	snop  }
0x90: {  	(tm) =	ssettm $0x1  }
0x91: {  	s17 =	sld [smem:$0x3FFB];
	_ =	sdelay $0x3  }
0x92: {  	_ =	strace s17  }
0x93: {  	s2 =	sld [smem:$0x3FFC];
	_ =	sdelay $0x3  }
0x94: {  	_ =	strace s2  }
0x95: {  	s2 =	sld [smem:$0x3FFD];
	_ =	sdelay $0x3  }
0x96: {  	_ =	strace s2  }
0x97: {  	_ =	strace $0x8FFFFFFF  }
0x98: {  	s18 =	sld [smem:$0x3FDB];
	_ =	sdelay $0x1  }
0x99: {  	s19 =	simm.s32 $_scs_section_size  }
0x9a: {  	s4 =	simm.s32 $_size__tile_overlayer_lowered;
	s5 =	simm.s32 $_tile_overlayer_lowered  }
0x9b: {  	s22 =	simm.s32 $0x1BFF;
	s21 =	sshll.u32 s5, $0x1;
	s2 =	sadd.s32 s19, s18  }
0x9c: {  	s6 =	simm.s32 $0x0;
	s20 =	sshll.u32 s4, $0x1;
	s4 =	sadd.s32 s21, s2  }
0x9d: {  	[timem:s6], [sflag:s22] =	dma.local [hbm:s4], s20  }
0x9e: {  	_ =	swait.ge [sflag:s22], s20  }
0x9f: {  	s3 =	ssub.s32 $0x0, s20;
	[sflag:s22] =	ssyncset.done $0x0  }
0xa0: {  	[sflag:s22] =	ssyncadd.s32 s3;
	_ =	sdelay $0x1  }
0xa1: {  	s23 =	simm.s32 $0x1B8B  }
0xa2: {  	_ =	swait.ge [sflag:s23], $0x1  }
0xa3: {  	[sflag:s23] =	ssyncset.done $0x0  }
0xa4: {  	s25 =	simm.s32 $0x1B8E;
	s24 =	sld [smem:$0x3FFE];
	[sflag:s23] =	ssyncadd.s32 $0xFFFFFFFF  }
0xa5: {  	s26 =	simm.s32 $execute0_lowered;
	[smem:$0x3FD2] =	sst s25  }
0xa6: {  	s4 =	sshll.u32 s26, $0x1;
	_ =	strace $0x8000004F;
	[dreg:$0x1] =	wrdreg $0xFFFFFFFF  }
0xa7: {  	s28 =	simm.s32 $_size_execute0_lowered;
	s2 =	sadd.s32 s2, s4;
	[dreg:$0x0] =	wrdreg $0x0  }
0xa8: {  	s4 =	sshll.u32 s28, $0x1;
	[dreg:$0x2] =	wrdreg s2  }
0xa9: {  	[dreg:$0x3] =	wrdreg s4  }
0xaa: {  	[dreg:$0x4] =	wrdreg $0xC0  }
0xab: {  	_ =	task [dreg:s6], $0x5FFFF  }
0xac: {  	[dreg:$0x1] =	wrdreg $0xFFFFFFFF  }
0xad: {  	[dreg:$0x0] =	wrdreg $0x60  }
0xae: {  	[dreg:$0x2] =	wrdreg s24  }
0xaf: {  	[dreg:$0x3] =	wrdreg $0xD0000  }
0xb0: {  	[dreg:$0x4] =	wrdreg $0x9  }
0xb1: {  	_ =	task.clear_ibuf [dreg:s6], $0x5FFFF;
	_ =	strace $0x9000004F  }
0xb2: {  	s29 =	simm.s32 $0x9;
	_ =	strace $0x80000051  }
0xb3: {  	_ =	swait.ge [sflag:s29], $0x1  }
0xb4: {  	[sflag:s29] =	ssyncadd.s32 $0xFFFFFFFF  }
0xb5: {  	_ =	strace $0x90000051  }
0xb6: {  	_ =	sfence  }
0xb7: {  	s30 =	sld [smem:$0x0];
	_ =	sdelay $0x2  }
0xb8: {  	s31 =	sshll.u32 s1, $0xD;
	s1 =	sshrl.u32 s1, $0x2  }
0xb9: {  	s3 =	sand.u32 $0x4000, s31;
	s1 =	sadd.s32 s1, s30  }
0xba: {  	s0 =	sor.u32 s3, s0;
	s1 =	sshll.u32 s1, $0x11  }
0xbb: {  	s0 =	sor.u32 s1, s0  }
0xbc: {  	s0 =	sadd.s32 $0x8F2B, s0  }
0xbd: {  	[sflag:s0] =	ssyncadd.remote.s32 $0x1  }
0xbe: {  	_ =	sfence.sel $0xFFFF  }
0xbf: {  	[dreg:$0x0] =	wrdreg $0xFFFFFFFF;
	(pc) =	sbr.abs _section_cstart, $3  }
0xc0: {  	[dreg:$0x1] =	wrdreg $0xFFFFFFFF  }
0xc1: {  	_ =	task.clear_ibuf [dreg:s6], $0x2FFFF;
	_ =	strace $0x9FFFFFFF  }
0xc2: {  	(tm) =	ssettm $0x7FFFFFFF  }
0xc3: {  	_ =	shalt  }
tec
execute0_lowered:
.L_overlay_start_1:
0x0: {  	(tag) =	ssettag $0x1  }
0x1: {  	s1 =	srdreg.scid  }
0x2: {  	s0 =	stileid.u32;
	s1 =	sand.u32 $0x1, s1  }
0x3: {  	s8 =	rddreg [dreg:$0x0];
	s5 =	smul.u32 $0x2800, s0;
	s4 =	sshll.u32 s1, $0x4  }
0x4: {  	s2 =	rddreg [dreg:$0x1];
	s4 =	sor.u32 s0, s4  }
0x5: {  	s3 =	simm.s32 $0x0;
	s6 =	sshrl.u32 s5, $0x3;
	s4 =	smul.u32 $0x500, s4  }
0x6: {  	[smem:$0x7FF] =	sst s3;
	s24 =	sshll.u32 s0, $0x6;
	s6 =	sadd.s32 s6, s8  }
0x7: {  	_ =	strace $0x80000050;
	s7 =	sadd.s32 $0x6EC00, s6;
	s4 =	sadd.s32 s4, s8  }
0x8: {  	p0 =	seq.s32 s1, $0x1;
	[dreg:$0x3] =	wrdreg s7;
	s9 =	sadd.s32 $0xFC00, s4  }
0x9: {  	s5 =	sadd.s32 s5, s2;
	[dreg:$0x4] =	wrdreg s9;
	s9 =	simm.s32 $0x46C00  }
0xa: {  	s10 =	sadd.s32 $0x4A00, s4;
	s11 =	rddreg [dreg:$0x3];
	s9 =	simm.s32 @!p0 $0x4BC00  }
0xb: {  	s4 =	sor.u32 $0x1C03, s24;
	[dreg:$0x5] =	wrdreg s10;
	s6 =	sadd.s32 s9, s6  }
0xc: {  	[dreg:$0x6] =	wrdreg s6;
	s6 =	sshrl.u32 s5, $0x3;
	s5 =	simm.s32 $0x3  }
0xd: {  	[spmem:s6], [sflag:s4] =	dma.local [hbm:s11], $0x500  }
0xe: {  	_ =	swait.ge [sflag:s5], $0x500  }
0xf: {  	[sflag:s5] =	ssyncset.done $0x0  }
0x10: {  	s25 =	rddreg [dreg:$0x4];
	[sflag:s5] =	ssyncadd.s32 $0xFFFFFB00  }
0x11: {  	[tilespmem:s3], [sflag:$0x3] =	stream.linear.gather [hbm4b:s25+s3], $0x2800, $0x38;
	[tilespmem:$0xF800] =	vst v63  }
0x12: {  	_ =	swait.ge [sflag:s5], $0x2800  }
0x13: {  	[sflag:s5] =	ssyncset.done $0x0  }
0x14: {  	s7 =	simm.s32 $0x2800;
	s26 =	rddreg [dreg:$0x5];
	[sflag:s5] =	ssyncadd.s32 $0xFFFFD800  }
0x15: {  	[tilespmem:s7], [sflag:$0x3] =	stream.linear.gather [hbm4b:s26+s3], $0x2800, $0x38;
	[tilespmem:$0xF800] =	vst v63  }
0x16: {  	_ =	swait.ge [sflag:s5], $0x2800  }
0x17: {  	[sflag:s5] =	ssyncset.done $0x0  }
0x18: {  	s8 =	sadd.s32 $0x41C00, s8;
	[sflag:s5] =	ssyncadd.s32 $0xFFFFD800  }
0x19: {  	s10 =	simm.s32 $0x5000;
	s9 =	simm.s32 $0x400;
	[bflag:$0x0] =	sbarrier.arrive $0xFFFF  }
0x1a: {  	[tilespmem:s10], [sflag:$0x1] =	stream.indirect.gather [hbm4b:s8+s9], $0x10, s3, s9, $0xb8;
	[tilespmem:$0xF800] =	vst v63  }
0x1b: {  	s12 =	simm.s32 $0x1;
	s11 =	simm.s32 $0x9000  }
0x1c: {  	[tilespmem:s11], [sflag:$0x2] =	stream.indirect.gather [hbm4b:s8+s9], $0x10, s9, s9, $0xb8;
	[tilespmem:$0xF800] =	vst v63  }
0x1d: {  	_ =	swait.ge [sflag:s12], $0x4000  }
0x1e: {  	[sflag:s12] =	ssyncset.done $0x0  }
0x1f: {  	[sflag:s12] =	ssyncadd.s32 $0xFFFFC000  }
0x20: {  	[spmem:s2] =	stream.indirect.scatter.add.f32 [tilespmem:s10], [sflag:$0x3], $0x10, s7, s9, $0xb8;
	[tilespmem:$0xF800] =	vst v63  }
0x21: {  	_ =	swait.ge [sflag:s5], $0x4000  }
0x22: {  	[sflag:s5] =	ssyncset.done $0x0  }
0x23: {  	s13 =	simm.s32 $0x800;
	s14 =	simm.s32 $0x2;
	[sflag:s5] =	ssyncadd.s32 $0xFFFFC000  }
0x24: {  	[tilespmem:s10], [sflag:$0x1] =	stream.indirect.gather [hbm4b:s8+s9], $0x10, s13, s9, $0xb8;
	[tilespmem:$0xF800] =	vst v63  }
0x25: {  	_ =	swait.ge [sflag:s14], $0x4000  }
0x26: {  	[sflag:s14] =	ssyncset.done $0x0  }
0x27: {  	s15 =	simm.s32 $0x2C00;
	[sflag:s14] =	ssyncadd.s32 $0xFFFFC000  }
0x28: {  	[spmem:s2] =	stream.indirect.scatter.add.f32 [tilespmem:s11], [sflag:$0x3], $0x10, s15, s9, $0xb8;
	[tilespmem:$0xF800] =	vst v63  }
0x29: {  	_ =	swait.ge [sflag:s5], $0x4000  }
0x2a: {  	[sflag:s5] =	ssyncset.done $0x0  }
0x2b: {  	s16 =	simm.s32 $0xC00;
	[sflag:s5] =	ssyncadd.s32 $0xFFFFC000  }
0x2c: {  	[tilespmem:s11], [sflag:$0x2] =	stream.indirect.gather [hbm4b:s8+s9], $0x10, s16, s9, $0xb8;
	[tilespmem:$0xF800] =	vst v63  }
0x2d: {  	_ =	swait.ge [sflag:s12], $0x4000  }
0x2e: {  	[sflag:s12] =	ssyncset.done $0x0  }
0x2f: {  	s17 =	simm.s32 $0x3000;
	[sflag:s12] =	ssyncadd.s32 $0xFFFFC000  }
0x30: {  	[spmem:s2] =	stream.indirect.scatter.add.f32 [tilespmem:s10], [sflag:$0x3], $0x10, s17, s9, $0xb8;
	[tilespmem:$0xF800] =	vst v63  }
0x31: {  	_ =	swait.ge [sflag:s5], $0x4000  }
0x32: {  	[sflag:s5] =	ssyncset.done $0x0  }
0x33: {  	s18 =	simm.s32 $0x1000;
	[sflag:s5] =	ssyncadd.s32 $0xFFFFC000  }
0x34: {  	[tilespmem:s10], [sflag:$0x1] =	stream.indirect.gather [hbm4b:s8+s9], $0x10, s18, s9, $0xb8;
	[tilespmem:$0xF800] =	vst v63  }
0x35: {  	_ =	swait.ge [sflag:s14], $0x4000  }
0x36: {  	[sflag:s14] =	ssyncset.done $0x0  }
0x37: {  	s19 =	simm.s32 $0x3400;
	[sflag:s14] =	ssyncadd.s32 $0xFFFFC000  }
0x38: {  	[spmem:s2] =	stream.indirect.scatter.add.f32 [tilespmem:s11], [sflag:$0x3], $0x10, s19, s9, $0xb8;
	[tilespmem:$0xF800] =	vst v63  }
0x39: {  	_ =	swait.ge [sflag:s5], $0x4000  }
0x3a: {  	[sflag:s5] =	ssyncset.done $0x0  }
0x3b: {  	s20 =	simm.s32 $0x1400;
	[sflag:s5] =	ssyncadd.s32 $0xFFFFC000  }
0x3c: {  	[tilespmem:s11], [sflag:$0x2] =	stream.indirect.gather [hbm4b:s8+s9], $0x10, s20, s9, $0xb8;
	[tilespmem:$0xF800] =	vst v63  }
0x3d: {  	_ =	swait.ge [sflag:s12], $0x4000  }
0x3e: {  	[sflag:s12] =	ssyncset.done $0x0  }
0x3f: {  	s21 =	simm.s32 $0x3800;
	[sflag:s12] =	ssyncadd.s32 $0xFFFFC000  }
0x40: {  	[spmem:s2] =	stream.indirect.scatter.add.f32 [tilespmem:s10], [sflag:$0x3], $0x10, s21, s9, $0xb8;
	[tilespmem:$0xF800] =	vst v63  }
0x41: {  	_ =	swait.ge [sflag:s5], $0x4000  }
0x42: {  	[sflag:s5] =	ssyncset.done $0x0  }
0x43: {  	s22 =	simm.s32 $0x1800;
	[sflag:s5] =	ssyncadd.s32 $0xFFFFC000  }
0x44: {  	[tilespmem:s10], [sflag:$0x1] =	stream.indirect.gather [hbm4b:s8+s9], $0x10, s22, s9, $0xb8;
	[tilespmem:$0xF800] =	vst v63  }
0x45: {  	_ =	swait.ge [sflag:s14], $0x4000  }
0x46: {  	[sflag:s14] =	ssyncset.done $0x0  }
0x47: {  	s23 =	simm.s32 $0x3C00;
	[sflag:s14] =	ssyncadd.s32 $0xFFFFC000  }
0x48: {  	[spmem:s2] =	stream.indirect.scatter.add.f32 [tilespmem:s11], [sflag:$0x3], $0x10, s23, s9, $0xb8;
	[tilespmem:$0xF800] =	vst v63  }
0x49: {  	_ =	swait.ge [sflag:s5], $0x4000  }
0x4a: {  	[sflag:s5] =	ssyncset.done $0x0  }
0x4b: {  	s24 =	simm.s32 $0x1C00;
	[sflag:s5] =	ssyncadd.s32 $0xFFFFC000  }
0x4c: {  	[tilespmem:s11], [sflag:$0x2] =	stream.indirect.gather [hbm4b:s8+s9], $0x10, s24, s9, $0xb8;
	[tilespmem:$0xF800] =	vst v63  }
0x4d: {  	_ =	swait.ge [sflag:s12], $0x4000  }
0x4e: {  	[sflag:s12] =	ssyncset.done $0x0  }
0x4f: {  	s25 =	simm.s32 $0x4000;
	[sflag:s12] =	ssyncadd.s32 $0xFFFFC000  }
0x50: {  	[spmem:s2] =	stream.indirect.scatter.add.f32 [tilespmem:s10], [sflag:$0x3], $0x10, s25, s9, $0xb8;
	[tilespmem:$0xF800] =	vst v63  }
0x51: {  	_ =	swait.ge [sflag:s5], $0x4000  }
0x52: {  	[sflag:s5] =	ssyncset.done $0x0  }
0x53: {  	s26 =	simm.s32 $0x2000;
	[sflag:s5] =	ssyncadd.s32 $0xFFFFC000  }
0x54: {  	[tilespmem:s10], [sflag:$0x1] =	stream.indirect.gather [hbm4b:s8+s9], $0x10, s26, s9, $0xb8;
	[tilespmem:$0xF800] =	vst v63  }
0x55: {  	_ =	swait.ge [sflag:s14], $0x4000  }
0x56: {  	[sflag:s14] =	ssyncset.done $0x0  }
0x57: {  	s28 =	simm.s32 $0x4400;
	[sflag:s14] =	ssyncadd.s32 $0xFFFFC000  }
0x58: {  	[spmem:s2] =	stream.indirect.scatter.add.f32 [tilespmem:s11], [sflag:$0x3], $0x10, s28, s9, $0xb8;
	[tilespmem:$0xF800] =	vst v63  }
0x59: {  	_ =	swait.ge [sflag:s5], $0x4000  }
0x5a: {  	[sflag:s5] =	ssyncset.done $0x0  }
0x5b: {  	s29 =	simm.s32 $0x2400;
	[sflag:s5] =	ssyncadd.s32 $0xFFFFC000  }
0x5c: {  	[tilespmem:s11], [sflag:$0x2] =	stream.indirect.gather [hbm4b:s8+s9], $0x10, s29, s9, $0xb8;
	[tilespmem:$0xF800] =	vst v63  }
0x5d: {  	_ =	swait.ge [sflag:s12], $0x4000  }
0x5e: {  	[sflag:s12] =	ssyncset.done $0x0  }
0x5f: {  	s30 =	simm.s32 $0x4800;
	[sflag:s12] =	ssyncadd.s32 $0xFFFFC000  }
0x60: {  	[spmem:s2] =	stream.indirect.scatter.add.f32 [tilespmem:s10], [sflag:$0x3], $0x10, s30, s9, $0xb8;
	[tilespmem:$0xF800] =	vst v63  }
0x61: {  	_ =	swait.ge [sflag:s5], $0x4000  }
0x62: {  	[sflag:s5] =	ssyncset.done $0x0  }
0x63: {  	[sflag:s5] =	ssyncadd.s32 $0xFFFFC000  }
0x64: {  	_ =	swait.ge [sflag:s14], $0x4000  }
0x65: {  	[sflag:s14] =	ssyncset.done $0x0  }
0x66: {  	s31 =	simm.s32 $0x4C00;
	[sflag:s14] =	ssyncadd.s32 $0xFFFFC000  }
0x67: {  	[spmem:s2] =	stream.indirect.scatter.add.f32 [tilespmem:s11], [sflag:$0x3], $0x10, s31, s9, $0xb8;
	[tilespmem:$0xF800] =	vst v63  }
0x68: {  	_ =	swait.ge [sflag:s5], $0x4000  }
0x69: {  	[sflag:s5] =	ssyncset.done $0x0  }
0x6a: {  	[sflag:s5] =	ssyncadd.s32 $0xFFFFC000  }
0x6b: {  	[bflag:$0x0] =	sbarrier.arrive $0xFFFF  }
0x6c: {  	s1 =	ssub.s32 $0x2, s1;
	s0 =	rddreg [dreg:$0x6]  }
0x6d: {  	[dreg:$0x7] =	wrdreg s0;
	s0 =	sshrl.u32 s1, $0x1  }
0x6e: {  	s0 =	ssub.s32 s1, s0  }
0x6f: {  	s0 =	smax.u32 s0, $0x1  }
0x70: {  	p0 =	sne.s32 s0, $0x1  }
.Ltmp0:
0x71: {  	_ = 	snop;
	(pc) =	sbr.rel @!p0 .LBB2_2-.Ltmp0, $4  }
0x72: {  	_ = 	snop  }
0x73: {  	s1 =	rddreg [dreg:$0x7]  }
0x74: {  	[hbm:s1], [sflag:s4] =	dma.local [spmem:s6], $0x500  }
0x75: {  	s1 =	sadd.s32 $0xFFFFFFFF, s0;
	_ =	swait.ge [sflag:s5], $0x500  }
.LBB2_1:
0x76: {  	[sflag:s5] =	ssyncset.done $0x0  }
0x77: {  	s0 =	rddreg [dreg:$0x3];
	[sflag:s5] =	ssyncadd.s32 $0xFFFFFB00  }
0x78: {  	[spmem:s6], [sflag:s4] =	dma.local [hbm:s0], $0x500  }
0x79: {  	_ =	swait.ge [sflag:s5], $0x500  }
0x7a: {  	[sflag:s5] =	ssyncset.done $0x0  }
0x7b: {  	s0 =	rddreg [dreg:$0x4];
	[sflag:s5] =	ssyncadd.s32 $0xFFFFFB00  }
0x7c: {  	[tilespmem:s3], [sflag:$0x3] =	stream.linear.gather [hbm4b:s0+s3], $0x2800, $0x38;
	[tilespmem:$0xF800] =	vst v63  }
0x7d: {  	_ =	swait.ge [sflag:s5], $0x2800  }
0x7e: {  	[sflag:s5] =	ssyncset.done $0x0  }
0x7f: {  	s0 =	rddreg [dreg:$0x5];
	[sflag:s5] =	ssyncadd.s32 $0xFFFFD800  }
0x80: {  	[tilespmem:s7], [sflag:$0x3] =	stream.linear.gather [hbm4b:s0+s3], $0x2800, $0x38;
	[tilespmem:$0xF800] =	vst v63  }
0x81: {  	_ =	swait.ge [sflag:s5], $0x2800  }
0x82: {  	[sflag:s5] =	ssyncset.done $0x0  }
0x83: {  	[sflag:s5] =	ssyncadd.s32 $0xFFFFD800  }
0x84: {  	[bflag:$0x0] =	sbarrier.arrive $0xFFFF  }
0x85: {  	[tilespmem:s10], [sflag:$0x1] =	stream.indirect.gather [hbm4b:s8+s9], $0x10, s3, s9, $0xb8;
	[tilespmem:$0xF800] =	vst v63  }
0x86: {  	_ = 	snop  }
0x87: {  	[tilespmem:s11], [sflag:$0x2] =	stream.indirect.gather [hbm4b:s8+s9], $0x10, s9, s9, $0xb8;
	[tilespmem:$0xF800] =	vst v63  }
0x88: {  	_ =	swait.ge [sflag:s12], $0x4000  }
0x89: {  	[sflag:s12] =	ssyncset.done $0x0  }
0x8a: {  	[sflag:s12] =	ssyncadd.s32 $0xFFFFC000  }
0x8b: {  	[spmem:s2] =	stream.indirect.scatter.add.f32 [tilespmem:s10], [sflag:$0x3], $0x10, s7, s9, $0xb8;
	[tilespmem:$0xF800] =	vst v63  }
0x8c: {  	_ =	swait.ge [sflag:s5], $0x4000  }
0x8d: {  	[sflag:s5] =	ssyncset.done $0x0  }
0x8e: {  	[sflag:s5] =	ssyncadd.s32 $0xFFFFC000  }
0x8f: {  	[tilespmem:s10], [sflag:$0x1] =	stream.indirect.gather [hbm4b:s8+s9], $0x10, s13, s9, $0xb8;
	[tilespmem:$0xF800] =	vst v63  }
0x90: {  	_ =	swait.ge [sflag:s14], $0x4000  }
0x91: {  	[sflag:s14] =	ssyncset.done $0x0  }
0x92: {  	[sflag:s14] =	ssyncadd.s32 $0xFFFFC000  }
0x93: {  	[spmem:s2] =	stream.indirect.scatter.add.f32 [tilespmem:s11], [sflag:$0x3], $0x10, s15, s9, $0xb8;
	[tilespmem:$0xF800] =	vst v63  }
0x94: {  	_ =	swait.ge [sflag:s5], $0x4000  }
0x95: {  	[sflag:s5] =	ssyncset.done $0x0  }
0x96: {  	[sflag:s5] =	ssyncadd.s32 $0xFFFFC000  }
0x97: {  	[tilespmem:s11], [sflag:$0x2] =	stream.indirect.gather [hbm4b:s8+s9], $0x10, s16, s9, $0xb8;
	[tilespmem:$0xF800] =	vst v63  }
0x98: {  	_ =	swait.ge [sflag:s12], $0x4000  }
0x99: {  	[sflag:s12] =	ssyncset.done $0x0  }
0x9a: {  	[sflag:s12] =	ssyncadd.s32 $0xFFFFC000  }
0x9b: {  	[spmem:s2] =	stream.indirect.scatter.add.f32 [tilespmem:s10], [sflag:$0x3], $0x10, s17, s9, $0xb8;
	[tilespmem:$0xF800] =	vst v63  }
0x9c: {  	_ =	swait.ge [sflag:s5], $0x4000  }
0x9d: {  	[sflag:s5] =	ssyncset.done $0x0  }
0x9e: {  	[sflag:s5] =	ssyncadd.s32 $0xFFFFC000  }
0x9f: {  	[tilespmem:s10], [sflag:$0x1] =	stream.indirect.gather [hbm4b:s8+s9], $0x10, s18, s9, $0xb8;
	[tilespmem:$0xF800] =	vst v63  }
0xa0: {  	_ =	swait.ge [sflag:s14], $0x4000  }
0xa1: {  	[sflag:s14] =	ssyncset.done $0x0  }
0xa2: {  	[sflag:s14] =	ssyncadd.s32 $0xFFFFC000  }
0xa3: {  	[spmem:s2] =	stream.indirect.scatter.add.f32 [tilespmem:s11], [sflag:$0x3], $0x10, s19, s9, $0xb8;
	[tilespmem:$0xF800] =	vst v63  }
0xa4: {  	_ =	swait.ge [sflag:s5], $0x4000  }
0xa5: {  	[sflag:s5] =	ssyncset.done $0x0  }
0xa6: {  	[sflag:s5] =	ssyncadd.s32 $0xFFFFC000  }
0xa7: {  	[tilespmem:s11], [sflag:$0x2] =	stream.indirect.gather [hbm4b:s8+s9], $0x10, s20, s9, $0xb8;
	[tilespmem:$0xF800] =	vst v63  }
0xa8: {  	_ =	swait.ge [sflag:s12], $0x4000  }
0xa9: {  	[sflag:s12] =	ssyncset.done $0x0  }
0xaa: {  	[sflag:s12] =	ssyncadd.s32 $0xFFFFC000  }
0xab: {  	[spmem:s2] =	stream.indirect.scatter.add.f32 [tilespmem:s10], [sflag:$0x3], $0x10, s21, s9, $0xb8;
	[tilespmem:$0xF800] =	vst v63  }
0xac: {  	_ =	swait.ge [sflag:s5], $0x4000  }
0xad: {  	[sflag:s5] =	ssyncset.done $0x0  }
0xae: {  	[sflag:s5] =	ssyncadd.s32 $0xFFFFC000  }
0xaf: {  	[tilespmem:s10], [sflag:$0x1] =	stream.indirect.gather [hbm4b:s8+s9], $0x10, s22, s9, $0xb8;
	[tilespmem:$0xF800] =	vst v63  }
0xb0: {  	_ =	swait.ge [sflag:s14], $0x4000  }
0xb1: {  	[sflag:s14] =	ssyncset.done $0x0  }
0xb2: {  	[sflag:s14] =	ssyncadd.s32 $0xFFFFC000  }
0xb3: {  	[spmem:s2] =	stream.indirect.scatter.add.f32 [tilespmem:s11], [sflag:$0x3], $0x10, s23, s9, $0xb8;
	[tilespmem:$0xF800] =	vst v63  }
0xb4: {  	_ =	swait.ge [sflag:s5], $0x4000  }
0xb5: {  	[sflag:s5] =	ssyncset.done $0x0  }
0xb6: {  	[sflag:s5] =	ssyncadd.s32 $0xFFFFC000  }
0xb7: {  	[tilespmem:s11], [sflag:$0x2] =	stream.indirect.gather [hbm4b:s8+s9], $0x10, s24, s9, $0xb8;
	[tilespmem:$0xF800] =	vst v63  }
0xb8: {  	_ =	swait.ge [sflag:s12], $0x4000  }
0xb9: {  	[sflag:s12] =	ssyncset.done $0x0  }
0xba: {  	[sflag:s12] =	ssyncadd.s32 $0xFFFFC000  }
0xbb: {  	[spmem:s2] =	stream.indirect.scatter.add.f32 [tilespmem:s10], [sflag:$0x3], $0x10, s25, s9, $0xb8;
	[tilespmem:$0xF800] =	vst v63  }
0xbc: {  	_ =	swait.ge [sflag:s5], $0x4000  }
0xbd: {  	[sflag:s5] =	ssyncset.done $0x0  }
0xbe: {  	[sflag:s5] =	ssyncadd.s32 $0xFFFFC000  }
0xbf: {  	[tilespmem:s10], [sflag:$0x1] =	stream.indirect.gather [hbm4b:s8+s9], $0x10, s26, s9, $0xb8;
	[tilespmem:$0xF800] =	vst v63  }
0xc0: {  	_ =	swait.ge [sflag:s14], $0x4000  }
0xc1: {  	[sflag:s14] =	ssyncset.done $0x0  }
0xc2: {  	[sflag:s14] =	ssyncadd.s32 $0xFFFFC000  }
0xc3: {  	[spmem:s2] =	stream.indirect.scatter.add.f32 [tilespmem:s11], [sflag:$0x3], $0x10, s28, s9, $0xb8;
	[tilespmem:$0xF800] =	vst v63  }
0xc4: {  	_ =	swait.ge [sflag:s5], $0x4000  }
0xc5: {  	[sflag:s5] =	ssyncset.done $0x0  }
0xc6: {  	[sflag:s5] =	ssyncadd.s32 $0xFFFFC000  }
0xc7: {  	[tilespmem:s11], [sflag:$0x2] =	stream.indirect.gather [hbm4b:s8+s9], $0x10, s29, s9, $0xb8;
	[tilespmem:$0xF800] =	vst v63  }
0xc8: {  	_ =	swait.ge [sflag:s12], $0x4000  }
0xc9: {  	[sflag:s12] =	ssyncset.done $0x0  }
0xca: {  	[sflag:s12] =	ssyncadd.s32 $0xFFFFC000  }
0xcb: {  	[spmem:s2] =	stream.indirect.scatter.add.f32 [tilespmem:s10], [sflag:$0x3], $0x10, s30, s9, $0xb8;
	[tilespmem:$0xF800] =	vst v63  }
0xcc: {  	_ =	swait.ge [sflag:s5], $0x4000  }
0xcd: {  	[sflag:s5] =	ssyncset.done $0x0  }
0xce: {  	[sflag:s5] =	ssyncadd.s32 $0xFFFFC000  }
0xcf: {  	_ =	swait.ge [sflag:s14], $0x4000  }
0xd0: {  	[sflag:s14] =	ssyncset.done $0x0  }
0xd1: {  	[sflag:s14] =	ssyncadd.s32 $0xFFFFC000  }
0xd2: {  	[spmem:s2] =	stream.indirect.scatter.add.f32 [tilespmem:s11], [sflag:$0x3], $0x10, s31, s9, $0xb8;
	[tilespmem:$0xF800] =	vst v63  }
0xd3: {  	_ =	swait.ge [sflag:s5], $0x4000  }
0xd4: {  	p0 =	sne.s32 s1, $0x1;
	[sflag:s5] =	ssyncset.done $0x0  }
.Ltmp1:
0xd5: {  	[sflag:s5] =	ssyncadd.s32 $0xFFFFC000;
	(pc) =	sbr.rel @p0 .LBB2_1-.Ltmp1, $4  }
0xd6: {  	[bflag:$0x0] =	sbarrier.arrive $0xFFFF  }
0xd7: {  	s0 =	rddreg [dreg:$0x6]  }
0xd8: {  	[hbm:s0], [sflag:s4] =	dma.local [spmem:s6], $0x500  }
0xd9: {  	s1 =	sadd.s32 $0xFFFFFFFF, s1;
	_ =	swait.ge [sflag:s5], $0x500  }
.LBB2_2:
0xda: {  	[sflag:s5] =	ssyncset.done $0x0  }
0xdb: {  	[sflag:s5] =	ssyncadd.s32 $0xFFFFFB00  }
0xdc: {  	_ =	sfence.sel $0x180000  }
0xdd: {  	[bflag:$0x0] =	sbarrier.arrive $0xFFFF  }
0xde: {  	_ =	strace $0x90000050  }
0xdf: {  	s0 =	stileid.u32;
	[bflag:$0x2] =	sbarrier.arrive $0xFFFF  }
0xe0: {  	p0 =	sne.s32 s0, $0x0;
	s0 =	rddreg [dreg:$0x2]  }
0xe1: {  	s0 =	sadd.s32 @!p0 $0x100000, s0  }
0xe2: {  	[sflag:s0] =	ssyncadd.tile.s32 @!p0 $0x1;
	_ =	shalt  }
.Lfunc_end2:
_tile_overlayer_lowered:
.L_overlay_start_2:
0xe3: {  	(tag) =	ssettag $0x2  }
0xe4: {  	s0 =	rddreg [dreg:$0x0];
	s2 =	stileid.u32  }
0xe5: {  	s1 =	rddreg [dreg:$0x1];
	p0 =	sne.s32 s2, $0x0  }
0xe6: {  	s3 =	rddreg [dreg:$0x2];
	[bflag:$0x3] =	sbarrier.arrive $0xFFFF;
	s2 =	simm.s32 @!p0 $0x1C03  }
0xe7: {  	[timem:s3], [sflag:s2] =	dma.local @!p0 [hbm:s0], s1  }
0xe8: {  	s0 =	simm.s32 @!p0 $0x3  }
0xe9: {  	_ =	swait.ge @!p0 [sflag:s0], s1  }
0xea: {  	s1 =	ssub.s32 @!p0 $0x0, s1;
	[sflag:s0] =	ssyncset.done @!p0 $0x0  }
0xeb: {  	[sflag:s0] =	ssyncadd.s32 @!p0 s1  }
0xec: {  	[bflag:$0x3] =	sbarrier.arrive $0xFFFF  }
0xed: {  	_ =	shalt  }

</sc_bundles>
